<compile_context>
chip_gen: v7x
topology: tpu7x:2x2x1
jax: 0.10.2.dev20260603
libtpu: 0.0.44.dev20260713+nightly
codegen_flags: <defaults>
</compile_context>

<pallas_src>
import functools

import jax
import jax.numpy as jnp
from jax import lax
from jax.experimental import pallas as pl
from jax.experimental.pallas import tpu as pltpu
from jax.experimental.pallas import tpu_sc as plsc

N_NODES = 10000
N_PAD = 10240
N_EDGES = 320000
D = 128

NC, NS = 2, 16
NW = NC * NS
E_SHARD = 10240
E_PAD = NW * E_SHARD
CH = 80
NCHUNK = E_SHARD // CH
ROWS_T = N_PAD // NS
ZR = 80

_MESH = plsc.VectorSubcoreMesh(
    core_axis_name="c", subcore_axis_name="s", num_cores=NC, num_subcores=NS)



@functools.partial(
    pl.kernel,
    out_type=jax.ShapeDtypeStruct((NC * N_PAD,), jnp.float32),
    mesh=_MESH,
    scratch_types=[
        pltpu.VMEM((E_SHARD,), jnp.int32),
        pltpu.VMEM((CH,), jnp.float32),
        pltpu.VMEM((ROWS_T,), jnp.float32),
        pltpu.VMEM_SHARED((N_PAD,), jnp.float32),
        pltpu.SemaphoreType.DMA,
    ],
)
def _sc_degree(dst_hbm, out_hbm, dsti, onesv, zerov, hist, sem):
    c = lax.axis_index("c")
    s = lax.axis_index("s")
    shard_base = (s * NC + c) * E_SHARD
    row0 = s * ROWS_T
    pltpu.sync_copy(dst_hbm.at[pl.ds(shard_base, E_SHARD)], dsti)
    for k in range(CH // 16):
        onesv[pl.ds(k * 16, 16)] = jnp.ones((16,), jnp.float32)
    for k in range(ROWS_T // 16):
        zerov[pl.ds(k * 16, 16)] = jnp.zeros((16,), jnp.float32)
    pltpu.sync_copy(zerov, hist.at[pl.ds(row0, ROWS_T)])
    plsc.subcore_barrier()

    def body(j, carry):
        pltpu.sync_copy(onesv, hist.at[dsti.at[pl.ds(j * CH, CH)]], add=True)
        return carry

    lax.fori_loop(0, NCHUNK, body, 0)
    plsc.subcore_barrier()
    pltpu.sync_copy(hist.at[pl.ds(row0, ROWS_T)], zerov)
    pltpu.sync_copy(zerov, out_hbm.at[pl.ds(c * N_PAD + row0, ROWS_T)])


@functools.partial(
    pl.kernel,
    out_type=jax.ShapeDtypeStruct((NC * N_PAD, D), jnp.float32),
    mesh=_MESH,
    scratch_types=[
        pltpu.VMEM((E_SHARD,), jnp.int32),
        pltpu.VMEM((E_SHARD,), jnp.int32),
        pltpu.VMEM((CH, D), jnp.float32),
        pltpu.VMEM((CH, D), jnp.float32),
        pltpu.VMEM_SHARED((N_PAD, D), jnp.float32),
        pltpu.SemaphoreType.DMA,
        pltpu.SemaphoreType.DMA,
    ],
)
def _sc_aggregate(y_hbm, src_hbm, dst_hbm, zeros_hbm, out_hbm, srci, dsti,
                  rows0, rows1, acc, sem0, sem1):
    c = lax.axis_index("c")
    s = lax.axis_index("s")
    shard_base = (s * NC + c) * E_SHARD
    row0 = s * ROWS_T
    pltpu.sync_copy(src_hbm.at[pl.ds(shard_base, E_SHARD)], srci)
    pltpu.sync_copy(dst_hbm.at[pl.ds(shard_base, E_SHARD)], dsti)
    pltpu.sync_copy(zeros_hbm, rows1)
    for k in range(ROWS_T // ZR):
        pltpu.sync_copy(rows1, acc.at[pl.ds(row0 + k * ZR, ZR)])
    plsc.subcore_barrier()

    def gather(j, buf, sem):
        pltpu.async_copy(y_hbm.at[srci.at[pl.ds(j * CH, CH)]], buf, sem)

    def gather_wait(j, buf, sem):
        pltpu.make_async_copy(
            y_hbm.at[srci.at[pl.ds(j * CH, CH)]], buf, sem).wait()

    def scatter(j, buf):
        pltpu.sync_copy(buf, acc.at[dsti.at[pl.ds(j * CH, CH)]], add=True)

    gather(0, rows0, sem0)
    gather(1, rows1, sem1)

    def pair(jj, carry):
        j0 = jj * 2
        gather_wait(j0, rows0, sem0)
        scatter(j0, rows0)

        @pl.when(j0 + 2 < NCHUNK)
        def _():
            gather(j0 + 2, rows0, sem0)

        j1 = j0 + 1
        gather_wait(j1, rows1, sem1)
        scatter(j1, rows1)

        @pl.when(j1 + 2 < NCHUNK)
        def _():
            gather(j1 + 2, rows1, sem1)

        return carry

    lax.fori_loop(0, NCHUNK // 2, pair, 0)
    plsc.subcore_barrier()
    with jax.named_scope("agg_dump"):
        for k in range(ROWS_T // ZR):
            pltpu.sync_copy(acc.at[pl.ds(row0 + k * ZR, ZR)], rows0)
            pltpu.sync_copy(
                rows0, out_hbm.at[pl.ds(c * N_PAD + row0 + k * ZR, ZR)])



_BR = 400
_GRID = N_NODES // _BR


def _dis(degp_ref):
    seg = degp_ref[...]
    return lax.rsqrt(seg[:, 0] + seg[:, 1] + 1.0)


def _tc_y1_body(x_ref, w_ref, degp_ref, o_ref):
    dis = _dis(degp_ref)
    xw = jnp.dot(x_ref[...], w_ref[...], preferred_element_type=jnp.float32)
    o_ref[...] = xw * dis[:, None]


def _tc_mid_body(a0_ref, a1_ref, y_ref, degp_ref, b_ref, w_ref, o_ref):
    dis = _dis(degp_ref)
    h = jax.nn.relu(dis[:, None] * (a0_ref[...] + a1_ref[...] + y_ref[...])
                    + b_ref[...])
    o_ref[...] = jnp.dot(h, w_ref[...],
                         preferred_element_type=jnp.float32) * dis[:, None]


def _tc_out_body(a0_ref, a1_ref, y_ref, degp_ref, b_ref, o_ref):
    dis = _dis(degp_ref)
    o_ref[...] = jax.nn.relu(
        dis[:, None] * (a0_ref[...] + a1_ref[...] + y_ref[...]) + b_ref[...])


_ROWB = pl.BlockSpec((_BR, D), lambda i: (i, 0))
_DEGB = pl.BlockSpec((_BR, NC), lambda i: (i, 0))
_WB = pl.BlockSpec((D, D), lambda i: (0, 0))
_BB = pl.BlockSpec((1, D), lambda i: (0, 0))
_OUT = jax.ShapeDtypeStruct((N_NODES, D), jnp.float32)


def _tc_y1(x, w1, degp):
    return pl.pallas_call(
        _tc_y1_body, grid=(_GRID,),
        in_specs=[_ROWB, _WB, _DEGB], out_specs=_ROWB, out_shape=_OUT,
    )(x, w1, degp)


def _tc_mid(a0, a1, y, degp, b, w2):
    return pl.pallas_call(
        _tc_mid_body, grid=(_GRID,),
        in_specs=[_ROWB, _ROWB, _ROWB, _DEGB, _BB, _WB], out_specs=_ROWB,
        out_shape=_OUT,
    )(a0, a1, y, degp, b, w2)


def _tc_out(a0, a1, y, degp, b):
    return pl.pallas_call(
        _tc_out_body, grid=(_GRID,),
        in_specs=[_ROWB, _ROWB, _ROWB, _DEGB, _BB], out_specs=_ROWB,
        out_shape=_OUT,
    )(a0, a1, y, degp, b)



def kernel(x, edge_index, W1, b1, W2, b2):
    ei = edge_index.astype(jnp.int32)
    pad = E_PAD - N_EDGES
    idx = jnp.arange(pad, dtype=jnp.int32)
    src = jnp.concatenate([ei[0], idx % N_NODES])
    dst = jnp.concatenate([ei[1], N_NODES + idx % (N_PAD - N_NODES)])
    zeros128 = jnp.zeros((ZR, D), jnp.float32)
    b1r = b1.reshape(1, D)
    b2r = b2.reshape(1, D)

    degp = _sc_degree(dst).reshape(NC, N_PAD).T
    y1 = _tc_y1(x, W1, degp)

    aggp1 = _sc_aggregate(y1, src, dst, zeros128)
    y2 = _tc_mid(aggp1[:N_PAD], aggp1[N_PAD:], y1, degp, b1r, W2)

    aggp2 = _sc_aggregate(y2, src, dst, zeros128)
    return _tc_out(aggp2[:N_PAD], aggp2[N_PAD:], y2, degp, b2r)

# --- scband reference (transcript-rebuilt; emitter-appended) ---
"""Pipeline reference for scband-encoder-3745211482435 (READ-ONLY COPY).

The authoritative reference and input builder live on the scoring server;
editing this copy changes nothing except your own understanding.
"""

import jax, jax.numpy as jnp
import numpy as np

N_NODES = 10000
N_EDGES = 320000
NFEAT = 128
NHID = 128


def setup_inputs(seed: int = 0) -> dict:
    key = jax.random.key(seed)
    k1, k2, k3, k4, k5, k6 = jax.random.split(key, 6)
    x = jax.random.normal(k1, (N_NODES, NFEAT), dtype=jnp.float32)
    edge_index = jax.random.randint(k2, (2, N_EDGES), 0, N_NODES, dtype=jnp.int64)
    # GCNConv params: glorot-style weight + zero-init bias (PyG default)
    s1 = (6.0 / (NFEAT + NHID)) ** 0.5
    W1 = jax.random.uniform(k3, (NFEAT, NHID), dtype=jnp.float32, minval=-s1, maxval=s1)
    b1 = jnp.zeros((NHID,), dtype=jnp.float32)
    s2 = (6.0 / (NHID + NHID)) ** 0.5
    W2 = jax.random.uniform(k4, (NHID, NHID), dtype=jnp.float32, minval=-s2, maxval=s2)
    b2 = jnp.zeros((NHID,), dtype=jnp.float32)
    return {"x": x, "edge_index": edge_index, "W1": W1, "b1": b1, "W2": W2, "b2": b2}


def _gcn_conv(x, edge_index, W, b):
    # Faithful PyG GCNConv: add self-loops, symmetric norm, linear, scatter-add aggregate, bias
    N = x.shape[0]
    loop = jnp.arange(N, dtype=edge_index.dtype)
    src = jnp.concatenate([edge_index[0], loop])
    dst = jnp.concatenate([edge_index[1], loop])
    ones = jnp.ones(src.shape[0], dtype=x.dtype)
    deg = jnp.zeros((N,), dtype=x.dtype).at[dst].add(ones)
    deg_inv_sqrt = jnp.where(deg > 0, 1.0 / jnp.sqrt(deg), 0.0)
    norm = deg_inv_sqrt[src] * deg_inv_sqrt[dst]
    xw = x @ W
    msg = xw[src] * norm[:, None]
    out = jnp.zeros((N, W.shape[1]), dtype=x.dtype).at[dst].add(msg)
    return out + b


def reference(x, edge_index, W1, b1, W2, b2):
    # Encoder.forward: x1 = relu(gc1(x, ei)); dropout(p=0.0, eval) = identity; x2 = relu(gc2(x1, ei))
    x1 = jax.nn.relu(_gcn_conv(x, edge_index, W1, b1))
    x2 = jax.nn.relu(_gcn_conv(x1, edge_index, W2, b2))
    return x2

if __name__ == "__main__":
    import jax
    _d = setup_inputs()
    print(jax.jit(kernel)(*tuple(_d.values())))

</pallas_src>

<mosaic_0001>
#map = affine_map<(d0, d1) -> (0, 0)>
#map1 = affine_map<(d0, d1) -> (0)>
module attributes {stable_mosaic.version = 14 : i64} {
  func.func @_sc_aggregate(%arg0: i32, %arg1: i32, %arg2: memref<10000x128xf32, #tpu.memory_space<hbm>>, %arg3: memref<327680xi32, #tpu.memory_space<hbm>>, %arg4: memref<327680xi32, #tpu.memory_space<hbm>>, %arg5: memref<80x128xf32, #tpu.memory_space<hbm>>, %arg6: memref<20480x128xf32, #tpu.memory_space<hbm>>, %arg7: memref<10240xi32, #tpu.memory_space<vmem>>, %arg8: memref<10240xi32, #tpu.memory_space<vmem>>, %arg9: memref<80x128xf32, #tpu.memory_space<vmem>>, %arg10: memref<80x128xf32, #tpu.memory_space<vmem>>, %arg11: memref<10240x128xf32, #tpu.memory_space<vmem_shared>>, %arg12: memref<!tpu.dma_semaphore, #tpu.memory_space<semaphore_mem>>, %arg13: memref<!tpu.dma_semaphore, #tpu.memory_space<semaphore_mem>>) attributes {dimension_semantics = [#tpu.dimension_semantics<core_parallel>, #tpu.dimension_semantics<subcore_parallel>], iteration_bounds = array<i64: 2, 16>, scalar_prefetch = 0 : i64, scratch_operands = 7 : i64, tpu.core_type = #tpu.core_type<sc_vector_subcore>, window_params = [{transform_indices = #map}, {transform_indices = #map1}, {transform_indices = #map1}, {transform_indices = #map}, {transform_indices = #map}]} {
    %mul3A = arith.constant 2 : i32
    %mul3A_0 = arith.muli %arg1, %mul3A : i32
    %add3A = arith.addi %mul3A_0, %arg0 : i32
    %mul3A_1 = arith.constant 10240 : i32
    %mul3A_2 = arith.muli %add3A, %mul3A_1 : i32
    %mul3A_3 = arith.constant 640 : i32
    %mul3A_4 = arith.muli %arg1, %mul3A_3 : i32
    "tpu.region"() ({
      %run_scoped3A = tpu.sem_alloc : memref<!tpu.dma_semaphore, #tpu.memory_space<semaphore_mem>>
      %dma_start3A_92 = tpu.memref_slice %arg3[%mul3A_2] : memref<327680xi32, #tpu.memory_space<hbm>> -> memref<10240xi32, #tpu.memory_space<hbm>>
      %dma_start3A_93 = tpu.memref_slice %arg3[%mul3A_2] : memref<327680xi32, #tpu.memory_space<hbm>> -> memref<10240xi32, #tpu.memory_space<hbm>>
      tpu.enqueue_dma source(%dma_start3A_93 : memref<10240xi32, #tpu.memory_space<hbm>>) target(%arg7 : memref<10240xi32, #tpu.memory_space<vmem>>) target_semaphore(%run_scoped3A : memref<!tpu.dma_semaphore, #tpu.memory_space<semaphore_mem>>)
      %dma_wait3A = tpu.memref_slice %arg3[%mul3A_2] : memref<327680xi32, #tpu.memory_space<hbm>> -> memref<10240xi32, #tpu.memory_space<hbm>>
      %dma_wait3A_94 = tpu.memref_slice %arg3[%mul3A_2] : memref<327680xi32, #tpu.memory_space<hbm>> -> memref<10240xi32, #tpu.memory_space<hbm>>
      tpu.wait_dma2 semaphore(%run_scoped3A : memref<!tpu.dma_semaphore, #tpu.memory_space<semaphore_mem>>) src(%dma_wait3A_94 : memref<10240xi32, #tpu.memory_space<hbm>>) dst(%arg7 : memref<10240xi32, #tpu.memory_space<vmem>>)
      tpu.yield
    }) : () -> ()
    "tpu.region"() ({
      %run_scoped3A = tpu.sem_alloc : memref<!tpu.dma_semaphore, #tpu.memory_space<semaphore_mem>>
      %dma_start3A_92 = tpu.memref_slice %arg4[%mul3A_2] : memref<327680xi32, #tpu.memory_space<hbm>> -> memref<10240xi32, #tpu.memory_space<hbm>>
      %dma_start3A_93 = tpu.memref_slice %arg4[%mul3A_2] : memref<327680xi32, #tpu.memory_space<hbm>> -> memref<10240xi32, #tpu.memory_space<hbm>>
      tpu.enqueue_dma source(%dma_start3A_93 : memref<10240xi32, #tpu.memory_space<hbm>>) target(%arg8 : memref<10240xi32, #tpu.memory_space<vmem>>) target_semaphore(%run_scoped3A : memref<!tpu.dma_semaphore, #tpu.memory_space<semaphore_mem>>)
      %dma_wait3A = tpu.memref_slice %arg4[%mul3A_2] : memref<327680xi32, #tpu.memory_space<hbm>> -> memref<10240xi32, #tpu.memory_space<hbm>>
      %dma_wait3A_94 = tpu.memref_slice %arg4[%mul3A_2] : memref<327680xi32, #tpu.memory_space<hbm>> -> memref<10240xi32, #tpu.memory_space<hbm>>
      tpu.wait_dma2 semaphore(%run_scoped3A : memref<!tpu.dma_semaphore, #tpu.memory_space<semaphore_mem>>) src(%dma_wait3A_94 : memref<10240xi32, #tpu.memory_space<hbm>>) dst(%arg8 : memref<10240xi32, #tpu.memory_space<vmem>>)
      tpu.yield
    }) : () -> ()
    "tpu.region"() ({
      %run_scoped3A = tpu.sem_alloc : memref<!tpu.dma_semaphore, #tpu.memory_space<semaphore_mem>>
      tpu.enqueue_dma source(%arg5 : memref<80x128xf32, #tpu.memory_space<hbm>>) target(%arg10 : memref<80x128xf32, #tpu.memory_space<vmem>>) target_semaphore(%run_scoped3A : memref<!tpu.dma_semaphore, #tpu.memory_space<semaphore_mem>>)
      tpu.wait_dma2 semaphore(%run_scoped3A : memref<!tpu.dma_semaphore, #tpu.memory_space<semaphore_mem>>) src(%arg5 : memref<80x128xf32, #tpu.memory_space<hbm>>) dst(%arg10 : memref<80x128xf32, #tpu.memory_space<vmem>>)
      tpu.yield
    }) : () -> ()
    %add3A_5 = arith.constant 0 : i32
    %add3A_6 = arith.addi %mul3A_4, %add3A_5 : i32
    "tpu.region"() ({
      %run_scoped3A = tpu.sem_alloc : memref<!tpu.dma_semaphore, #tpu.memory_space<semaphore_mem>>
      %dma_start3A_92 = arith.constant 0 : i32
      %dma_start3A_93 = tpu.memref_slice %arg11[%add3A_6, %dma_start3A_92] : memref<10240x128xf32, #tpu.memory_space<vmem_shared>> -> memref<80x128xf32, #tpu.memory_space<vmem_shared>>
      %dma_start3A_94 = arith.constant 0 : i32
      %dma_start3A_95 = tpu.memref_slice %arg11[%add3A_6, %dma_start3A_94] : memref<10240x128xf32, #tpu.memory_space<vmem_shared>> -> memref<80x128xf32, #tpu.memory_space<vmem_shared>>
      tpu.enqueue_dma source(%arg10 : memref<80x128xf32, #tpu.memory_space<vmem>>) target(%dma_start3A_95 : memref<80x128xf32, #tpu.memory_space<vmem_shared>>) target_semaphore(%run_scoped3A : memref<!tpu.dma_semaphore, #tpu.memory_space<semaphore_mem>>)
      %dma_wait3A = arith.constant 0 : i32
      %dma_wait3A_96 = tpu.memref_slice %arg11[%add3A_6, %dma_wait3A] : memref<10240x128xf32, #tpu.memory_space<vmem_shared>> -> memref<80x128xf32, #tpu.memory_space<vmem_shared>>
      %dma_wait3A_97 = arith.constant 0 : i32
      %dma_wait3A_98 = tpu.memref_slice %arg11[%add3A_6, %dma_wait3A_97] : memref<10240x128xf32, #tpu.memory_space<vmem_shared>> -> memref<80x128xf32, #tpu.memory_space<vmem_shared>>
      tpu.wait_dma2 semaphore(%run_scoped3A : memref<!tpu.dma_semaphore, #tpu.memory_space<semaphore_mem>>) src(%arg10 : memref<80x128xf32, #tpu.memory_space<vmem>>) dst(%dma_wait3A_98 : memref<80x128xf32, #tpu.memory_space<vmem_shared>>)
      tpu.yield
    }) : () -> ()
    %add3A_7 = arith.constant 80 : i32
    %add3A_8 = arith.addi %mul3A_4, %add3A_7 : i32
    "tpu.region"() ({
      %run_scoped3A = tpu.sem_alloc : memref<!tpu.dma_semaphore, #tpu.memory_space<semaphore_mem>>
      %dma_start3A_92 = arith.constant 0 : i32
      %dma_start3A_93 = tpu.memref_slice %arg11[%add3A_8, %dma_start3A_92] : memref<10240x128xf32, #tpu.memory_space<vmem_shared>> -> memref<80x128xf32, #tpu.memory_space<vmem_shared>>
      %dma_start3A_94 = arith.constant 0 : i32
      %dma_start3A_95 = tpu.memref_slice %arg11[%add3A_8, %dma_start3A_94] : memref<10240x128xf32, #tpu.memory_space<vmem_shared>> -> memref<80x128xf32, #tpu.memory_space<vmem_shared>>
      tpu.enqueue_dma source(%arg10 : memref<80x128xf32, #tpu.memory_space<vmem>>) target(%dma_start3A_95 : memref<80x128xf32, #tpu.memory_space<vmem_shared>>) target_semaphore(%run_scoped3A : memref<!tpu.dma_semaphore, #tpu.memory_space<semaphore_mem>>)
      %dma_wait3A = arith.constant 0 : i32
      %dma_wait3A_96 = tpu.memref_slice %arg11[%add3A_8, %dma_wait3A] : memref<10240x128xf32, #tpu.memory_space<vmem_shared>> -> memref<80x128xf32, #tpu.memory_space<vmem_shared>>
      %dma_wait3A_97 = arith.constant 0 : i32
      %dma_wait3A_98 = tpu.memref_slice %arg11[%add3A_8, %dma_wait3A_97] : memref<10240x128xf32, #tpu.memory_space<vmem_shared>> -> memref<80x128xf32, #tpu.memory_space<vmem_shared>>
      tpu.wait_dma2 semaphore(%run_scoped3A : memref<!tpu.dma_semaphore, #tpu.memory_space<semaphore_mem>>) src(%arg10 : memref<80x128xf32, #tpu.memory_space<vmem>>) dst(%dma_wait3A_98 : memref<80x128xf32, #tpu.memory_space<vmem_shared>>)
      tpu.yield
    }) : () -> ()
    %add3A_9 = arith.constant 160 : i32
    %add3A_10 = arith.addi %mul3A_4, %add3A_9 : i32
    "tpu.region"() ({
      %run_scoped3A = tpu.sem_alloc : memref<!tpu.dma_semaphore, #tpu.memory_space<semaphore_mem>>
      %dma_start3A_92 = arith.constant 0 : i32
      %dma_start3A_93 = tpu.memref_slice %arg11[%add3A_10, %dma_start3A_92] : memref<10240x128xf32, #tpu.memory_space<vmem_shared>> -> memref<80x128xf32, #tpu.memory_space<vmem_shared>>
      %dma_start3A_94 = arith.constant 0 : i32
      %dma_start3A_95 = tpu.memref_slice %arg11[%add3A_10, %dma_start3A_94] : memref<10240x128xf32, #tpu.memory_space<vmem_shared>> -> memref<80x128xf32, #tpu.memory_space<vmem_shared>>
      tpu.enqueue_dma source(%arg10 : memref<80x128xf32, #tpu.memory_space<vmem>>) target(%dma_start3A_95 : memref<80x128xf32, #tpu.memory_space<vmem_shared>>) target_semaphore(%run_scoped3A : memref<!tpu.dma_semaphore, #tpu.memory_space<semaphore_mem>>)
      %dma_wait3A = arith.constant 0 : i32
      %dma_wait3A_96 = tpu.memref_slice %arg11[%add3A_10, %dma_wait3A] : memref<10240x128xf32, #tpu.memory_space<vmem_shared>> -> memref<80x128xf32, #tpu.memory_space<vmem_shared>>
      %dma_wait3A_97 = arith.constant 0 : i32
      %dma_wait3A_98 = tpu.memref_slice %arg11[%add3A_10, %dma_wait3A_97] : memref<10240x128xf32, #tpu.memory_space<vmem_shared>> -> memref<80x128xf32, #tpu.memory_space<vmem_shared>>
      tpu.wait_dma2 semaphore(%run_scoped3A : memref<!tpu.dma_semaphore, #tpu.memory_space<semaphore_mem>>) src(%arg10 : memref<80x128xf32, #tpu.memory_space<vmem>>) dst(%dma_wait3A_98 : memref<80x128xf32, #tpu.memory_space<vmem_shared>>)
      tpu.yield
    }) : () -> ()
    %add3A_11 = arith.constant 240 : i32
    %add3A_12 = arith.addi %mul3A_4, %add3A_11 : i32
    "tpu.region"() ({
      %run_scoped3A = tpu.sem_alloc : memref<!tpu.dma_semaphore, #tpu.memory_space<semaphore_mem>>
      %dma_start3A_92 = arith.constant 0 : i32
      %dma_start3A_93 = tpu.memref_slice %arg11[%add3A_12, %dma_start3A_92] : memref<10240x128xf32, #tpu.memory_space<vmem_shared>> -> memref<80x128xf32, #tpu.memory_space<vmem_shared>>
      %dma_start3A_94 = arith.constant 0 : i32
      %dma_start3A_95 = tpu.memref_slice %arg11[%add3A_12, %dma_start3A_94] : memref<10240x128xf32, #tpu.memory_space<vmem_shared>> -> memref<80x128xf32, #tpu.memory_space<vmem_shared>>
      tpu.enqueue_dma source(%arg10 : memref<80x128xf32, #tpu.memory_space<vmem>>) target(%dma_start3A_95 : memref<80x128xf32, #tpu.memory_space<vmem_shared>>) target_semaphore(%run_scoped3A : memref<!tpu.dma_semaphore, #tpu.memory_space<semaphore_mem>>)
      %dma_wait3A = arith.constant 0 : i32
      %dma_wait3A_96 = tpu.memref_slice %arg11[%add3A_12, %dma_wait3A] : memref<10240x128xf32, #tpu.memory_space<vmem_shared>> -> memref<80x128xf32, #tpu.memory_space<vmem_shared>>
      %dma_wait3A_97 = arith.constant 0 : i32
      %dma_wait3A_98 = tpu.memref_slice %arg11[%add3A_12, %dma_wait3A_97] : memref<10240x128xf32, #tpu.memory_space<vmem_shared>> -> memref<80x128xf32, #tpu.memory_space<vmem_shared>>
      tpu.wait_dma2 semaphore(%run_scoped3A : memref<!tpu.dma_semaphore, #tpu.memory_space<semaphore_mem>>) src(%arg10 : memref<80x128xf32, #tpu.memory_space<vmem>>) dst(%dma_wait3A_98 : memref<80x128xf32, #tpu.memory_space<vmem_shared>>)
      tpu.yield
    }) : () -> ()
    %add3A_13 = arith.constant 320 : i32
    %add3A_14 = arith.addi %mul3A_4, %add3A_13 : i32
    "tpu.region"() ({
      %run_scoped3A = tpu.sem_alloc : memref<!tpu.dma_semaphore, #tpu.memory_space<semaphore_mem>>
      %dma_start3A_92 = arith.constant 0 : i32
      %dma_start3A_93 = tpu.memref_slice %arg11[%add3A_14, %dma_start3A_92] : memref<10240x128xf32, #tpu.memory_space<vmem_shared>> -> memref<80x128xf32, #tpu.memory_space<vmem_shared>>
      %dma_start3A_94 = arith.constant 0 : i32
      %dma_start3A_95 = tpu.memref_slice %arg11[%add3A_14, %dma_start3A_94] : memref<10240x128xf32, #tpu.memory_space<vmem_shared>> -> memref<80x128xf32, #tpu.memory_space<vmem_shared>>
      tpu.enqueue_dma source(%arg10 : memref<80x128xf32, #tpu.memory_space<vmem>>) target(%dma_start3A_95 : memref<80x128xf32, #tpu.memory_space<vmem_shared>>) target_semaphore(%run_scoped3A : memref<!tpu.dma_semaphore, #tpu.memory_space<semaphore_mem>>)
      %dma_wait3A = arith.constant 0 : i32
      %dma_wait3A_96 = tpu.memref_slice %arg11[%add3A_14, %dma_wait3A] : memref<10240x128xf32, #tpu.memory_space<vmem_shared>> -> memref<80x128xf32, #tpu.memory_space<vmem_shared>>
      %dma_wait3A_97 = arith.constant 0 : i32
      %dma_wait3A_98 = tpu.memref_slice %arg11[%add3A_14, %dma_wait3A_97] : memref<10240x128xf32, #tpu.memory_space<vmem_shared>> -> memref<80x128xf32, #tpu.memory_space<vmem_shared>>
      tpu.wait_dma2 semaphore(%run_scoped3A : memref<!tpu.dma_semaphore, #tpu.memory_space<semaphore_mem>>) src(%arg10 : memref<80x128xf32, #tpu.memory_space<vmem>>) dst(%dma_wait3A_98 : memref<80x128xf32, #tpu.memory_space<vmem_shared>>)
      tpu.yield
    }) : () -> ()
    %add3A_15 = arith.constant 400 : i32
    %add3A_16 = arith.addi %mul3A_4, %add3A_15 : i32
    "tpu.region"() ({
      %run_scoped3A = tpu.sem_alloc : memref<!tpu.dma_semaphore, #tpu.memory_space<semaphore_mem>>
      %dma_start3A_92 = arith.constant 0 : i32
      %dma_start3A_93 = tpu.memref_slice %arg11[%add3A_16, %dma_start3A_92] : memref<10240x128xf32, #tpu.memory_space<vmem_shared>> -> memref<80x128xf32, #tpu.memory_space<vmem_shared>>
      %dma_start3A_94 = arith.constant 0 : i32
      %dma_start3A_95 = tpu.memref_slice %arg11[%add3A_16, %dma_start3A_94] : memref<10240x128xf32, #tpu.memory_space<vmem_shared>> -> memref<80x128xf32, #tpu.memory_space<vmem_shared>>
      tpu.enqueue_dma source(%arg10 : memref<80x128xf32, #tpu.memory_space<vmem>>) target(%dma_start3A_95 : memref<80x128xf32, #tpu.memory_space<vmem_shared>>) target_semaphore(%run_scoped3A : memref<!tpu.dma_semaphore, #tpu.memory_space<semaphore_mem>>)
      %dma_wait3A = arith.constant 0 : i32
      %dma_wait3A_96 = tpu.memref_slice %arg11[%add3A_16, %dma_wait3A] : memref<10240x128xf32, #tpu.memory_space<vmem_shared>> -> memref<80x128xf32, #tpu.memory_space<vmem_shared>>
      %dma_wait3A_97 = arith.constant 0 : i32
      %dma_wait3A_98 = tpu.memref_slice %arg11[%add3A_16, %dma_wait3A_97] : memref<10240x128xf32, #tpu.memory_space<vmem_shared>> -> memref<80x128xf32, #tpu.memory_space<vmem_shared>>
      tpu.wait_dma2 semaphore(%run_scoped3A : memref<!tpu.dma_semaphore, #tpu.memory_space<semaphore_mem>>) src(%arg10 : memref<80x128xf32, #tpu.memory_space<vmem>>) dst(%dma_wait3A_98 : memref<80x128xf32, #tpu.memory_space<vmem_shared>>)
      tpu.yield
    }) : () -> ()
    %add3A_17 = arith.constant 480 : i32
    %add3A_18 = arith.addi %mul3A_4, %add3A_17 : i32
    "tpu.region"() ({
      %run_scoped3A = tpu.sem_alloc : memref<!tpu.dma_semaphore, #tpu.memory_space<semaphore_mem>>
      %dma_start3A_92 = arith.constant 0 : i32
      %dma_start3A_93 = tpu.memref_slice %arg11[%add3A_18, %dma_start3A_92] : memref<10240x128xf32, #tpu.memory_space<vmem_shared>> -> memref<80x128xf32, #tpu.memory_space<vmem_shared>>
      %dma_start3A_94 = arith.constant 0 : i32
      %dma_start3A_95 = tpu.memref_slice %arg11[%add3A_18, %dma_start3A_94] : memref<10240x128xf32, #tpu.memory_space<vmem_shared>> -> memref<80x128xf32, #tpu.memory_space<vmem_shared>>
      tpu.enqueue_dma source(%arg10 : memref<80x128xf32, #tpu.memory_space<vmem>>) target(%dma_start3A_95 : memref<80x128xf32, #tpu.memory_space<vmem_shared>>) target_semaphore(%run_scoped3A : memref<!tpu.dma_semaphore, #tpu.memory_space<semaphore_mem>>)
      %dma_wait3A = arith.constant 0 : i32
      %dma_wait3A_96 = tpu.memref_slice %arg11[%add3A_18, %dma_wait3A] : memref<10240x128xf32, #tpu.memory_space<vmem_shared>> -> memref<80x128xf32, #tpu.memory_space<vmem_shared>>
      %dma_wait3A_97 = arith.constant 0 : i32
      %dma_wait3A_98 = tpu.memref_slice %arg11[%add3A_18, %dma_wait3A_97] : memref<10240x128xf32, #tpu.memory_space<vmem_shared>> -> memref<80x128xf32, #tpu.memory_space<vmem_shared>>
      tpu.wait_dma2 semaphore(%run_scoped3A : memref<!tpu.dma_semaphore, #tpu.memory_space<semaphore_mem>>) src(%arg10 : memref<80x128xf32, #tpu.memory_space<vmem>>) dst(%dma_wait3A_98 : memref<80x128xf32, #tpu.memory_space<vmem_shared>>)
      tpu.yield
    }) : () -> ()
    %add3A_19 = arith.constant 560 : i32
    %add3A_20 = arith.addi %mul3A_4, %add3A_19 : i32
    "tpu.region"() ({
      %run_scoped3A = tpu.sem_alloc : memref<!tpu.dma_semaphore, #tpu.memory_space<semaphore_mem>>
      %dma_start3A_92 = arith.constant 0 : i32
      %dma_start3A_93 = tpu.memref_slice %arg11[%add3A_20, %dma_start3A_92] : memref<10240x128xf32, #tpu.memory_space<vmem_shared>> -> memref<80x128xf32, #tpu.memory_space<vmem_shared>>
      %dma_start3A_94 = arith.constant 0 : i32
      %dma_start3A_95 = tpu.memref_slice %arg11[%add3A_20, %dma_start3A_94] : memref<10240x128xf32, #tpu.memory_space<vmem_shared>> -> memref<80x128xf32, #tpu.memory_space<vmem_shared>>
      tpu.enqueue_dma source(%arg10 : memref<80x128xf32, #tpu.memory_space<vmem>>) target(%dma_start3A_95 : memref<80x128xf32, #tpu.memory_space<vmem_shared>>) target_semaphore(%run_scoped3A : memref<!tpu.dma_semaphore, #tpu.memory_space<semaphore_mem>>)
      %dma_wait3A = arith.constant 0 : i32
      %dma_wait3A_96 = tpu.memref_slice %arg11[%add3A_20, %dma_wait3A] : memref<10240x128xf32, #tpu.memory_space<vmem_shared>> -> memref<80x128xf32, #tpu.memory_space<vmem_shared>>
      %dma_wait3A_97 = arith.constant 0 : i32
      %dma_wait3A_98 = tpu.memref_slice %arg11[%add3A_20, %dma_wait3A_97] : memref<10240x128xf32, #tpu.memory_space<vmem_shared>> -> memref<80x128xf32, #tpu.memory_space<vmem_shared>>
      tpu.wait_dma2 semaphore(%run_scoped3A : memref<!tpu.dma_semaphore, #tpu.memory_space<semaphore_mem>>) src(%arg10 : memref<80x128xf32, #tpu.memory_space<vmem>>) dst(%dma_wait3A_98 : memref<80x128xf32, #tpu.memory_space<vmem_shared>>)
      tpu.yield
    }) : () -> ()
    %barrier3A = arith.constant 0 : index
    tpu.barrier barrier_id(%barrier3A)
    %dma_start3A = arith.constant 0 : i32
    %dma_start3A_21 = tpu.memref_slice %arg7[%dma_start3A] : memref<10240xi32, #tpu.memory_space<vmem>> -> memref<80xi32, #tpu.memory_space<vmem>>
    %dma_start3A_22 = arith.constant 0 : i32
    %dma_start3A_23 = arith.constant 0 : i32
    %dma_start3A_24 = tpu.memref_slice %arg2[%dma_start3A_22, %dma_start3A_23] : memref<10000x128xf32, #tpu.memory_space<hbm>> -> memref<10000x128xf32, #tpu.memory_space<hbm>>
    tpu.enqueue_indirect_dma source(%dma_start3A_24 : memref<10000x128xf32, #tpu.memory_space<hbm>>) target(%arg9 : memref<80x128xf32, #tpu.memory_space<vmem>>) offsets(%dma_start3A_21 : memref<80xi32, #tpu.memory_space<vmem>>) semaphore(%arg12 : memref<!tpu.dma_semaphore, #tpu.memory_space<semaphore_mem>>)
    %dma_start3A_25 = arith.constant 80 : i32
    %dma_start3A_26 = tpu.memref_slice %arg7[%dma_start3A_25] : memref<10240xi32, #tpu.memory_space<vmem>> -> memref<80xi32, #tpu.memory_space<vmem>>
    %dma_start3A_27 = arith.constant 0 : i32
    %dma_start3A_28 = arith.constant 0 : i32
    %dma_start3A_29 = tpu.memref_slice %arg2[%dma_start3A_27, %dma_start3A_28] : memref<10000x128xf32, #tpu.memory_space<hbm>> -> memref<10000x128xf32, #tpu.memory_space<hbm>>
    tpu.enqueue_indirect_dma source(%dma_start3A_29 : memref<10000x128xf32, #tpu.memory_space<hbm>>) target(%arg10 : memref<80x128xf32, #tpu.memory_space<vmem>>) offsets(%dma_start3A_26 : memref<80xi32, #tpu.memory_space<vmem>>) semaphore(%arg13 : memref<!tpu.dma_semaphore, #tpu.memory_space<semaphore_mem>>)
    %scan3A = arith.constant 0 : i32
    %scan3A_30 = arith.constant 0 : i32
    %scan3A_31 = arith.constant 64 : i32
    %scan3A_32 = arith.addi %scan3A_30, %scan3A_31 : i32
    %scan3A_33 = arith.constant 1 : i32
    scf.for %scan3A_92 = %scan3A_30 to %scan3A_32 step %scan3A_33  : i32 {
      %mul3A_93 = arith.constant 2 : i32
      %mul3A_94 = arith.muli %scan3A_92, %mul3A_93 : i32
      %mul3A_95 = arith.constant 80 : i32
      %mul3A_96 = arith.muli %mul3A_94, %mul3A_95 : i32
      %dma_wait3A = tpu.memref_slice %arg7[%mul3A_96] : memref<10240xi32, #tpu.memory_space<vmem>> -> memref<80xi32, #tpu.memory_space<vmem>>
      %dma_wait3A_97 = arith.constant 0 : i32
      %dma_wait3A_98 = arith.constant 0 : i32
      %dma_wait3A_99 = tpu.memref_slice %arg2[%dma_wait3A_97, %dma_wait3A_98] : memref<10000x128xf32, #tpu.memory_space<hbm>> -> memref<10000x128xf32, #tpu.memory_space<hbm>>
      tpu.wait_indirect_dma semaphore(%arg12 : memref<!tpu.dma_semaphore, #tpu.memory_space<semaphore_mem>>) src(%dma_wait3A_99 : memref<10000x128xf32, #tpu.memory_space<hbm>>) dst(%arg9 : memref<80x128xf32, #tpu.memory_space<vmem>>)
      %mul3A_100 = arith.constant 80 : i32
      %mul3A_101 = arith.muli %mul3A_94, %mul3A_100 : i32
      "tpu.region"() ({
        %run_scoped3A = tpu.sem_alloc : memref<!tpu.dma_semaphore, #tpu.memory_space<semaphore_mem>>
        %dma_start3A_123 = tpu.memref_slice %arg8[%mul3A_101] : memref<10240xi32, #tpu.memory_space<vmem>> -> memref<80xi32, #tpu.memory_space<vmem>>
        %dma_start3A_124 = arith.constant 0 : i32
        %dma_start3A_125 = arith.constant 0 : i32
        %dma_start3A_126 = tpu.memref_slice %arg11[%dma_start3A_124, %dma_start3A_125] : memref<10240x128xf32, #tpu.memory_space<vmem_shared>> -> memref<10240x128xf32, #tpu.memory_space<vmem_shared>>
        tpu.enqueue_indirect_dma source(%arg9 : memref<80x128xf32, #tpu.memory_space<vmem>>) target(%dma_start3A_126 : memref<10240x128xf32, #tpu.memory_space<vmem_shared>>) offsets(%dma_start3A_123 : memref<80xi32, #tpu.memory_space<vmem>>) semaphore(%run_scoped3A : memref<!tpu.dma_semaphore, #tpu.memory_space<semaphore_mem>>) {add = true}
        %dma_wait3A_127 = tpu.memref_slice %arg8[%mul3A_101] : memref<10240xi32, #tpu.memory_space<vmem>> -> memref<80xi32, #tpu.memory_space<vmem>>
        %dma_wait3A_128 = arith.constant 0 : i32
        %dma_wait3A_129 = arith.constant 0 : i32
        %dma_wait3A_130 = tpu.memref_slice %arg11[%dma_wait3A_128, %dma_wait3A_129] : memref<10240x128xf32, #tpu.memory_space<vmem_shared>> -> memref<10240x128xf32, #tpu.memory_space<vmem_shared>>
        tpu.wait_indirect_dma semaphore(%run_scoped3A : memref<!tpu.dma_semaphore, #tpu.memory_space<semaphore_mem>>) src(%arg9 : memref<80x128xf32, #tpu.memory_space<vmem>>) dst(%dma_wait3A_130 : memref<10240x128xf32, #tpu.memory_space<vmem_shared>>)
        tpu.yield
      }) : () -> ()
      %add3A_102 = arith.constant 2 : i32
      %add3A_103 = arith.addi %mul3A_94, %add3A_102 : i32
      %lt3A = arith.constant 128 : i32
      %lt3A_104 = arith.cmpi slt, %add3A_103, %lt3A : i32
      %convert_element_type3A = arith.extui %lt3A_104 : i1 to i32
      %cond3A = arith.constant 0 : i32
      %cond3A_105 = arith.cmpi ne, %convert_element_type3A, %cond3A : i32
      scf.if %cond3A_105 {
        %add3A_123 = arith.constant 2 : i32
        %add3A_124 = arith.addi %mul3A_94, %add3A_123 : i32
        %mul3A_125 = arith.constant 80 : i32
        %mul3A_126 = arith.muli %add3A_124, %mul3A_125 : i32
        %dma_start3A_127 = tpu.memref_slice %arg7[%mul3A_126] : memref<10240xi32, #tpu.memory_space<vmem>> -> memref<80xi32, #tpu.memory_space<vmem>>
        %dma_start3A_128 = arith.constant 0 : i32
        %dma_start3A_129 = arith.constant 0 : i32
        %dma_start3A_130 = tpu.memref_slice %arg2[%dma_start3A_128, %dma_start3A_129] : memref<10000x128xf32, #tpu.memory_space<hbm>> -> memref<10000x128xf32, #tpu.memory_space<hbm>>
        tpu.enqueue_indirect_dma source(%dma_start3A_130 : memref<10000x128xf32, #tpu.memory_space<hbm>>) target(%arg9 : memref<80x128xf32, #tpu.memory_space<vmem>>) offsets(%dma_start3A_127 : memref<80xi32, #tpu.memory_space<vmem>>) semaphore(%arg12 : memref<!tpu.dma_semaphore, #tpu.memory_space<semaphore_mem>>)
      } else {
      }
      %add3A_106 = arith.constant 1 : i32
      %add3A_107 = arith.addi %mul3A_94, %add3A_106 : i32
      %mul3A_108 = arith.constant 80 : i32
      %mul3A_109 = arith.muli %add3A_107, %mul3A_108 : i32
      %dma_wait3A_110 = tpu.memref_slice %arg7[%mul3A_109] : memref<10240xi32, #tpu.memory_space<vmem>> -> memref<80xi32, #tpu.memory_space<vmem>>
      %dma_wait3A_111 = arith.constant 0 : i32
      %dma_wait3A_112 = arith.constant 0 : i32
      %dma_wait3A_113 = tpu.memref_slice %arg2[%dma_wait3A_111, %dma_wait3A_112] : memref<10000x128xf32, #tpu.memory_space<hbm>> -> memref<10000x128xf32, #tpu.memory_space<hbm>>
      tpu.wait_indirect_dma semaphore(%arg13 : memref<!tpu.dma_semaphore, #tpu.memory_space<semaphore_mem>>) src(%dma_wait3A_113 : memref<10000x128xf32, #tpu.memory_space<hbm>>) dst(%arg10 : memref<80x128xf32, #tpu.memory_space<vmem>>)
      %mul3A_114 = arith.constant 80 : i32
      %mul3A_115 = arith.muli %add3A_107, %mul3A_114 : i32
      "tpu.region"() ({
        %run_scoped3A = tpu.sem_alloc : memref<!tpu.dma_semaphore, #tpu.memory_space<semaphore_mem>>
        %dma_start3A_123 = tpu.memref_slice %arg8[%mul3A_115] : memref<10240xi32, #tpu.memory_space<vmem>> -> memref<80xi32, #tpu.memory_space<vmem>>
        %dma_start3A_124 = arith.constant 0 : i32
        %dma_start3A_125 = arith.constant 0 : i32
        %dma_start3A_126 = tpu.memref_slice %arg11[%dma_start3A_124, %dma_start3A_125] : memref<10240x128xf32, #tpu.memory_space<vmem_shared>> -> memref<10240x128xf32, #tpu.memory_space<vmem_shared>>
        tpu.enqueue_indirect_dma source(%arg10 : memref<80x128xf32, #tpu.memory_space<vmem>>) target(%dma_start3A_126 : memref<10240x128xf32, #tpu.memory_space<vmem_shared>>) offsets(%dma_start3A_123 : memref<80xi32, #tpu.memory_space<vmem>>) semaphore(%run_scoped3A : memref<!tpu.dma_semaphore, #tpu.memory_space<semaphore_mem>>) {add = true}
        %dma_wait3A_127 = tpu.memref_slice %arg8[%mul3A_115] : memref<10240xi32, #tpu.memory_space<vmem>> -> memref<80xi32, #tpu.memory_space<vmem>>
        %dma_wait3A_128 = arith.constant 0 : i32
        %dma_wait3A_129 = arith.constant 0 : i32
        %dma_wait3A_130 = tpu.memref_slice %arg11[%dma_wait3A_128, %dma_wait3A_129] : memref<10240x128xf32, #tpu.memory_space<vmem_shared>> -> memref<10240x128xf32, #tpu.memory_space<vmem_shared>>
        tpu.wait_indirect_dma semaphore(%run_scoped3A : memref<!tpu.dma_semaphore, #tpu.memory_space<semaphore_mem>>) src(%arg10 : memref<80x128xf32, #tpu.memory_space<vmem>>) dst(%dma_wait3A_130 : memref<10240x128xf32, #tpu.memory_space<vmem_shared>>)
        tpu.yield
      }) : () -> ()
      %add3A_116 = arith.constant 2 : i32
      %add3A_117 = arith.addi %add3A_107, %add3A_116 : i32
      %lt3A_118 = arith.constant 128 : i32
      %lt3A_119 = arith.cmpi slt, %add3A_117, %lt3A_118 : i32
      %convert_element_type3A_120 = arith.extui %lt3A_119 : i1 to i32
      %cond3A_121 = arith.constant 0 : i32
      %cond3A_122 = arith.cmpi ne, %convert_element_type3A_120, %cond3A_121 : i32
      scf.if %cond3A_122 {
        %add3A_123 = arith.constant 2 : i32
        %add3A_124 = arith.addi %add3A_107, %add3A_123 : i32
        %mul3A_125 = arith.constant 80 : i32
        %mul3A_126 = arith.muli %add3A_124, %mul3A_125 : i32
        %dma_start3A_127 = tpu.memref_slice %arg7[%mul3A_126] : memref<10240xi32, #tpu.memory_space<vmem>> -> memref<80xi32, #tpu.memory_space<vmem>>
        %dma_start3A_128 = arith.constant 0 : i32
        %dma_start3A_129 = arith.constant 0 : i32
        %dma_start3A_130 = tpu.memref_slice %arg2[%dma_start3A_128, %dma_start3A_129] : memref<10000x128xf32, #tpu.memory_space<hbm>> -> memref<10000x128xf32, #tpu.memory_space<hbm>>
        tpu.enqueue_indirect_dma source(%dma_start3A_130 : memref<10000x128xf32, #tpu.memory_space<hbm>>) target(%arg10 : memref<80x128xf32, #tpu.memory_space<vmem>>) offsets(%dma_start3A_127 : memref<80xi32, #tpu.memory_space<vmem>>) semaphore(%arg13 : memref<!tpu.dma_semaphore, #tpu.memory_space<semaphore_mem>>)
      } else {
      }
    }
    %scan3A_34 = arith.constant 64 : i32
    %barrier3A_35 = arith.constant 0 : index
    tpu.barrier barrier_id(%barrier3A_35)
    "tpu.trace_start"() <{level = 10 : i32, message = "agg_dump"}> : () -> ()
    %add3A_36 = arith.constant 0 : i32
    %add3A_37 = arith.addi %mul3A_4, %add3A_36 : i32
    "tpu.region"() ({
      %run_scoped3A = tpu.sem_alloc : memref<!tpu.dma_semaphore, #tpu.memory_space<semaphore_mem>>
      %dma_start3A_92 = arith.constant 0 : i32
      %dma_start3A_93 = tpu.memref_slice %arg11[%add3A_37, %dma_start3A_92] : memref<10240x128xf32, #tpu.memory_space<vmem_shared>> -> memref<80x128xf32, #tpu.memory_space<vmem_shared>>
      %dma_start3A_94 = arith.constant 0 : i32
      %dma_start3A_95 = tpu.memref_slice %arg11[%add3A_37, %dma_start3A_94] : memref<10240x128xf32, #tpu.memory_space<vmem_shared>> -> memref<80x128xf32, #tpu.memory_space<vmem_shared>>
      tpu.enqueue_dma source(%dma_start3A_95 : memref<80x128xf32, #tpu.memory_space<vmem_shared>>) target(%arg9 : memref<80x128xf32, #tpu.memory_space<vmem>>) target_semaphore(%run_scoped3A : memref<!tpu.dma_semaphore, #tpu.memory_space<semaphore_mem>>)
      %dma_wait3A = arith.constant 0 : i32
      %dma_wait3A_96 = tpu.memref_slice %arg11[%add3A_37, %dma_wait3A] : memref<10240x128xf32, #tpu.memory_space<vmem_shared>> -> memref<80x128xf32, #tpu.memory_space<vmem_shared>>
      %dma_wait3A_97 = arith.constant 0 : i32
      %dma_wait3A_98 = tpu.memref_slice %arg11[%add3A_37, %dma_wait3A_97] : memref<10240x128xf32, #tpu.memory_space<vmem_shared>> -> memref<80x128xf32, #tpu.memory_space<vmem_shared>>
      tpu.wait_dma2 semaphore(%run_scoped3A : memref<!tpu.dma_semaphore, #tpu.memory_space<semaphore_mem>>) src(%dma_wait3A_98 : memref<80x128xf32, #tpu.memory_space<vmem_shared>>) dst(%arg9 : memref<80x128xf32, #tpu.memory_space<vmem>>)
      tpu.yield
    }) : () -> ()
    %mul3A_38 = arith.constant 10240 : i32
    %mul3A_39 = arith.muli %arg0, %mul3A_38 : i32
    %add3A_40 = arith.addi %mul3A_39, %mul3A_4 : i32
    %add3A_41 = arith.constant 0 : i32
    %add3A_42 = arith.addi %add3A_40, %add3A_41 : i32
    "tpu.region"() ({
      %run_scoped3A = tpu.sem_alloc : memref<!tpu.dma_semaphore, #tpu.memory_space<semaphore_mem>>
      %dma_start3A_92 = arith.constant 0 : i32
      %dma_start3A_93 = tpu.memref_slice %arg6[%add3A_42, %dma_start3A_92] : memref<20480x128xf32, #tpu.memory_space<hbm>> -> memref<80x128xf32, #tpu.memory_space<hbm>>
      %dma_start3A_94 = arith.constant 0 : i32
      %dma_start3A_95 = tpu.memref_slice %arg6[%add3A_42, %dma_start3A_94] : memref<20480x128xf32, #tpu.memory_space<hbm>> -> memref<80x128xf32, #tpu.memory_space<hbm>>
      tpu.enqueue_dma source(%arg9 : memref<80x128xf32, #tpu.memory_space<vmem>>) target(%dma_start3A_95 : memref<80x128xf32, #tpu.memory_space<hbm>>) target_semaphore(%run_scoped3A : memref<!tpu.dma_semaphore, #tpu.memory_space<semaphore_mem>>)
      %dma_wait3A = arith.constant 0 : i32
      %dma_wait3A_96 = tpu.memref_slice %arg6[%add3A_42, %dma_wait3A] : memref<20480x128xf32, #tpu.memory_space<hbm>> -> memref<80x128xf32, #tpu.memory_space<hbm>>
      %dma_wait3A_97 = arith.constant 0 : i32
      %dma_wait3A_98 = tpu.memref_slice %arg6[%add3A_42, %dma_wait3A_97] : memref<20480x128xf32, #tpu.memory_space<hbm>> -> memref<80x128xf32, #tpu.memory_space<hbm>>
      tpu.wait_dma2 semaphore(%run_scoped3A : memref<!tpu.dma_semaphore, #tpu.memory_space<semaphore_mem>>) src(%arg9 : memref<80x128xf32, #tpu.memory_space<vmem>>) dst(%dma_wait3A_98 : memref<80x128xf32, #tpu.memory_space<hbm>>)
      tpu.yield
    }) : () -> ()
    %add3A_43 = arith.constant 80 : i32
    %add3A_44 = arith.addi %mul3A_4, %add3A_43 : i32
    "tpu.region"() ({
      %run_scoped3A = tpu.sem_alloc : memref<!tpu.dma_semaphore, #tpu.memory_space<semaphore_mem>>
      %dma_start3A_92 = arith.constant 0 : i32
      %dma_start3A_93 = tpu.memref_slice %arg11[%add3A_44, %dma_start3A_92] : memref<10240x128xf32, #tpu.memory_space<vmem_shared>> -> memref<80x128xf32, #tpu.memory_space<vmem_shared>>
      %dma_start3A_94 = arith.constant 0 : i32
      %dma_start3A_95 = tpu.memref_slice %arg11[%add3A_44, %dma_start3A_94] : memref<10240x128xf32, #tpu.memory_space<vmem_shared>> -> memref<80x128xf32, #tpu.memory_space<vmem_shared>>
      tpu.enqueue_dma source(%dma_start3A_95 : memref<80x128xf32, #tpu.memory_space<vmem_shared>>) target(%arg9 : memref<80x128xf32, #tpu.memory_space<vmem>>) target_semaphore(%run_scoped3A : memref<!tpu.dma_semaphore, #tpu.memory_space<semaphore_mem>>)
      %dma_wait3A = arith.constant 0 : i32
      %dma_wait3A_96 = tpu.memref_slice %arg11[%add3A_44, %dma_wait3A] : memref<10240x128xf32, #tpu.memory_space<vmem_shared>> -> memref<80x128xf32, #tpu.memory_space<vmem_shared>>
      %dma_wait3A_97 = arith.constant 0 : i32
      %dma_wait3A_98 = tpu.memref_slice %arg11[%add3A_44, %dma_wait3A_97] : memref<10240x128xf32, #tpu.memory_space<vmem_shared>> -> memref<80x128xf32, #tpu.memory_space<vmem_shared>>
      tpu.wait_dma2 semaphore(%run_scoped3A : memref<!tpu.dma_semaphore, #tpu.memory_space<semaphore_mem>>) src(%dma_wait3A_98 : memref<80x128xf32, #tpu.memory_space<vmem_shared>>) dst(%arg9 : memref<80x128xf32, #tpu.memory_space<vmem>>)
      tpu.yield
    }) : () -> ()
    %mul3A_45 = arith.constant 10240 : i32
    %mul3A_46 = arith.muli %arg0, %mul3A_45 : i32
    %add3A_47 = arith.addi %mul3A_46, %mul3A_4 : i32
    %add3A_48 = arith.constant 80 : i32
    %add3A_49 = arith.addi %add3A_47, %add3A_48 : i32
    "tpu.region"() ({
      %run_scoped3A = tpu.sem_alloc : memref<!tpu.dma_semaphore, #tpu.memory_space<semaphore_mem>>
      %dma_start3A_92 = arith.constant 0 : i32
      %dma_start3A_93 = tpu.memref_slice %arg6[%add3A_49, %dma_start3A_92] : memref<20480x128xf32, #tpu.memory_space<hbm>> -> memref<80x128xf32, #tpu.memory_space<hbm>>
      %dma_start3A_94 = arith.constant 0 : i32
      %dma_start3A_95 = tpu.memref_slice %arg6[%add3A_49, %dma_start3A_94] : memref<20480x128xf32, #tpu.memory_space<hbm>> -> memref<80x128xf32, #tpu.memory_space<hbm>>
      tpu.enqueue_dma source(%arg9 : memref<80x128xf32, #tpu.memory_space<vmem>>) target(%dma_start3A_95 : memref<80x128xf32, #tpu.memory_space<hbm>>) target_semaphore(%run_scoped3A : memref<!tpu.dma_semaphore, #tpu.memory_space<semaphore_mem>>)
      %dma_wait3A = arith.constant 0 : i32
      %dma_wait3A_96 = tpu.memref_slice %arg6[%add3A_49, %dma_wait3A] : memref<20480x128xf32, #tpu.memory_space<hbm>> -> memref<80x128xf32, #tpu.memory_space<hbm>>
      %dma_wait3A_97 = arith.constant 0 : i32
      %dma_wait3A_98 = tpu.memref_slice %arg6[%add3A_49, %dma_wait3A_97] : memref<20480x128xf32, #tpu.memory_space<hbm>> -> memref<80x128xf32, #tpu.memory_space<hbm>>
      tpu.wait_dma2 semaphore(%run_scoped3A : memref<!tpu.dma_semaphore, #tpu.memory_space<semaphore_mem>>) src(%arg9 : memref<80x128xf32, #tpu.memory_space<vmem>>) dst(%dma_wait3A_98 : memref<80x128xf32, #tpu.memory_space<hbm>>)
      tpu.yield
    }) : () -> ()
    %add3A_50 = arith.constant 160 : i32
    %add3A_51 = arith.addi %mul3A_4, %add3A_50 : i32
    "tpu.region"() ({
      %run_scoped3A = tpu.sem_alloc : memref<!tpu.dma_semaphore, #tpu.memory_space<semaphore_mem>>
      %dma_start3A_92 = arith.constant 0 : i32
      %dma_start3A_93 = tpu.memref_slice %arg11[%add3A_51, %dma_start3A_92] : memref<10240x128xf32, #tpu.memory_space<vmem_shared>> -> memref<80x128xf32, #tpu.memory_space<vmem_shared>>
      %dma_start3A_94 = arith.constant 0 : i32
      %dma_start3A_95 = tpu.memref_slice %arg11[%add3A_51, %dma_start3A_94] : memref<10240x128xf32, #tpu.memory_space<vmem_shared>> -> memref<80x128xf32, #tpu.memory_space<vmem_shared>>
      tpu.enqueue_dma source(%dma_start3A_95 : memref<80x128xf32, #tpu.memory_space<vmem_shared>>) target(%arg9 : memref<80x128xf32, #tpu.memory_space<vmem>>) target_semaphore(%run_scoped3A : memref<!tpu.dma_semaphore, #tpu.memory_space<semaphore_mem>>)
      %dma_wait3A = arith.constant 0 : i32
      %dma_wait3A_96 = tpu.memref_slice %arg11[%add3A_51, %dma_wait3A] : memref<10240x128xf32, #tpu.memory_space<vmem_shared>> -> memref<80x128xf32, #tpu.memory_space<vmem_shared>>
      %dma_wait3A_97 = arith.constant 0 : i32
      %dma_wait3A_98 = tpu.memref_slice %arg11[%add3A_51, %dma_wait3A_97] : memref<10240x128xf32, #tpu.memory_space<vmem_shared>> -> memref<80x128xf32, #tpu.memory_space<vmem_shared>>
      tpu.wait_dma2 semaphore(%run_scoped3A : memref<!tpu.dma_semaphore, #tpu.memory_space<semaphore_mem>>) src(%dma_wait3A_98 : memref<80x128xf32, #tpu.memory_space<vmem_shared>>) dst(%arg9 : memref<80x128xf32, #tpu.memory_space<vmem>>)
      tpu.yield
    }) : () -> ()
    %mul3A_52 = arith.constant 10240 : i32
    %mul3A_53 = arith.muli %arg0, %mul3A_52 : i32
    %add3A_54 = arith.addi %mul3A_53, %mul3A_4 : i32
    %add3A_55 = arith.constant 160 : i32
    %add3A_56 = arith.addi %add3A_54, %add3A_55 : i32
    "tpu.region"() ({
      %run_scoped3A = tpu.sem_alloc : memref<!tpu.dma_semaphore, #tpu.memory_space<semaphore_mem>>
      %dma_start3A_92 = arith.constant 0 : i32
      %dma_start3A_93 = tpu.memref_slice %arg6[%add3A_56, %dma_start3A_92] : memref<20480x128xf32, #tpu.memory_space<hbm>> -> memref<80x128xf32, #tpu.memory_space<hbm>>
      %dma_start3A_94 = arith.constant 0 : i32
      %dma_start3A_95 = tpu.memref_slice %arg6[%add3A_56, %dma_start3A_94] : memref<20480x128xf32, #tpu.memory_space<hbm>> -> memref<80x128xf32, #tpu.memory_space<hbm>>
      tpu.enqueue_dma source(%arg9 : memref<80x128xf32, #tpu.memory_space<vmem>>) target(%dma_start3A_95 : memref<80x128xf32, #tpu.memory_space<hbm>>) target_semaphore(%run_scoped3A : memref<!tpu.dma_semaphore, #tpu.memory_space<semaphore_mem>>)
      %dma_wait3A = arith.constant 0 : i32
      %dma_wait3A_96 = tpu.memref_slice %arg6[%add3A_56, %dma_wait3A] : memref<20480x128xf32, #tpu.memory_space<hbm>> -> memref<80x128xf32, #tpu.memory_space<hbm>>
      %dma_wait3A_97 = arith.constant 0 : i32
      %dma_wait3A_98 = tpu.memref_slice %arg6[%add3A_56, %dma_wait3A_97] : memref<20480x128xf32, #tpu.memory_space<hbm>> -> memref<80x128xf32, #tpu.memory_space<hbm>>
      tpu.wait_dma2 semaphore(%run_scoped3A : memref<!tpu.dma_semaphore, #tpu.memory_space<semaphore_mem>>) src(%arg9 : memref<80x128xf32, #tpu.memory_space<vmem>>) dst(%dma_wait3A_98 : memref<80x128xf32, #tpu.memory_space<hbm>>)
      tpu.yield
    }) : () -> ()
    %add3A_57 = arith.constant 240 : i32
    %add3A_58 = arith.addi %mul3A_4, %add3A_57 : i32
    "tpu.region"() ({
      %run_scoped3A = tpu.sem_alloc : memref<!tpu.dma_semaphore, #tpu.memory_space<semaphore_mem>>
      %dma_start3A_92 = arith.constant 0 : i32
      %dma_start3A_93 = tpu.memref_slice %arg11[%add3A_58, %dma_start3A_92] : memref<10240x128xf32, #tpu.memory_space<vmem_shared>> -> memref<80x128xf32, #tpu.memory_space<vmem_shared>>
      %dma_start3A_94 = arith.constant 0 : i32
      %dma_start3A_95 = tpu.memref_slice %arg11[%add3A_58, %dma_start3A_94] : memref<10240x128xf32, #tpu.memory_space<vmem_shared>> -> memref<80x128xf32, #tpu.memory_space<vmem_shared>>
      tpu.enqueue_dma source(%dma_start3A_95 : memref<80x128xf32, #tpu.memory_space<vmem_shared>>) target(%arg9 : memref<80x128xf32, #tpu.memory_space<vmem>>) target_semaphore(%run_scoped3A : memref<!tpu.dma_semaphore, #tpu.memory_space<semaphore_mem>>)
      %dma_wait3A = arith.constant 0 : i32
      %dma_wait3A_96 = tpu.memref_slice %arg11[%add3A_58, %dma_wait3A] : memref<10240x128xf32, #tpu.memory_space<vmem_shared>> -> memref<80x128xf32, #tpu.memory_space<vmem_shared>>
      %dma_wait3A_97 = arith.constant 0 : i32
      %dma_wait3A_98 = tpu.memref_slice %arg11[%add3A_58, %dma_wait3A_97] : memref<10240x128xf32, #tpu.memory_space<vmem_shared>> -> memref<80x128xf32, #tpu.memory_space<vmem_shared>>
      tpu.wait_dma2 semaphore(%run_scoped3A : memref<!tpu.dma_semaphore, #tpu.memory_space<semaphore_mem>>) src(%dma_wait3A_98 : memref<80x128xf32, #tpu.memory_space<vmem_shared>>) dst(%arg9 : memref<80x128xf32, #tpu.memory_space<vmem>>)
      tpu.yield
    }) : () -> ()
    %mul3A_59 = arith.constant 10240 : i32
    %mul3A_60 = arith.muli %arg0, %mul3A_59 : i32
    %add3A_61 = arith.addi %mul3A_60, %mul3A_4 : i32
    %add3A_62 = arith.constant 240 : i32
    %add3A_63 = arith.addi %add3A_61, %add3A_62 : i32
    "tpu.region"() ({
      %run_scoped3A = tpu.sem_alloc : memref<!tpu.dma_semaphore, #tpu.memory_space<semaphore_mem>>
      %dma_start3A_92 = arith.constant 0 : i32
      %dma_start3A_93 = tpu.memref_slice %arg6[%add3A_63, %dma_start3A_92] : memref<20480x128xf32, #tpu.memory_space<hbm>> -> memref<80x128xf32, #tpu.memory_space<hbm>>
      %dma_start3A_94 = arith.constant 0 : i32
      %dma_start3A_95 = tpu.memref_slice %arg6[%add3A_63, %dma_start3A_94] : memref<20480x128xf32, #tpu.memory_space<hbm>> -> memref<80x128xf32, #tpu.memory_space<hbm>>
      tpu.enqueue_dma source(%arg9 : memref<80x128xf32, #tpu.memory_space<vmem>>) target(%dma_start3A_95 : memref<80x128xf32, #tpu.memory_space<hbm>>) target_semaphore(%run_scoped3A : memref<!tpu.dma_semaphore, #tpu.memory_space<semaphore_mem>>)
      %dma_wait3A = arith.constant 0 : i32
      %dma_wait3A_96 = tpu.memref_slice %arg6[%add3A_63, %dma_wait3A] : memref<20480x128xf32, #tpu.memory_space<hbm>> -> memref<80x128xf32, #tpu.memory_space<hbm>>
      %dma_wait3A_97 = arith.constant 0 : i32
      %dma_wait3A_98 = tpu.memref_slice %arg6[%add3A_63, %dma_wait3A_97] : memref<20480x128xf32, #tpu.memory_space<hbm>> -> memref<80x128xf32, #tpu.memory_space<hbm>>
      tpu.wait_dma2 semaphore(%run_scoped3A : memref<!tpu.dma_semaphore, #tpu.memory_space<semaphore_mem>>) src(%arg9 : memref<80x128xf32, #tpu.memory_space<vmem>>) dst(%dma_wait3A_98 : memref<80x128xf32, #tpu.memory_space<hbm>>)
      tpu.yield
    }) : () -> ()
    %add3A_64 = arith.constant 320 : i32
    %add3A_65 = arith.addi %mul3A_4, %add3A_64 : i32
    "tpu.region"() ({
      %run_scoped3A = tpu.sem_alloc : memref<!tpu.dma_semaphore, #tpu.memory_space<semaphore_mem>>
      %dma_start3A_92 = arith.constant 0 : i32
      %dma_start3A_93 = tpu.memref_slice %arg11[%add3A_65, %dma_start3A_92] : memref<10240x128xf32, #tpu.memory_space<vmem_shared>> -> memref<80x128xf32, #tpu.memory_space<vmem_shared>>
      %dma_start3A_94 = arith.constant 0 : i32
      %dma_start3A_95 = tpu.memref_slice %arg11[%add3A_65, %dma_start3A_94] : memref<10240x128xf32, #tpu.memory_space<vmem_shared>> -> memref<80x128xf32, #tpu.memory_space<vmem_shared>>
      tpu.enqueue_dma source(%dma_start3A_95 : memref<80x128xf32, #tpu.memory_space<vmem_shared>>) target(%arg9 : memref<80x128xf32, #tpu.memory_space<vmem>>) target_semaphore(%run_scoped3A : memref<!tpu.dma_semaphore, #tpu.memory_space<semaphore_mem>>)
      %dma_wait3A = arith.constant 0 : i32
      %dma_wait3A_96 = tpu.memref_slice %arg11[%add3A_65, %dma_wait3A] : memref<10240x128xf32, #tpu.memory_space<vmem_shared>> -> memref<80x128xf32, #tpu.memory_space<vmem_shared>>
      %dma_wait3A_97 = arith.constant 0 : i32
      %dma_wait3A_98 = tpu.memref_slice %arg11[%add3A_65, %dma_wait3A_97] : memref<10240x128xf32, #tpu.memory_space<vmem_shared>> -> memref<80x128xf32, #tpu.memory_space<vmem_shared>>
      tpu.wait_dma2 semaphore(%run_scoped3A : memref<!tpu.dma_semaphore, #tpu.memory_space<semaphore_mem>>) src(%dma_wait3A_98 : memref<80x128xf32, #tpu.memory_space<vmem_shared>>) dst(%arg9 : memref<80x128xf32, #tpu.memory_space<vmem>>)
      tpu.yield
    }) : () -> ()
    %mul3A_66 = arith.constant 10240 : i32
    %mul3A_67 = arith.muli %arg0, %mul3A_66 : i32
    %add3A_68 = arith.addi %mul3A_67, %mul3A_4 : i32
    %add3A_69 = arith.constant 320 : i32
    %add3A_70 = arith.addi %add3A_68, %add3A_69 : i32
    "tpu.region"() ({
      %run_scoped3A = tpu.sem_alloc : memref<!tpu.dma_semaphore, #tpu.memory_space<semaphore_mem>>
      %dma_start3A_92 = arith.constant 0 : i32
      %dma_start3A_93 = tpu.memref_slice %arg6[%add3A_70, %dma_start3A_92] : memref<20480x128xf32, #tpu.memory_space<hbm>> -> memref<80x128xf32, #tpu.memory_space<hbm>>
      %dma_start3A_94 = arith.constant 0 : i32
      %dma_start3A_95 = tpu.memref_slice %arg6[%add3A_70, %dma_start3A_94] : memref<20480x128xf32, #tpu.memory_space<hbm>> -> memref<80x128xf32, #tpu.memory_space<hbm>>
      tpu.enqueue_dma source(%arg9 : memref<80x128xf32, #tpu.memory_space<vmem>>) target(%dma_start3A_95 : memref<80x128xf32, #tpu.memory_space<hbm>>) target_semaphore(%run_scoped3A : memref<!tpu.dma_semaphore, #tpu.memory_space<semaphore_mem>>)
      %dma_wait3A = arith.constant 0 : i32
      %dma_wait3A_96 = tpu.memref_slice %arg6[%add3A_70, %dma_wait3A] : memref<20480x128xf32, #tpu.memory_space<hbm>> -> memref<80x128xf32, #tpu.memory_space<hbm>>
      %dma_wait3A_97 = arith.constant 0 : i32
      %dma_wait3A_98 = tpu.memref_slice %arg6[%add3A_70, %dma_wait3A_97] : memref<20480x128xf32, #tpu.memory_space<hbm>> -> memref<80x128xf32, #tpu.memory_space<hbm>>
      tpu.wait_dma2 semaphore(%run_scoped3A : memref<!tpu.dma_semaphore, #tpu.memory_space<semaphore_mem>>) src(%arg9 : memref<80x128xf32, #tpu.memory_space<vmem>>) dst(%dma_wait3A_98 : memref<80x128xf32, #tpu.memory_space<hbm>>)
      tpu.yield
    }) : () -> ()
    %add3A_71 = arith.constant 400 : i32
    %add3A_72 = arith.addi %mul3A_4, %add3A_71 : i32
    "tpu.region"() ({
      %run_scoped3A = tpu.sem_alloc : memref<!tpu.dma_semaphore, #tpu.memory_space<semaphore_mem>>
      %dma_start3A_92 = arith.constant 0 : i32
      %dma_start3A_93 = tpu.memref_slice %arg11[%add3A_72, %dma_start3A_92] : memref<10240x128xf32, #tpu.memory_space<vmem_shared>> -> memref<80x128xf32, #tpu.memory_space<vmem_shared>>
      %dma_start3A_94 = arith.constant 0 : i32
      %dma_start3A_95 = tpu.memref_slice %arg11[%add3A_72, %dma_start3A_94] : memref<10240x128xf32, #tpu.memory_space<vmem_shared>> -> memref<80x128xf32, #tpu.memory_space<vmem_shared>>
      tpu.enqueue_dma source(%dma_start3A_95 : memref<80x128xf32, #tpu.memory_space<vmem_shared>>) target(%arg9 : memref<80x128xf32, #tpu.memory_space<vmem>>) target_semaphore(%run_scoped3A : memref<!tpu.dma_semaphore, #tpu.memory_space<semaphore_mem>>)
      %dma_wait3A = arith.constant 0 : i32
      %dma_wait3A_96 = tpu.memref_slice %arg11[%add3A_72, %dma_wait3A] : memref<10240x128xf32, #tpu.memory_space<vmem_shared>> -> memref<80x128xf32, #tpu.memory_space<vmem_shared>>
      %dma_wait3A_97 = arith.constant 0 : i32
      %dma_wait3A_98 = tpu.memref_slice %arg11[%add3A_72, %dma_wait3A_97] : memref<10240x128xf32, #tpu.memory_space<vmem_shared>> -> memref<80x128xf32, #tpu.memory_space<vmem_shared>>
      tpu.wait_dma2 semaphore(%run_scoped3A : memref<!tpu.dma_semaphore, #tpu.memory_space<semaphore_mem>>) src(%dma_wait3A_98 : memref<80x128xf32, #tpu.memory_space<vmem_shared>>) dst(%arg9 : memref<80x128xf32, #tpu.memory_space<vmem>>)
      tpu.yield
    }) : () -> ()
    %mul3A_73 = arith.constant 10240 : i32
    %mul3A_74 = arith.muli %arg0, %mul3A_73 : i32
    %add3A_75 = arith.addi %mul3A_74, %mul3A_4 : i32
    %add3A_76 = arith.constant 400 : i32
    %add3A_77 = arith.addi %add3A_75, %add3A_76 : i32
    "tpu.region"() ({
      %run_scoped3A = tpu.sem_alloc : memref<!tpu.dma_semaphore, #tpu.memory_space<semaphore_mem>>
      %dma_start3A_92 = arith.constant 0 : i32
      %dma_start3A_93 = tpu.memref_slice %arg6[%add3A_77, %dma_start3A_92] : memref<20480x128xf32, #tpu.memory_space<hbm>> -> memref<80x128xf32, #tpu.memory_space<hbm>>
      %dma_start3A_94 = arith.constant 0 : i32
      %dma_start3A_95 = tpu.memref_slice %arg6[%add3A_77, %dma_start3A_94] : memref<20480x128xf32, #tpu.memory_space<hbm>> -> memref<80x128xf32, #tpu.memory_space<hbm>>
      tpu.enqueue_dma source(%arg9 : memref<80x128xf32, #tpu.memory_space<vmem>>) target(%dma_start3A_95 : memref<80x128xf32, #tpu.memory_space<hbm>>) target_semaphore(%run_scoped3A : memref<!tpu.dma_semaphore, #tpu.memory_space<semaphore_mem>>)
      %dma_wait3A = arith.constant 0 : i32
      %dma_wait3A_96 = tpu.memref_slice %arg6[%add3A_77, %dma_wait3A] : memref<20480x128xf32, #tpu.memory_space<hbm>> -> memref<80x128xf32, #tpu.memory_space<hbm>>
      %dma_wait3A_97 = arith.constant 0 : i32
      %dma_wait3A_98 = tpu.memref_slice %arg6[%add3A_77, %dma_wait3A_97] : memref<20480x128xf32, #tpu.memory_space<hbm>> -> memref<80x128xf32, #tpu.memory_space<hbm>>
      tpu.wait_dma2 semaphore(%run_scoped3A : memref<!tpu.dma_semaphore, #tpu.memory_space<semaphore_mem>>) src(%arg9 : memref<80x128xf32, #tpu.memory_space<vmem>>) dst(%dma_wait3A_98 : memref<80x128xf32, #tpu.memory_space<hbm>>)
      tpu.yield
    }) : () -> ()
    %add3A_78 = arith.constant 480 : i32
    %add3A_79 = arith.addi %mul3A_4, %add3A_78 : i32
    "tpu.region"() ({
      %run_scoped3A = tpu.sem_alloc : memref<!tpu.dma_semaphore, #tpu.memory_space<semaphore_mem>>
      %dma_start3A_92 = arith.constant 0 : i32
      %dma_start3A_93 = tpu.memref_slice %arg11[%add3A_79, %dma_start3A_92] : memref<10240x128xf32, #tpu.memory_space<vmem_shared>> -> memref<80x128xf32, #tpu.memory_space<vmem_shared>>
      %dma_start3A_94 = arith.constant 0 : i32
      %dma_start3A_95 = tpu.memref_slice %arg11[%add3A_79, %dma_start3A_94] : memref<10240x128xf32, #tpu.memory_space<vmem_shared>> -> memref<80x128xf32, #tpu.memory_space<vmem_shared>>
      tpu.enqueue_dma source(%dma_start3A_95 : memref<80x128xf32, #tpu.memory_space<vmem_shared>>) target(%arg9 : memref<80x128xf32, #tpu.memory_space<vmem>>) target_semaphore(%run_scoped3A : memref<!tpu.dma_semaphore, #tpu.memory_space<semaphore_mem>>)
      %dma_wait3A = arith.constant 0 : i32
      %dma_wait3A_96 = tpu.memref_slice %arg11[%add3A_79, %dma_wait3A] : memref<10240x128xf32, #tpu.memory_space<vmem_shared>> -> memref<80x128xf32, #tpu.memory_space<vmem_shared>>
      %dma_wait3A_97 = arith.constant 0 : i32
      %dma_wait3A_98 = tpu.memref_slice %arg11[%add3A_79, %dma_wait3A_97] : memref<10240x128xf32, #tpu.memory_space<vmem_shared>> -> memref<80x128xf32, #tpu.memory_space<vmem_shared>>
      tpu.wait_dma2 semaphore(%run_scoped3A : memref<!tpu.dma_semaphore, #tpu.memory_space<semaphore_mem>>) src(%dma_wait3A_98 : memref<80x128xf32, #tpu.memory_space<vmem_shared>>) dst(%arg9 : memref<80x128xf32, #tpu.memory_space<vmem>>)
      tpu.yield
    }) : () -> ()
    %mul3A_80 = arith.constant 10240 : i32
    %mul3A_81 = arith.muli %arg0, %mul3A_80 : i32
    %add3A_82 = arith.addi %mul3A_81, %mul3A_4 : i32
    %add3A_83 = arith.constant 480 : i32
    %add3A_84 = arith.addi %add3A_82, %add3A_83 : i32
    "tpu.region"() ({
      %run_scoped3A = tpu.sem_alloc : memref<!tpu.dma_semaphore, #tpu.memory_space<semaphore_mem>>
      %dma_start3A_92 = arith.constant 0 : i32
      %dma_start3A_93 = tpu.memref_slice %arg6[%add3A_84, %dma_start3A_92] : memref<20480x128xf32, #tpu.memory_space<hbm>> -> memref<80x128xf32, #tpu.memory_space<hbm>>
      %dma_start3A_94 = arith.constant 0 : i32
      %dma_start3A_95 = tpu.memref_slice %arg6[%add3A_84, %dma_start3A_94] : memref<20480x128xf32, #tpu.memory_space<hbm>> -> memref<80x128xf32, #tpu.memory_space<hbm>>
      tpu.enqueue_dma source(%arg9 : memref<80x128xf32, #tpu.memory_space<vmem>>) target(%dma_start3A_95 : memref<80x128xf32, #tpu.memory_space<hbm>>) target_semaphore(%run_scoped3A : memref<!tpu.dma_semaphore, #tpu.memory_space<semaphore_mem>>)
      %dma_wait3A = arith.constant 0 : i32
      %dma_wait3A_96 = tpu.memref_slice %arg6[%add3A_84, %dma_wait3A] : memref<20480x128xf32, #tpu.memory_space<hbm>> -> memref<80x128xf32, #tpu.memory_space<hbm>>
      %dma_wait3A_97 = arith.constant 0 : i32
      %dma_wait3A_98 = tpu.memref_slice %arg6[%add3A_84, %dma_wait3A_97] : memref<20480x128xf32, #tpu.memory_space<hbm>> -> memref<80x128xf32, #tpu.memory_space<hbm>>
      tpu.wait_dma2 semaphore(%run_scoped3A : memref<!tpu.dma_semaphore, #tpu.memory_space<semaphore_mem>>) src(%arg9 : memref<80x128xf32, #tpu.memory_space<vmem>>) dst(%dma_wait3A_98 : memref<80x128xf32, #tpu.memory_space<hbm>>)
      tpu.yield
    }) : () -> ()
    %add3A_85 = arith.constant 560 : i32
    %add3A_86 = arith.addi %mul3A_4, %add3A_85 : i32
    "tpu.region"() ({
      %run_scoped3A = tpu.sem_alloc : memref<!tpu.dma_semaphore, #tpu.memory_space<semaphore_mem>>
      %dma_start3A_92 = arith.constant 0 : i32
      %dma_start3A_93 = tpu.memref_slice %arg11[%add3A_86, %dma_start3A_92] : memref<10240x128xf32, #tpu.memory_space<vmem_shared>> -> memref<80x128xf32, #tpu.memory_space<vmem_shared>>
      %dma_start3A_94 = arith.constant 0 : i32
      %dma_start3A_95 = tpu.memref_slice %arg11[%add3A_86, %dma_start3A_94] : memref<10240x128xf32, #tpu.memory_space<vmem_shared>> -> memref<80x128xf32, #tpu.memory_space<vmem_shared>>
      tpu.enqueue_dma source(%dma_start3A_95 : memref<80x128xf32, #tpu.memory_space<vmem_shared>>) target(%arg9 : memref<80x128xf32, #tpu.memory_space<vmem>>) target_semaphore(%run_scoped3A : memref<!tpu.dma_semaphore, #tpu.memory_space<semaphore_mem>>)
      %dma_wait3A = arith.constant 0 : i32
      %dma_wait3A_96 = tpu.memref_slice %arg11[%add3A_86, %dma_wait3A] : memref<10240x128xf32, #tpu.memory_space<vmem_shared>> -> memref<80x128xf32, #tpu.memory_space<vmem_shared>>
      %dma_wait3A_97 = arith.constant 0 : i32
      %dma_wait3A_98 = tpu.memref_slice %arg11[%add3A_86, %dma_wait3A_97] : memref<10240x128xf32, #tpu.memory_space<vmem_shared>> -> memref<80x128xf32, #tpu.memory_space<vmem_shared>>
      tpu.wait_dma2 semaphore(%run_scoped3A : memref<!tpu.dma_semaphore, #tpu.memory_space<semaphore_mem>>) src(%dma_wait3A_98 : memref<80x128xf32, #tpu.memory_space<vmem_shared>>) dst(%arg9 : memref<80x128xf32, #tpu.memory_space<vmem>>)
      tpu.yield
    }) : () -> ()
    %mul3A_87 = arith.constant 10240 : i32
    %mul3A_88 = arith.muli %arg0, %mul3A_87 : i32
    %add3A_89 = arith.addi %mul3A_88, %mul3A_4 : i32
    %add3A_90 = arith.constant 560 : i32
    %add3A_91 = arith.addi %add3A_89, %add3A_90 : i32
    "tpu.region"() ({
      %run_scoped3A = tpu.sem_alloc : memref<!tpu.dma_semaphore, #tpu.memory_space<semaphore_mem>>
      %dma_start3A_92 = arith.constant 0 : i32
      %dma_start3A_93 = tpu.memref_slice %arg6[%add3A_91, %dma_start3A_92] : memref<20480x128xf32, #tpu.memory_space<hbm>> -> memref<80x128xf32, #tpu.memory_space<hbm>>
      %dma_start3A_94 = arith.constant 0 : i32
      %dma_start3A_95 = tpu.memref_slice %arg6[%add3A_91, %dma_start3A_94] : memref<20480x128xf32, #tpu.memory_space<hbm>> -> memref<80x128xf32, #tpu.memory_space<hbm>>
      tpu.enqueue_dma source(%arg9 : memref<80x128xf32, #tpu.memory_space<vmem>>) target(%dma_start3A_95 : memref<80x128xf32, #tpu.memory_space<hbm>>) target_semaphore(%run_scoped3A : memref<!tpu.dma_semaphore, #tpu.memory_space<semaphore_mem>>)
      %dma_wait3A = arith.constant 0 : i32
      %dma_wait3A_96 = tpu.memref_slice %arg6[%add3A_91, %dma_wait3A] : memref<20480x128xf32, #tpu.memory_space<hbm>> -> memref<80x128xf32, #tpu.memory_space<hbm>>
      %dma_wait3A_97 = arith.constant 0 : i32
      %dma_wait3A_98 = tpu.memref_slice %arg6[%add3A_91, %dma_wait3A_97] : memref<20480x128xf32, #tpu.memory_space<hbm>> -> memref<80x128xf32, #tpu.memory_space<hbm>>
      tpu.wait_dma2 semaphore(%run_scoped3A : memref<!tpu.dma_semaphore, #tpu.memory_space<semaphore_mem>>) src(%arg9 : memref<80x128xf32, #tpu.memory_space<vmem>>) dst(%dma_wait3A_98 : memref<80x128xf32, #tpu.memory_space<hbm>>)
      tpu.yield
    }) : () -> ()
    "tpu.trace_stop"() : () -> ()
    return
  }
}

#map = affine_map<(d0, d1) -> (0, 0)>
#map1 = affine_map<(d0, d1) -> (0)>
module attributes {stable_mosaic.version = 14 : i64} {
  func.func @_sc_aggregate(%arg0: i32, %arg1: i32, %arg2: memref<10000x128xf32, #tpu.memory_space<hbm>>, %arg3: memref<327680xi32, #tpu.memory_space<hbm>>, %arg4: memref<327680xi32, #tpu.memory_space<hbm>>, %arg5: memref<80x128xf32, #tpu.memory_space<hbm>>, %arg6: memref<20480x128xf32, #tpu.memory_space<hbm>>, %arg7: memref<10240xi32, #tpu.memory_space<vmem>>, %arg8: memref<10240xi32, #tpu.memory_space<vmem>>, %arg9: memref<80x128xf32, #tpu.memory_space<vmem>>, %arg10: memref<80x128xf32, #tpu.memory_space<vmem>>, %arg11: memref<10240x128xf32, #tpu.memory_space<vmem_shared>>, %arg12: memref<!tpu.dma_semaphore, #tpu.memory_space<semaphore_mem>>, %arg13: memref<!tpu.dma_semaphore, #tpu.memory_space<semaphore_mem>>) attributes {dimension_semantics = [#tpu.dimension_semantics<core_parallel>, #tpu.dimension_semantics<subcore_parallel>], iteration_bounds = array<i64: 2, 16>, scalar_prefetch = 0 : i64, scratch_operands = 7 : i64, tpu.core_type = #tpu.core_type<sc_vector_subcore>, window_params = [{transform_indices = #map}, {transform_indices = #map1}, {transform_indices = #map1}, {transform_indices = #map}, {transform_indices = #map}]} {
    %mul3A = arith.constant 2 : i32
    %mul3A_0 = arith.muli %arg1, %mul3A : i32
    %add3A = arith.addi %mul3A_0, %arg0 : i32
    %mul3A_1 = arith.constant 10240 : i32
    %mul3A_2 = arith.muli %add3A, %mul3A_1 : i32
    %mul3A_3 = arith.constant 640 : i32
    %mul3A_4 = arith.muli %arg1, %mul3A_3 : i32
    "tpu.region"() ({
      %run_scoped3A = tpu.sem_alloc : memref<!tpu.dma_semaphore, #tpu.memory_space<semaphore_mem>>
      %dma_start3A_92 = tpu.memref_slice %arg3[%mul3A_2] : memref<327680xi32, #tpu.memory_space<hbm>> -> memref<10240xi32, #tpu.memory_space<hbm>>
      %dma_start3A_93 = tpu.memref_slice %arg3[%mul3A_2] : memref<327680xi32, #tpu.memory_space<hbm>> -> memref<10240xi32, #tpu.memory_space<hbm>>
      tpu.enqueue_dma source(%dma_start3A_93 : memref<10240xi32, #tpu.memory_space<hbm>>) target(%arg7 : memref<10240xi32, #tpu.memory_space<vmem>>) target_semaphore(%run_scoped3A : memref<!tpu.dma_semaphore, #tpu.memory_space<semaphore_mem>>)
      %dma_wait3A = tpu.memref_slice %arg3[%mul3A_2] : memref<327680xi32, #tpu.memory_space<hbm>> -> memref<10240xi32, #tpu.memory_space<hbm>>
      %dma_wait3A_94 = tpu.memref_slice %arg3[%mul3A_2] : memref<327680xi32, #tpu.memory_space<hbm>> -> memref<10240xi32, #tpu.memory_space<hbm>>
      tpu.wait_dma2 semaphore(%run_scoped3A : memref<!tpu.dma_semaphore, #tpu.memory_space<semaphore_mem>>) src(%dma_wait3A_94 : memref<10240xi32, #tpu.memory_space<hbm>>) dst(%arg7 : memref<10240xi32, #tpu.memory_space<vmem>>)
      tpu.yield
    }) : () -> ()
    "tpu.region"() ({
      %run_scoped3A = tpu.sem_alloc : memref<!tpu.dma_semaphore, #tpu.memory_space<semaphore_mem>>
      %dma_start3A_92 = tpu.memref_slice %arg4[%mul3A_2] : memref<327680xi32, #tpu.memory_space<hbm>> -> memref<10240xi32, #tpu.memory_space<hbm>>
      %dma_start3A_93 = tpu.memref_slice %arg4[%mul3A_2] : memref<327680xi32, #tpu.memory_space<hbm>> -> memref<10240xi32, #tpu.memory_space<hbm>>
      tpu.enqueue_dma source(%dma_start3A_93 : memref<10240xi32, #tpu.memory_space<hbm>>) target(%arg8 : memref<10240xi32, #tpu.memory_space<vmem>>) target_semaphore(%run_scoped3A : memref<!tpu.dma_semaphore, #tpu.memory_space<semaphore_mem>>)
      %dma_wait3A = tpu.memref_slice %arg4[%mul3A_2] : memref<327680xi32, #tpu.memory_space<hbm>> -> memref<10240xi32, #tpu.memory_space<hbm>>
      %dma_wait3A_94 = tpu.memref_slice %arg4[%mul3A_2] : memref<327680xi32, #tpu.memory_space<hbm>> -> memref<10240xi32, #tpu.memory_space<hbm>>
      tpu.wait_dma2 semaphore(%run_scoped3A : memref<!tpu.dma_semaphore, #tpu.memory_space<semaphore_mem>>) src(%dma_wait3A_94 : memref<10240xi32, #tpu.memory_space<hbm>>) dst(%arg8 : memref<10240xi32, #tpu.memory_space<vmem>>)
      tpu.yield
    }) : () -> ()
    "tpu.region"() ({
      %run_scoped3A = tpu.sem_alloc : memref<!tpu.dma_semaphore, #tpu.memory_space<semaphore_mem>>
      tpu.enqueue_dma source(%arg5 : memref<80x128xf32, #tpu.memory_space<hbm>>) target(%arg10 : memref<80x128xf32, #tpu.memory_space<vmem>>) target_semaphore(%run_scoped3A : memref<!tpu.dma_semaphore, #tpu.memory_space<semaphore_mem>>)
      tpu.wait_dma2 semaphore(%run_scoped3A : memref<!tpu.dma_semaphore, #tpu.memory_space<semaphore_mem>>) src(%arg5 : memref<80x128xf32, #tpu.memory_space<hbm>>) dst(%arg10 : memref<80x128xf32, #tpu.memory_space<vmem>>)
      tpu.yield
    }) : () -> ()
    %add3A_5 = arith.constant 0 : i32
    %add3A_6 = arith.addi %mul3A_4, %add3A_5 : i32
    "tpu.region"() ({
      %run_scoped3A = tpu.sem_alloc : memref<!tpu.dma_semaphore, #tpu.memory_space<semaphore_mem>>
      %dma_start3A_92 = arith.constant 0 : i32
      %dma_start3A_93 = tpu.memref_slice %arg11[%add3A_6, %dma_start3A_92] : memref<10240x128xf32, #tpu.memory_space<vmem_shared>> -> memref<80x128xf32, #tpu.memory_space<vmem_shared>>
      %dma_start3A_94 = arith.constant 0 : i32
      %dma_start3A_95 = tpu.memref_slice %arg11[%add3A_6, %dma_start3A_94] : memref<10240x128xf32, #tpu.memory_space<vmem_shared>> -> memref<80x128xf32, #tpu.memory_space<vmem_shared>>
      tpu.enqueue_dma source(%arg10 : memref<80x128xf32, #tpu.memory_space<vmem>>) target(%dma_start3A_95 : memref<80x128xf32, #tpu.memory_space<vmem_shared>>) target_semaphore(%run_scoped3A : memref<!tpu.dma_semaphore, #tpu.memory_space<semaphore_mem>>)
      %dma_wait3A = arith.constant 0 : i32
      %dma_wait3A_96 = tpu.memref_slice %arg11[%add3A_6, %dma_wait3A] : memref<10240x128xf32, #tpu.memory_space<vmem_shared>> -> memref<80x128xf32, #tpu.memory_space<vmem_shared>>
      %dma_wait3A_97 = arith.constant 0 : i32
      %dma_wait3A_98 = tpu.memref_slice %arg11[%add3A_6, %dma_wait3A_97] : memref<10240x128xf32, #tpu.memory_space<vmem_shared>> -> memref<80x128xf32, #tpu.memory_space<vmem_shared>>
      tpu.wait_dma2 semaphore(%run_scoped3A : memref<!tpu.dma_semaphore, #tpu.memory_space<semaphore_mem>>) src(%arg10 : memref<80x128xf32, #tpu.memory_space<vmem>>) dst(%dma_wait3A_98 : memref<80x128xf32, #tpu.memory_space<vmem_shared>>)
      tpu.yield
    }) : () -> ()
    %add3A_7 = arith.constant 80 : i32
    %add3A_8 = arith.addi %mul3A_4, %add3A_7 : i32
    "tpu.region"() ({
      %run_scoped3A = tpu.sem_alloc : memref<!tpu.dma_semaphore, #tpu.memory_space<semaphore_mem>>
      %dma_start3A_92 = arith.constant 0 : i32
      %dma_start3A_93 = tpu.memref_slice %arg11[%add3A_8, %dma_start3A_92] : memref<10240x128xf32, #tpu.memory_space<vmem_shared>> -> memref<80x128xf32, #tpu.memory_space<vmem_shared>>
      %dma_start3A_94 = arith.constant 0 : i32
      %dma_start3A_95 = tpu.memref_slice %arg11[%add3A_8, %dma_start3A_94] : memref<10240x128xf32, #tpu.memory_space<vmem_shared>> -> memref<80x128xf32, #tpu.memory_space<vmem_shared>>
      tpu.enqueue_dma source(%arg10 : memref<80x128xf32, #tpu.memory_space<vmem>>) target(%dma_start3A_95 : memref<80x128xf32, #tpu.memory_space<vmem_shared>>) target_semaphore(%run_scoped3A : memref<!tpu.dma_semaphore, #tpu.memory_space<semaphore_mem>>)
      %dma_wait3A = arith.constant 0 : i32
      %dma_wait3A_96 = tpu.memref_slice %arg11[%add3A_8, %dma_wait3A] : memref<10240x128xf32, #tpu.memory_space<vmem_shared>> -> memref<80x128xf32, #tpu.memory_space<vmem_shared>>
      %dma_wait3A_97 = arith.constant 0 : i32
      %dma_wait3A_98 = tpu.memref_slice %arg11[%add3A_8, %dma_wait3A_97] : memref<10240x128xf32, #tpu.memory_space<vmem_shared>> -> memref<80x128xf32, #tpu.memory_space<vmem_shared>>
      tpu.wait_dma2 semaphore(%run_scoped3A : memref<!tpu.dma_semaphore, #tpu.memory_space<semaphore_mem>>) src(%arg10 : memref<80x128xf32, #tpu.memory_space<vmem>>) dst(%dma_wait3A_98 : memref<80x128xf32, #tpu.memory_space<vmem_shared>>)
      tpu.yield
    }) : () -> ()
    %add3A_9 = arith.constant 160 : i32
    %add3A_10 = arith.addi %mul3A_4, %add3A_9 : i32
    "tpu.region"() ({
      %run_scoped3A = tpu.sem_alloc : memref<!tpu.dma_semaphore, #tpu.memory_space<semaphore_mem>>
      %dma_start3A_92 = arith.constant 0 : i32
      %dma_start3A_93 = tpu.memref_slice %arg11[%add3A_10, %dma_start3A_92] : memref<10240x128xf32, #tpu.memory_space<vmem_shared>> -> memref<80x128xf32, #tpu.memory_space<vmem_shared>>
      %dma_start3A_94 = arith.constant 0 : i32
      %dma_start3A_95 = tpu.memref_slice %arg11[%add3A_10, %dma_start3A_94] : memref<10240x128xf32, #tpu.memory_space<vmem_shared>> -> memref<80x128xf32, #tpu.memory_space<vmem_shared>>
      tpu.enqueue_dma source(%arg10 : memref<80x128xf32, #tpu.memory_space<vmem>>) target(%dma_start3A_95 : memref<80x128xf32, #tpu.memory_space<vmem_shared>>) target_semaphore(%run_scoped3A : memref<!tpu.dma_semaphore, #tpu.memory_space<semaphore_mem>>)
      %dma_wait3A = arith.constant 0 : i32
      %dma_wait3A_96 = tpu.memref_slice %arg11[%add3A_10, %dma_wait3A] : memref<10240x128xf32, #tpu.memory_space<vmem_shared>> -> memref<80x128xf32, #tpu.memory_space<vmem_shared>>
      %dma_wait3A_97 = arith.constant 0 : i32
      %dma_wait3A_98 = tpu.memref_slice %arg11[%add3A_10, %dma_wait3A_97] : memref<10240x128xf32, #tpu.memory_space<vmem_shared>> -> memref<80x128xf32, #tpu.memory_space<vmem_shared>>
      tpu.wait_dma2 semaphore(%run_scoped3A : memref<!tpu.dma_semaphore, #tpu.memory_space<semaphore_mem>>) src(%arg10 : memref<80x128xf32, #tpu.memory_space<vmem>>) dst(%dma_wait3A_98 : memref<80x128xf32, #tpu.memory_space<vmem_shared>>)
      tpu.yield
    }) : () -> ()
    %add3A_11 = arith.constant 240 : i32
    %add3A_12 = arith.addi %mul3A_4, %add3A_11 : i32
    "tpu.region"() ({
      %run_scoped3A = tpu.sem_alloc : memref<!tpu.dma_semaphore, #tpu.memory_space<semaphore_mem>>
      %dma_start3A_92 = arith.constant 0 : i32
      %dma_start3A_93 = tpu.memref_slice %arg11[%add3A_12, %dma_start3A_92] : memref<10240x128xf32, #tpu.memory_space<vmem_shared>> -> memref<80x128xf32, #tpu.memory_space<vmem_shared>>
      %dma_start3A_94 = arith.constant 0 : i32
      %dma_start3A_95 = tpu.memref_slice %arg11[%add3A_12, %dma_start3A_94] : memref<10240x128xf32, #tpu.memory_space<vmem_shared>> -> memref<80x128xf32, #tpu.memory_space<vmem_shared>>
      tpu.enqueue_dma source(%arg10 : memref<80x128xf32, #tpu.memory_space<vmem>>) target(%dma_start3A_95 : memref<80x128xf32, #tpu.memory_space<vmem_shared>>) target_semaphore(%run_scoped3A : memref<!tpu.dma_semaphore, #tpu.memory_space<semaphore_mem>>)
      %dma_wait3A = arith.constant 0 : i32
      %dma_wait3A_96 = tpu.memref_slice %arg11[%add3A_12, %dma_wait3A] : memref<10240x128xf32, #tpu.memory_space<vmem_shared>> -> memref<80x128xf32, #tpu.memory_space<vmem_shared>>
      %dma_wait3A_97 = arith.constant 0 : i32
      %dma_wait3A_98 = tpu.memref_slice %arg11[%add3A_12, %dma_wait3A_97] : memref<10240x128xf32, #tpu.memory_space<vmem_shared>> -> memref<80x128xf32, #tpu.memory_space<vmem_shared>>
      tpu.wait_dma2 semaphore(%run_scoped3A : memref<!tpu.dma_semaphore, #tpu.memory_space<semaphore_mem>>) src(%arg10 : memref<80x128xf32, #tpu.memory_space<vmem>>) dst(%dma_wait3A_98 : memref<80x128xf32, #tpu.memory_space<vmem_shared>>)
      tpu.yield
    }) : () -> ()
    %add3A_13 = arith.constant 320 : i32
    %add3A_14 = arith.addi %mul3A_4, %add3A_13 : i32
    "tpu.region"() ({
      %run_scoped3A = tpu.sem_alloc : memref<!tpu.dma_semaphore, #tpu.memory_space<semaphore_mem>>
      %dma_start3A_92 = arith.constant 0 : i32
      %dma_start3A_93 = tpu.memref_slice %arg11[%add3A_14, %dma_start3A_92] : memref<10240x128xf32, #tpu.memory_space<vmem_shared>> -> memref<80x128xf32, #tpu.memory_space<vmem_shared>>
      %dma_start3A_94 = arith.constant 0 : i32
      %dma_start3A_95 = tpu.memref_slice %arg11[%add3A_14, %dma_start3A_94] : memref<10240x128xf32, #tpu.memory_space<vmem_shared>> -> memref<80x128xf32, #tpu.memory_space<vmem_shared>>
      tpu.enqueue_dma source(%arg10 : memref<80x128xf32, #tpu.memory_space<vmem>>) target(%dma_start3A_95 : memref<80x128xf32, #tpu.memory_space<vmem_shared>>) target_semaphore(%run_scoped3A : memref<!tpu.dma_semaphore, #tpu.memory_space<semaphore_mem>>)
      %dma_wait3A = arith.constant 0 : i32
      %dma_wait3A_96 = tpu.memref_slice %arg11[%add3A_14, %dma_wait3A] : memref<10240x128xf32, #tpu.memory_space<vmem_shared>> -> memref<80x128xf32, #tpu.memory_space<vmem_shared>>
      %dma_wait3A_97 = arith.constant 0 : i32
      %dma_wait3A_98 = tpu.memref_slice %arg11[%add3A_14, %dma_wait3A_97] : memref<10240x128xf32, #tpu.memory_space<vmem_shared>> -> memref<80x128xf32, #tpu.memory_space<vmem_shared>>
      tpu.wait_dma2 semaphore(%run_scoped3A : memref<!tpu.dma_semaphore, #tpu.memory_space<semaphore_mem>>) src(%arg10 : memref<80x128xf32, #tpu.memory_space<vmem>>) dst(%dma_wait3A_98 : memref<80x128xf32, #tpu.memory_space<vmem_shared>>)
      tpu.yield
    }) : () -> ()
    %add3A_15 = arith.constant 400 : i32
    %add3A_16 = arith.addi %mul3A_4, %add3A_15 : i32
    "tpu.region"() ({
      %run_scoped3A = tpu.sem_alloc : memref<!tpu.dma_semaphore, #tpu.memory_space<semaphore_mem>>
      %dma_start3A_92 = arith.constant 0 : i32
      %dma_start3A_93 = tpu.memref_slice %arg11[%add3A_16, %dma_start3A_92] : memref<10240x128xf32, #tpu.memory_space<vmem_shared>> -> memref<80x128xf32, #tpu.memory_space<vmem_shared>>
      %dma_start3A_94 = arith.constant 0 : i32
      %dma_start3A_95 = tpu.memref_slice %arg11[%add3A_16, %dma_start3A_94] : memref<10240x128xf32, #tpu.memory_space<vmem_shared>> -> memref<80x128xf32, #tpu.memory_space<vmem_shared>>
      tpu.enqueue_dma source(%arg10 : memref<80x128xf32, #tpu.memory_space<vmem>>) target(%dma_start3A_95 : memref<80x128xf32, #tpu.memory_space<vmem_shared>>) target_semaphore(%run_scoped3A : memref<!tpu.dma_semaphore, #tpu.memory_space<semaphore_mem>>)
      %dma_wait3A = arith.constant 0 : i32
      %dma_wait3A_96 = tpu.memref_slice %arg11[%add3A_16, %dma_wait3A] : memref<10240x128xf32, #tpu.memory_space<vmem_shared>> -> memref<80x128xf32, #tpu.memory_space<vmem_shared>>
      %dma_wait3A_97 = arith.constant 0 : i32
      %dma_wait3A_98 = tpu.memref_slice %arg11[%add3A_16, %dma_wait3A_97] : memref<10240x128xf32, #tpu.memory_space<vmem_shared>> -> memref<80x128xf32, #tpu.memory_space<vmem_shared>>
      tpu.wait_dma2 semaphore(%run_scoped3A : memref<!tpu.dma_semaphore, #tpu.memory_space<semaphore_mem>>) src(%arg10 : memref<80x128xf32, #tpu.memory_space<vmem>>) dst(%dma_wait3A_98 : memref<80x128xf32, #tpu.memory_space<vmem_shared>>)
      tpu.yield
    }) : () -> ()
    %add3A_17 = arith.constant 480 : i32
    %add3A_18 = arith.addi %mul3A_4, %add3A_17 : i32
    "tpu.region"() ({
      %run_scoped3A = tpu.sem_alloc : memref<!tpu.dma_semaphore, #tpu.memory_space<semaphore_mem>>
      %dma_start3A_92 = arith.constant 0 : i32
      %dma_start3A_93 = tpu.memref_slice %arg11[%add3A_18, %dma_start3A_92] : memref<10240x128xf32, #tpu.memory_space<vmem_shared>> -> memref<80x128xf32, #tpu.memory_space<vmem_shared>>
      %dma_start3A_94 = arith.constant 0 : i32
      %dma_start3A_95 = tpu.memref_slice %arg11[%add3A_18, %dma_start3A_94] : memref<10240x128xf32, #tpu.memory_space<vmem_shared>> -> memref<80x128xf32, #tpu.memory_space<vmem_shared>>
      tpu.enqueue_dma source(%arg10 : memref<80x128xf32, #tpu.memory_space<vmem>>) target(%dma_start3A_95 : memref<80x128xf32, #tpu.memory_space<vmem_shared>>) target_semaphore(%run_scoped3A : memref<!tpu.dma_semaphore, #tpu.memory_space<semaphore_mem>>)
      %dma_wait3A = arith.constant 0 : i32
      %dma_wait3A_96 = tpu.memref_slice %arg11[%add3A_18, %dma_wait3A] : memref<10240x128xf32, #tpu.memory_space<vmem_shared>> -> memref<80x128xf32, #tpu.memory_space<vmem_shared>>
      %dma_wait3A_97 = arith.constant 0 : i32
      %dma_wait3A_98 = tpu.memref_slice %arg11[%add3A_18, %dma_wait3A_97] : memref<10240x128xf32, #tpu.memory_space<vmem_shared>> -> memref<80x128xf32, #tpu.memory_space<vmem_shared>>
      tpu.wait_dma2 semaphore(%run_scoped3A : memref<!tpu.dma_semaphore, #tpu.memory_space<semaphore_mem>>) src(%arg10 : memref<80x128xf32, #tpu.memory_space<vmem>>) dst(%dma_wait3A_98 : memref<80x128xf32, #tpu.memory_space<vmem_shared>>)
      tpu.yield
    }) : () -> ()
    %add3A_19 = arith.constant 560 : i32
    %add3A_20 = arith.addi %mul3A_4, %add3A_19 : i32
    "tpu.region"() ({
      %run_scoped3A = tpu.sem_alloc : memref<!tpu.dma_semaphore, #tpu.memory_space<semaphore_mem>>
      %dma_start3A_92 = arith.constant 0 : i32
      %dma_start3A_93 = tpu.memref_slice %arg11[%add3A_20, %dma_start3A_92] : memref<10240x128xf32, #tpu.memory_space<vmem_shared>> -> memref<80x128xf32, #tpu.memory_space<vmem_shared>>
      %dma_start3A_94 = arith.constant 0 : i32
      %dma_start3A_95 = tpu.memref_slice %arg11[%add3A_20, %dma_start3A_94] : memref<10240x128xf32, #tpu.memory_space<vmem_shared>> -> memref<80x128xf32, #tpu.memory_space<vmem_shared>>
      tpu.enqueue_dma source(%arg10 : memref<80x128xf32, #tpu.memory_space<vmem>>) target(%dma_start3A_95 : memref<80x128xf32, #tpu.memory_space<vmem_shared>>) target_semaphore(%run_scoped3A : memref<!tpu.dma_semaphore, #tpu.memory_space<semaphore_mem>>)
      %dma_wait3A = arith.constant 0 : i32
      %dma_wait3A_96 = tpu.memref_slice %arg11[%add3A_20, %dma_wait3A] : memref<10240x128xf32, #tpu.memory_space<vmem_shared>> -> memref<80x128xf32, #tpu.memory_space<vmem_shared>>
      %dma_wait3A_97 = arith.constant 0 : i32
      %dma_wait3A_98 = tpu.memref_slice %arg11[%add3A_20, %dma_wait3A_97] : memref<10240x128xf32, #tpu.memory_space<vmem_shared>> -> memref<80x128xf32, #tpu.memory_space<vmem_shared>>
      tpu.wait_dma2 semaphore(%run_scoped3A : memref<!tpu.dma_semaphore, #tpu.memory_space<semaphore_mem>>) src(%arg10 : memref<80x128xf32, #tpu.memory_space<vmem>>) dst(%dma_wait3A_98 : memref<80x128xf32, #tpu.memory_space<vmem_shared>>)
      tpu.yield
    }) : () -> ()
    %barrier3A = arith.constant 0 : index
    tpu.barrier barrier_id(%barrier3A)
    %dma_start3A = arith.constant 0 : i32
    %dma_start3A_21 = tpu.memref_slice %arg7[%dma_start3A] : memref<10240xi32, #tpu.memory_space<vmem>> -> memref<80xi32, #tpu.memory_space<vmem>>
    %dma_start3A_22 = arith.constant 0 : i32
    %dma_start3A_23 = arith.constant 0 : i32
    %dma_start3A_24 = tpu.memref_slice %arg2[%dma_start3A_22, %dma_start3A_23] : memref<10000x128xf32, #tpu.memory_space<hbm>> -> memref<10000x128xf32, #tpu.memory_space<hbm>>
    tpu.enqueue_indirect_dma source(%dma_start3A_24 : memref<10000x128xf32, #tpu.memory_space<hbm>>) target(%arg9 : memref<80x128xf32, #tpu.memory_space<vmem>>) offsets(%dma_start3A_21 : memref<80xi32, #tpu.memory_space<vmem>>) semaphore(%arg12 : memref<!tpu.dma_semaphore, #tpu.memory_space<semaphore_mem>>)
    %dma_start3A_25 = arith.constant 80 : i32
    %dma_start3A_26 = tpu.memref_slice %arg7[%dma_start3A_25] : memref<10240xi32, #tpu.memory_space<vmem>> -> memref<80xi32, #tpu.memory_space<vmem>>
    %dma_start3A_27 = arith.constant 0 : i32
    %dma_start3A_28 = arith.constant 0 : i32
    %dma_start3A_29 = tpu.memref_slice %arg2[%dma_start3A_27, %dma_start3A_28] : memref<10000x128xf32, #tpu.memory_space<hbm>> -> memref<10000x128xf32, #tpu.memory_space<hbm>>
    tpu.enqueue_indirect_dma source(%dma_start3A_29 : memref<10000x128xf32, #tpu.memory_space<hbm>>) target(%arg10 : memref<80x128xf32, #tpu.memory_space<vmem>>) offsets(%dma_start3A_26 : memref<80xi32, #tpu.memory_space<vmem>>) semaphore(%arg13 : memref<!tpu.dma_semaphore, #tpu.memory_space<semaphore_mem>>)
    %scan3A = arith.constant 0 : i32
    %scan3A_30 = arith.constant 0 : i32
    %scan3A_31 = arith.constant 64 : i32
    %scan3A_32 = arith.addi %scan3A_30, %scan3A_31 : i32
    %scan3A_33 = arith.constant 1 : i32
    scf.for %scan3A_92 = %scan3A_30 to %scan3A_32 step %scan3A_33  : i32 {
      %mul3A_93 = arith.constant 2 : i32
      %mul3A_94 = arith.muli %scan3A_92, %mul3A_93 : i32
      %mul3A_95 = arith.constant 80 : i32
      %mul3A_96 = arith.muli %mul3A_94, %mul3A_95 : i32
      %dma_wait3A = tpu.memref_slice %arg7[%mul3A_96] : memref<10240xi32, #tpu.memory_space<vmem>> -> memref<80xi32, #tpu.memory_space<vmem>>
      %dma_wait3A_97 = arith.constant 0 : i32
      %dma_wait3A_98 = arith.constant 0 : i32
      %dma_wait3A_99 = tpu.memref_slice %arg2[%dma_wait3A_97, %dma_wait3A_98] : memref<10000x128xf32, #tpu.memory_space<hbm>> -> memref<10000x128xf32, #tpu.memory_space<hbm>>
      tpu.wait_indirect_dma semaphore(%arg12 : memref<!tpu.dma_semaphore, #tpu.memory_space<semaphore_mem>>) src(%dma_wait3A_99 : memref<10000x128xf32, #tpu.memory_space<hbm>>) dst(%arg9 : memref<80x128xf32, #tpu.memory_space<vmem>>)
      %mul3A_100 = arith.constant 80 : i32
      %mul3A_101 = arith.muli %mul3A_94, %mul3A_100 : i32
      "tpu.region"() ({
        %run_scoped3A = tpu.sem_alloc : memref<!tpu.dma_semaphore, #tpu.memory_space<semaphore_mem>>
        %dma_start3A_123 = tpu.memref_slice %arg8[%mul3A_101] : memref<10240xi32, #tpu.memory_space<vmem>> -> memref<80xi32, #tpu.memory_space<vmem>>
        %dma_start3A_124 = arith.constant 0 : i32
        %dma_start3A_125 = arith.constant 0 : i32
        %dma_start3A_126 = tpu.memref_slice %arg11[%dma_start3A_124, %dma_start3A_125] : memref<10240x128xf32, #tpu.memory_space<vmem_shared>> -> memref<10240x128xf32, #tpu.memory_space<vmem_shared>>
        tpu.enqueue_indirect_dma source(%arg9 : memref<80x128xf32, #tpu.memory_space<vmem>>) target(%dma_start3A_126 : memref<10240x128xf32, #tpu.memory_space<vmem_shared>>) offsets(%dma_start3A_123 : memref<80xi32, #tpu.memory_space<vmem>>) semaphore(%run_scoped3A : memref<!tpu.dma_semaphore, #tpu.memory_space<semaphore_mem>>) {add = true}
        %dma_wait3A_127 = tpu.memref_slice %arg8[%mul3A_101] : memref<10240xi32, #tpu.memory_space<vmem>> -> memref<80xi32, #tpu.memory_space<vmem>>
        %dma_wait3A_128 = arith.constant 0 : i32
        %dma_wait3A_129 = arith.constant 0 : i32
        %dma_wait3A_130 = tpu.memref_slice %arg11[%dma_wait3A_128, %dma_wait3A_129] : memref<10240x128xf32, #tpu.memory_space<vmem_shared>> -> memref<10240x128xf32, #tpu.memory_space<vmem_shared>>
        tpu.wait_indirect_dma semaphore(%run_scoped3A : memref<!tpu.dma_semaphore, #tpu.memory_space<semaphore_mem>>) src(%arg9 : memref<80x128xf32, #tpu.memory_space<vmem>>) dst(%dma_wait3A_130 : memref<10240x128xf32, #tpu.memory_space<vmem_shared>>)
        tpu.yield
      }) : () -> ()
      %add3A_102 = arith.constant 2 : i32
      %add3A_103 = arith.addi %mul3A_94, %add3A_102 : i32
      %lt3A = arith.constant 128 : i32
      %lt3A_104 = arith.cmpi slt, %add3A_103, %lt3A : i32
      %convert_element_type3A = arith.extui %lt3A_104 : i1 to i32
      %cond3A = arith.constant 0 : i32
      %cond3A_105 = arith.cmpi ne, %convert_element_type3A, %cond3A : i32
      scf.if %cond3A_105 {
        %add3A_123 = arith.constant 2 : i32
        %add3A_124 = arith.addi %mul3A_94, %add3A_123 : i32
        %mul3A_125 = arith.constant 80 : i32
        %mul3A_126 = arith.muli %add3A_124, %mul3A_125 : i32
        %dma_start3A_127 = tpu.memref_slice %arg7[%mul3A_126] : memref<10240xi32, #tpu.memory_space<vmem>> -> memref<80xi32, #tpu.memory_space<vmem>>
        %dma_start3A_128 = arith.constant 0 : i32
        %dma_start3A_129 = arith.constant 0 : i32
        %dma_start3A_130 = tpu.memref_slice %arg2[%dma_start3A_128, %dma_start3A_129] : memref<10000x128xf32, #tpu.memory_space<hbm>> -> memref<10000x128xf32, #tpu.memory_space<hbm>>
        tpu.enqueue_indirect_dma source(%dma_start3A_130 : memref<10000x128xf32, #tpu.memory_space<hbm>>) target(%arg9 : memref<80x128xf32, #tpu.memory_space<vmem>>) offsets(%dma_start3A_127 : memref<80xi32, #tpu.memory_space<vmem>>) semaphore(%arg12 : memref<!tpu.dma_semaphore, #tpu.memory_space<semaphore_mem>>)
      } else {
      }
      %add3A_106 = arith.constant 1 : i32
      %add3A_107 = arith.addi %mul3A_94, %add3A_106 : i32
      %mul3A_108 = arith.constant 80 : i32
      %mul3A_109 = arith.muli %add3A_107, %mul3A_108 : i32
      %dma_wait3A_110 = tpu.memref_slice %arg7[%mul3A_109] : memref<10240xi32, #tpu.memory_space<vmem>> -> memref<80xi32, #tpu.memory_space<vmem>>
      %dma_wait3A_111 = arith.constant 0 : i32
      %dma_wait3A_112 = arith.constant 0 : i32
      %dma_wait3A_113 = tpu.memref_slice %arg2[%dma_wait3A_111, %dma_wait3A_112] : memref<10000x128xf32, #tpu.memory_space<hbm>> -> memref<10000x128xf32, #tpu.memory_space<hbm>>
      tpu.wait_indirect_dma semaphore(%arg13 : memref<!tpu.dma_semaphore, #tpu.memory_space<semaphore_mem>>) src(%dma_wait3A_113 : memref<10000x128xf32, #tpu.memory_space<hbm>>) dst(%arg10 : memref<80x128xf32, #tpu.memory_space<vmem>>)
      %mul3A_114 = arith.constant 80 : i32
      %mul3A_115 = arith.muli %add3A_107, %mul3A_114 : i32
      "tpu.region"() ({
        %run_scoped3A = tpu.sem_alloc : memref<!tpu.dma_semaphore, #tpu.memory_space<semaphore_mem>>
        %dma_start3A_123 = tpu.memref_slice %arg8[%mul3A_115] : memref<10240xi32, #tpu.memory_space<vmem>> -> memref<80xi32, #tpu.memory_space<vmem>>
        %dma_start3A_124 = arith.constant 0 : i32
        %dma_start3A_125 = arith.constant 0 : i32
        %dma_start3A_126 = tpu.memref_slice %arg11[%dma_start3A_124, %dma_start3A_125] : memref<10240x128xf32, #tpu.memory_space<vmem_shared>> -> memref<10240x128xf32, #tpu.memory_space<vmem_shared>>
        tpu.enqueue_indirect_dma source(%arg10 : memref<80x128xf32, #tpu.memory_space<vmem>>) target(%dma_start3A_126 : memref<10240x128xf32, #tpu.memory_space<vmem_shared>>) offsets(%dma_start3A_123 : memref<80xi32, #tpu.memory_space<vmem>>) semaphore(%run_scoped3A : memref<!tpu.dma_semaphore, #tpu.memory_space<semaphore_mem>>) {add = true}
        %dma_wait3A_127 = tpu.memref_slice %arg8[%mul3A_115] : memref<10240xi32, #tpu.memory_space<vmem>> -> memref<80xi32, #tpu.memory_space<vmem>>
        %dma_wait3A_128 = arith.constant 0 : i32
        %dma_wait3A_129 = arith.constant 0 : i32
        %dma_wait3A_130 = tpu.memref_slice %arg11[%dma_wait3A_128, %dma_wait3A_129] : memref<10240x128xf32, #tpu.memory_space<vmem_shared>> -> memref<10240x128xf32, #tpu.memory_space<vmem_shared>>
        tpu.wait_indirect_dma semaphore(%run_scoped3A : memref<!tpu.dma_semaphore, #tpu.memory_space<semaphore_mem>>) src(%arg10 : memref<80x128xf32, #tpu.memory_space<vmem>>) dst(%dma_wait3A_130 : memref<10240x128xf32, #tpu.memory_space<vmem_shared>>)
        tpu.yield
      }) : () -> ()
      %add3A_116 = arith.constant 2 : i32
      %add3A_117 = arith.addi %add3A_107, %add3A_116 : i32
      %lt3A_118 = arith.constant 128 : i32
      %lt3A_119 = arith.cmpi slt, %add3A_117, %lt3A_118 : i32
      %convert_element_type3A_120 = arith.extui %lt3A_119 : i1 to i32
      %cond3A_121 = arith.constant 0 : i32
      %cond3A_122 = arith.cmpi ne, %convert_element_type3A_120, %cond3A_121 : i32
      scf.if %cond3A_122 {
        %add3A_123 = arith.constant 2 : i32
        %add3A_124 = arith.addi %add3A_107, %add3A_123 : i32
        %mul3A_125 = arith.constant 80 : i32
        %mul3A_126 = arith.muli %add3A_124, %mul3A_125 : i32
        %dma_start3A_127 = tpu.memref_slice %arg7[%mul3A_126] : memref<10240xi32, #tpu.memory_space<vmem>> -> memref<80xi32, #tpu.memory_space<vmem>>
        %dma_start3A_128 = arith.constant 0 : i32
        %dma_start3A_129 = arith.constant 0 : i32
        %dma_start3A_130 = tpu.memref_slice %arg2[%dma_start3A_128, %dma_start3A_129] : memref<10000x128xf32, #tpu.memory_space<hbm>> -> memref<10000x128xf32, #tpu.memory_space<hbm>>
        tpu.enqueue_indirect_dma source(%dma_start3A_130 : memref<10000x128xf32, #tpu.memory_space<hbm>>) target(%arg10 : memref<80x128xf32, #tpu.memory_space<vmem>>) offsets(%dma_start3A_127 : memref<80xi32, #tpu.memory_space<vmem>>) semaphore(%arg13 : memref<!tpu.dma_semaphore, #tpu.memory_space<semaphore_mem>>)
      } else {
      }
    }
    %scan3A_34 = arith.constant 64 : i32
    %barrier3A_35 = arith.constant 0 : index
    tpu.barrier barrier_id(%barrier3A_35)
    "tpu.trace_start"() <{level = 10 : i32, message = "agg_dump"}> : () -> ()
    %add3A_36 = arith.constant 0 : i32
    %add3A_37 = arith.addi %mul3A_4, %add3A_36 : i32
    "tpu.region"() ({
      %run_scoped3A = tpu.sem_alloc : memref<!tpu.dma_semaphore, #tpu.memory_space<semaphore_mem>>
      %dma_start3A_92 = arith.constant 0 : i32
      %dma_start3A_93 = tpu.memref_slice %arg11[%add3A_37, %dma_start3A_92] : memref<10240x128xf32, #tpu.memory_space<vmem_shared>> -> memref<80x128xf32, #tpu.memory_space<vmem_shared>>
      %dma_start3A_94 = arith.constant 0 : i32
      %dma_start3A_95 = tpu.memref_slice %arg11[%add3A_37, %dma_start3A_94] : memref<10240x128xf32, #tpu.memory_space<vmem_shared>> -> memref<80x128xf32, #tpu.memory_space<vmem_shared>>
      tpu.enqueue_dma source(%dma_start3A_95 : memref<80x128xf32, #tpu.memory_space<vmem_shared>>) target(%arg9 : memref<80x128xf32, #tpu.memory_space<vmem>>) target_semaphore(%run_scoped3A : memref<!tpu.dma_semaphore, #tpu.memory_space<semaphore_mem>>)
      %dma_wait3A = arith.constant 0 : i32
      %dma_wait3A_96 = tpu.memref_slice %arg11[%add3A_37, %dma_wait3A] : memref<10240x128xf32, #tpu.memory_space<vmem_shared>> -> memref<80x128xf32, #tpu.memory_space<vmem_shared>>
      %dma_wait3A_97 = arith.constant 0 : i32
      %dma_wait3A_98 = tpu.memref_slice %arg11[%add3A_37, %dma_wait3A_97] : memref<10240x128xf32, #tpu.memory_space<vmem_shared>> -> memref<80x128xf32, #tpu.memory_space<vmem_shared>>
      tpu.wait_dma2 semaphore(%run_scoped3A : memref<!tpu.dma_semaphore, #tpu.memory_space<semaphore_mem>>) src(%dma_wait3A_98 : memref<80x128xf32, #tpu.memory_space<vmem_shared>>) dst(%arg9 : memref<80x128xf32, #tpu.memory_space<vmem>>)
      tpu.yield
    }) : () -> ()
    %mul3A_38 = arith.constant 10240 : i32
    %mul3A_39 = arith.muli %arg0, %mul3A_38 : i32
    %add3A_40 = arith.addi %mul3A_39, %mul3A_4 : i32
    %add3A_41 = arith.constant 0 : i32
    %add3A_42 = arith.addi %add3A_40, %add3A_41 : i32
    "tpu.region"() ({
      %run_scoped3A = tpu.sem_alloc : memref<!tpu.dma_semaphore, #tpu.memory_space<semaphore_mem>>
      %dma_start3A_92 = arith.constant 0 : i32
      %dma_start3A_93 = tpu.memref_slice %arg6[%add3A_42, %dma_start3A_92] : memref<20480x128xf32, #tpu.memory_space<hbm>> -> memref<80x128xf32, #tpu.memory_space<hbm>>
      %dma_start3A_94 = arith.constant 0 : i32
      %dma_start3A_95 = tpu.memref_slice %arg6[%add3A_42, %dma_start3A_94] : memref<20480x128xf32, #tpu.memory_space<hbm>> -> memref<80x128xf32, #tpu.memory_space<hbm>>
      tpu.enqueue_dma source(%arg9 : memref<80x128xf32, #tpu.memory_space<vmem>>) target(%dma_start3A_95 : memref<80x128xf32, #tpu.memory_space<hbm>>) target_semaphore(%run_scoped3A : memref<!tpu.dma_semaphore, #tpu.memory_space<semaphore_mem>>)
      %dma_wait3A = arith.constant 0 : i32
      %dma_wait3A_96 = tpu.memref_slice %arg6[%add3A_42, %dma_wait3A] : memref<20480x128xf32, #tpu.memory_space<hbm>> -> memref<80x128xf32, #tpu.memory_space<hbm>>
      %dma_wait3A_97 = arith.constant 0 : i32
      %dma_wait3A_98 = tpu.memref_slice %arg6[%add3A_42, %dma_wait3A_97] : memref<20480x128xf32, #tpu.memory_space<hbm>> -> memref<80x128xf32, #tpu.memory_space<hbm>>
      tpu.wait_dma2 semaphore(%run_scoped3A : memref<!tpu.dma_semaphore, #tpu.memory_space<semaphore_mem>>) src(%arg9 : memref<80x128xf32, #tpu.memory_space<vmem>>) dst(%dma_wait3A_98 : memref<80x128xf32, #tpu.memory_space<hbm>>)
      tpu.yield
    }) : () -> ()
    %add3A_43 = arith.constant 80 : i32
    %add3A_44 = arith.addi %mul3A_4, %add3A_43 : i32
    "tpu.region"() ({
      %run_scoped3A = tpu.sem_alloc : memref<!tpu.dma_semaphore, #tpu.memory_space<semaphore_mem>>
      %dma_start3A_92 = arith.constant 0 : i32
      %dma_start3A_93 = tpu.memref_slice %arg11[%add3A_44, %dma_start3A_92] : memref<10240x128xf32, #tpu.memory_space<vmem_shared>> -> memref<80x128xf32, #tpu.memory_space<vmem_shared>>
      %dma_start3A_94 = arith.constant 0 : i32
      %dma_start3A_95 = tpu.memref_slice %arg11[%add3A_44, %dma_start3A_94] : memref<10240x128xf32, #tpu.memory_space<vmem_shared>> -> memref<80x128xf32, #tpu.memory_space<vmem_shared>>
      tpu.enqueue_dma source(%dma_start3A_95 : memref<80x128xf32, #tpu.memory_space<vmem_shared>>) target(%arg9 : memref<80x128xf32, #tpu.memory_space<vmem>>) target_semaphore(%run_scoped3A : memref<!tpu.dma_semaphore, #tpu.memory_space<semaphore_mem>>)
      %dma_wait3A = arith.constant 0 : i32
      %dma_wait3A_96 = tpu.memref_slice %arg11[%add3A_44, %dma_wait3A] : memref<10240x128xf32, #tpu.memory_space<vmem_shared>> -> memref<80x128xf32, #tpu.memory_space<vmem_shared>>
      %dma_wait3A_97 = arith.constant 0 : i32
      %dma_wait3A_98 = tpu.memref_slice %arg11[%add3A_44, %dma_wait3A_97] : memref<10240x128xf32, #tpu.memory_space<vmem_shared>> -> memref<80x128xf32, #tpu.memory_space<vmem_shared>>
      tpu.wait_dma2 semaphore(%run_scoped3A : memref<!tpu.dma_semaphore, #tpu.memory_space<semaphore_mem>>) src(%dma_wait3A_98 : memref<80x128xf32, #tpu.memory_space<vmem_shared>>) dst(%arg9 : memref<80x128xf32, #tpu.memory_space<vmem>>)
      tpu.yield
    }) : () -> ()
    %mul3A_45 = arith.constant 10240 : i32
    %mul3A_46 = arith.muli %arg0, %mul3A_45 : i32
    %add3A_47 = arith.addi %mul3A_46, %mul3A_4 : i32
    %add3A_48 = arith.constant 80 : i32
    %add3A_49 = arith.addi %add3A_47, %add3A_48 : i32
    "tpu.region"() ({
      %run_scoped3A = tpu.sem_alloc : memref<!tpu.dma_semaphore, #tpu.memory_space<semaphore_mem>>
      %dma_start3A_92 = arith.constant 0 : i32
      %dma_start3A_93 = tpu.memref_slice %arg6[%add3A_49, %dma_start3A_92] : memref<20480x128xf32, #tpu.memory_space<hbm>> -> memref<80x128xf32, #tpu.memory_space<hbm>>
      %dma_start3A_94 = arith.constant 0 : i32
      %dma_start3A_95 = tpu.memref_slice %arg6[%add3A_49, %dma_start3A_94] : memref<20480x128xf32, #tpu.memory_space<hbm>> -> memref<80x128xf32, #tpu.memory_space<hbm>>
      tpu.enqueue_dma source(%arg9 : memref<80x128xf32, #tpu.memory_space<vmem>>) target(%dma_start3A_95 : memref<80x128xf32, #tpu.memory_space<hbm>>) target_semaphore(%run_scoped3A : memref<!tpu.dma_semaphore, #tpu.memory_space<semaphore_mem>>)
      %dma_wait3A = arith.constant 0 : i32
      %dma_wait3A_96 = tpu.memref_slice %arg6[%add3A_49, %dma_wait3A] : memref<20480x128xf32, #tpu.memory_space<hbm>> -> memref<80x128xf32, #tpu.memory_space<hbm>>
      %dma_wait3A_97 = arith.constant 0 : i32
      %dma_wait3A_98 = tpu.memref_slice %arg6[%add3A_49, %dma_wait3A_97] : memref<20480x128xf32, #tpu.memory_space<hbm>> -> memref<80x128xf32, #tpu.memory_space<hbm>>
      tpu.wait_dma2 semaphore(%run_scoped3A : memref<!tpu.dma_semaphore, #tpu.memory_space<semaphore_mem>>) src(%arg9 : memref<80x128xf32, #tpu.memory_space<vmem>>) dst(%dma_wait3A_98 : memref<80x128xf32, #tpu.memory_space<hbm>>)
      tpu.yield
    }) : () -> ()
    %add3A_50 = arith.constant 160 : i32
    %add3A_51 = arith.addi %mul3A_4, %add3A_50 : i32
    "tpu.region"() ({
      %run_scoped3A = tpu.sem_alloc : memref<!tpu.dma_semaphore, #tpu.memory_space<semaphore_mem>>
      %dma_start3A_92 = arith.constant 0 : i32
      %dma_start3A_93 = tpu.memref_slice %arg11[%add3A_51, %dma_start3A_92] : memref<10240x128xf32, #tpu.memory_space<vmem_shared>> -> memref<80x128xf32, #tpu.memory_space<vmem_shared>>
      %dma_start3A_94 = arith.constant 0 : i32
      %dma_start3A_95 = tpu.memref_slice %arg11[%add3A_51, %dma_start3A_94] : memref<10240x128xf32, #tpu.memory_space<vmem_shared>> -> memref<80x128xf32, #tpu.memory_space<vmem_shared>>
      tpu.enqueue_dma source(%dma_start3A_95 : memref<80x128xf32, #tpu.memory_space<vmem_shared>>) target(%arg9 : memref<80x128xf32, #tpu.memory_space<vmem>>) target_semaphore(%run_scoped3A : memref<!tpu.dma_semaphore, #tpu.memory_space<semaphore_mem>>)
      %dma_wait3A = arith.constant 0 : i32
      %dma_wait3A_96 = tpu.memref_slice %arg11[%add3A_51, %dma_wait3A] : memref<10240x128xf32, #tpu.memory_space<vmem_shared>> -> memref<80x128xf32, #tpu.memory_space<vmem_shared>>
      %dma_wait3A_97 = arith.constant 0 : i32
      %dma_wait3A_98 = tpu.memref_slice %arg11[%add3A_51, %dma_wait3A_97] : memref<10240x128xf32, #tpu.memory_space<vmem_shared>> -> memref<80x128xf32, #tpu.memory_space<vmem_shared>>
      tpu.wait_dma2 semaphore(%run_scoped3A : memref<!tpu.dma_semaphore, #tpu.memory_space<semaphore_mem>>) src(%dma_wait3A_98 : memref<80x128xf32, #tpu.memory_space<vmem_shared>>) dst(%arg9 : memref<80x128xf32, #tpu.memory_space<vmem>>)
      tpu.yield
    }) : () -> ()
    %mul3A_52 = arith.constant 10240 : i32
    %mul3A_53 = arith.muli %arg0, %mul3A_52 : i32
    %add3A_54 = arith.addi %mul3A_53, %mul3A_4 : i32
    %add3A_55 = arith.constant 160 : i32
    %add3A_56 = arith.addi %add3A_54, %add3A_55 : i32
    "tpu.region"() ({
      %run_scoped3A = tpu.sem_alloc : memref<!tpu.dma_semaphore, #tpu.memory_space<semaphore_mem>>
      %dma_start3A_92 = arith.constant 0 : i32
      %dma_start3A_93 = tpu.memref_slice %arg6[%add3A_56, %dma_start3A_92] : memref<20480x128xf32, #tpu.memory_space<hbm>> -> memref<80x128xf32, #tpu.memory_space<hbm>>
      %dma_start3A_94 = arith.constant 0 : i32
      %dma_start3A_95 = tpu.memref_slice %arg6[%add3A_56, %dma_start3A_94] : memref<20480x128xf32, #tpu.memory_space<hbm>> -> memref<80x128xf32, #tpu.memory_space<hbm>>
      tpu.enqueue_dma source(%arg9 : memref<80x128xf32, #tpu.memory_space<vmem>>) target(%dma_start3A_95 : memref<80x128xf32, #tpu.memory_space<hbm>>) target_semaphore(%run_scoped3A : memref<!tpu.dma_semaphore, #tpu.memory_space<semaphore_mem>>)
      %dma_wait3A = arith.constant 0 : i32
      %dma_wait3A_96 = tpu.memref_slice %arg6[%add3A_56, %dma_wait3A] : memref<20480x128xf32, #tpu.memory_space<hbm>> -> memref<80x128xf32, #tpu.memory_space<hbm>>
      %dma_wait3A_97 = arith.constant 0 : i32
      %dma_wait3A_98 = tpu.memref_slice %arg6[%add3A_56, %dma_wait3A_97] : memref<20480x128xf32, #tpu.memory_space<hbm>> -> memref<80x128xf32, #tpu.memory_space<hbm>>
      tpu.wait_dma2 semaphore(%run_scoped3A : memref<!tpu.dma_semaphore, #tpu.memory_space<semaphore_mem>>) src(%arg9 : memref<80x128xf32, #tpu.memory_space<vmem>>) dst(%dma_wait3A_98 : memref<80x128xf32, #tpu.memory_space<hbm>>)
      tpu.yield
    }) : () -> ()
    %add3A_57 = arith.constant 240 : i32
    %add3A_58 = arith.addi %mul3A_4, %add3A_57 : i32
    "tpu.region"() ({
      %run_scoped3A = tpu.sem_alloc : memref<!tpu.dma_semaphore, #tpu.memory_space<semaphore_mem>>
      %dma_start3A_92 = arith.constant 0 : i32
      %dma_start3A_93 = tpu.memref_slice %arg11[%add3A_58, %dma_start3A_92] : memref<10240x128xf32, #tpu.memory_space<vmem_shared>> -> memref<80x128xf32, #tpu.memory_space<vmem_shared>>
      %dma_start3A_94 = arith.constant 0 : i32
      %dma_start3A_95 = tpu.memref_slice %arg11[%add3A_58, %dma_start3A_94] : memref<10240x128xf32, #tpu.memory_space<vmem_shared>> -> memref<80x128xf32, #tpu.memory_space<vmem_shared>>
      tpu.enqueue_dma source(%dma_start3A_95 : memref<80x128xf32, #tpu.memory_space<vmem_shared>>) target(%arg9 : memref<80x128xf32, #tpu.memory_space<vmem>>) target_semaphore(%run_scoped3A : memref<!tpu.dma_semaphore, #tpu.memory_space<semaphore_mem>>)
      %dma_wait3A = arith.constant 0 : i32
      %dma_wait3A_96 = tpu.memref_slice %arg11[%add3A_58, %dma_wait3A] : memref<10240x128xf32, #tpu.memory_space<vmem_shared>> -> memref<80x128xf32, #tpu.memory_space<vmem_shared>>
      %dma_wait3A_97 = arith.constant 0 : i32
      %dma_wait3A_98 = tpu.memref_slice %arg11[%add3A_58, %dma_wait3A_97] : memref<10240x128xf32, #tpu.memory_space<vmem_shared>> -> memref<80x128xf32, #tpu.memory_space<vmem_shared>>
      tpu.wait_dma2 semaphore(%run_scoped3A : memref<!tpu.dma_semaphore, #tpu.memory_space<semaphore_mem>>) src(%dma_wait3A_98 : memref<80x128xf32, #tpu.memory_space<vmem_shared>>) dst(%arg9 : memref<80x128xf32, #tpu.memory_space<vmem>>)
      tpu.yield
    }) : () -> ()
    %mul3A_59 = arith.constant 10240 : i32
    %mul3A_60 = arith.muli %arg0, %mul3A_59 : i32
    %add3A_61 = arith.addi %mul3A_60, %mul3A_4 : i32
    %add3A_62 = arith.constant 240 : i32
    %add3A_63 = arith.addi %add3A_61, %add3A_62 : i32
    "tpu.region"() ({
      %run_scoped3A = tpu.sem_alloc : memref<!tpu.dma_semaphore, #tpu.memory_space<semaphore_mem>>
      %dma_start3A_92 = arith.constant 0 : i32
      %dma_start3A_93 = tpu.memref_slice %arg6[%add3A_63, %dma_start3A_92] : memref<20480x128xf32, #tpu.memory_space<hbm>> -> memref<80x128xf32, #tpu.memory_space<hbm>>
      %dma_start3A_94 = arith.constant 0 : i32
      %dma_start3A_95 = tpu.memref_slice %arg6[%add3A_63, %dma_start3A_94] : memref<20480x128xf32, #tpu.memory_space<hbm>> -> memref<80x128xf32, #tpu.memory_space<hbm>>
      tpu.enqueue_dma source(%arg9 : memref<80x128xf32, #tpu.memory_space<vmem>>) target(%dma_start3A_95 : memref<80x128xf32, #tpu.memory_space<hbm>>) target_semaphore(%run_scoped3A : memref<!tpu.dma_semaphore, #tpu.memory_space<semaphore_mem>>)
      %dma_wait3A = arith.constant 0 : i32
      %dma_wait3A_96 = tpu.memref_slice %arg6[%add3A_63, %dma_wait3A] : memref<20480x128xf32, #tpu.memory_space<hbm>> -> memref<80x128xf32, #tpu.memory_space<hbm>>
      %dma_wait3A_97 = arith.constant 0 : i32
      %dma_wait3A_98 = tpu.memref_slice %arg6[%add3A_63, %dma_wait3A_97] : memref<20480x128xf32, #tpu.memory_space<hbm>> -> memref<80x128xf32, #tpu.memory_space<hbm>>
      tpu.wait_dma2 semaphore(%run_scoped3A : memref<!tpu.dma_semaphore, #tpu.memory_space<semaphore_mem>>) src(%arg9 : memref<80x128xf32, #tpu.memory_space<vmem>>) dst(%dma_wait3A_98 : memref<80x128xf32, #tpu.memory_space<hbm>>)
      tpu.yield
    }) : () -> ()
    %add3A_64 = arith.constant 320 : i32
    %add3A_65 = arith.addi %mul3A_4, %add3A_64 : i32
    "tpu.region"() ({
      %run_scoped3A = tpu.sem_alloc : memref<!tpu.dma_semaphore, #tpu.memory_space<semaphore_mem>>
      %dma_start3A_92 = arith.constant 0 : i32
      %dma_start3A_93 = tpu.memref_slice %arg11[%add3A_65, %dma_start3A_92] : memref<10240x128xf32, #tpu.memory_space<vmem_shared>> -> memref<80x128xf32, #tpu.memory_space<vmem_shared>>
      %dma_start3A_94 = arith.constant 0 : i32
      %dma_start3A_95 = tpu.memref_slice %arg11[%add3A_65, %dma_start3A_94] : memref<10240x128xf32, #tpu.memory_space<vmem_shared>> -> memref<80x128xf32, #tpu.memory_space<vmem_shared>>
      tpu.enqueue_dma source(%dma_start3A_95 : memref<80x128xf32, #tpu.memory_space<vmem_shared>>) target(%arg9 : memref<80x128xf32, #tpu.memory_space<vmem>>) target_semaphore(%run_scoped3A : memref<!tpu.dma_semaphore, #tpu.memory_space<semaphore_mem>>)
      %dma_wait3A = arith.constant 0 : i32
      %dma_wait3A_96 = tpu.memref_slice %arg11[%add3A_65, %dma_wait3A] : memref<10240x128xf32, #tpu.memory_space<vmem_shared>> -> memref<80x128xf32, #tpu.memory_space<vmem_shared>>
      %dma_wait3A_97 = arith.constant 0 : i32
      %dma_wait3A_98 = tpu.memref_slice %arg11[%add3A_65, %dma_wait3A_97] : memref<10240x128xf32, #tpu.memory_space<vmem_shared>> -> memref<80x128xf32, #tpu.memory_space<vmem_shared>>
      tpu.wait_dma2 semaphore(%run_scoped3A : memref<!tpu.dma_semaphore, #tpu.memory_space<semaphore_mem>>) src(%dma_wait3A_98 : memref<80x128xf32, #tpu.memory_space<vmem_shared>>) dst(%arg9 : memref<80x128xf32, #tpu.memory_space<vmem>>)
      tpu.yield
    }) : () -> ()
    %mul3A_66 = arith.constant 10240 : i32
    %mul3A_67 = arith.muli %arg0, %mul3A_66 : i32
    %add3A_68 = arith.addi %mul3A_67, %mul3A_4 : i32
    %add3A_69 = arith.constant 320 : i32
    %add3A_70 = arith.addi %add3A_68, %add3A_69 : i32
    "tpu.region"() ({
      %run_scoped3A = tpu.sem_alloc : memref<!tpu.dma_semaphore, #tpu.memory_space<semaphore_mem>>
      %dma_start3A_92 = arith.constant 0 : i32
      %dma_start3A_93 = tpu.memref_slice %arg6[%add3A_70, %dma_start3A_92] : memref<20480x128xf32, #tpu.memory_space<hbm>> -> memref<80x128xf32, #tpu.memory_space<hbm>>
      %dma_start3A_94 = arith.constant 0 : i32
      %dma_start3A_95 = tpu.memref_slice %arg6[%add3A_70, %dma_start3A_94] : memref<20480x128xf32, #tpu.memory_space<hbm>> -> memref<80x128xf32, #tpu.memory_space<hbm>>
      tpu.enqueue_dma source(%arg9 : memref<80x128xf32, #tpu.memory_space<vmem>>) target(%dma_start3A_95 : memref<80x128xf32, #tpu.memory_space<hbm>>) target_semaphore(%run_scoped3A : memref<!tpu.dma_semaphore, #tpu.memory_space<semaphore_mem>>)
      %dma_wait3A = arith.constant 0 : i32
      %dma_wait3A_96 = tpu.memref_slice %arg6[%add3A_70, %dma_wait3A] : memref<20480x128xf32, #tpu.memory_space<hbm>> -> memref<80x128xf32, #tpu.memory_space<hbm>>
      %dma_wait3A_97 = arith.constant 0 : i32
      %dma_wait3A_98 = tpu.memref_slice %arg6[%add3A_70, %dma_wait3A_97] : memref<20480x128xf32, #tpu.memory_space<hbm>> -> memref<80x128xf32, #tpu.memory_space<hbm>>
      tpu.wait_dma2 semaphore(%run_scoped3A : memref<!tpu.dma_semaphore, #tpu.memory_space<semaphore_mem>>) src(%arg9 : memref<80x128xf32, #tpu.memory_space<vmem>>) dst(%dma_wait3A_98 : memref<80x128xf32, #tpu.memory_space<hbm>>)
      tpu.yield
    }) : () -> ()
    %add3A_71 = arith.constant 400 : i32
    %add3A_72 = arith.addi %mul3A_4, %add3A_71 : i32
    "tpu.region"() ({
      %run_scoped3A = tpu.sem_alloc : memref<!tpu.dma_semaphore, #tpu.memory_space<semaphore_mem>>
      %dma_start3A_92 = arith.constant 0 : i32
      %dma_start3A_93 = tpu.memref_slice %arg11[%add3A_72, %dma_start3A_92] : memref<10240x128xf32, #tpu.memory_space<vmem_shared>> -> memref<80x128xf32, #tpu.memory_space<vmem_shared>>
      %dma_start3A_94 = arith.constant 0 : i32
      %dma_start3A_95 = tpu.memref_slice %arg11[%add3A_72, %dma_start3A_94] : memref<10240x128xf32, #tpu.memory_space<vmem_shared>> -> memref<80x128xf32, #tpu.memory_space<vmem_shared>>
      tpu.enqueue_dma source(%dma_start3A_95 : memref<80x128xf32, #tpu.memory_space<vmem_shared>>) target(%arg9 : memref<80x128xf32, #tpu.memory_space<vmem>>) target_semaphore(%run_scoped3A : memref<!tpu.dma_semaphore, #tpu.memory_space<semaphore_mem>>)
      %dma_wait3A = arith.constant 0 : i32
      %dma_wait3A_96 = tpu.memref_slice %arg11[%add3A_72, %dma_wait3A] : memref<10240x128xf32, #tpu.memory_space<vmem_shared>> -> memref<80x128xf32, #tpu.memory_space<vmem_shared>>
      %dma_wait3A_97 = arith.constant 0 : i32
      %dma_wait3A_98 = tpu.memref_slice %arg11[%add3A_72, %dma_wait3A_97] : memref<10240x128xf32, #tpu.memory_space<vmem_shared>> -> memref<80x128xf32, #tpu.memory_space<vmem_shared>>
      tpu.wait_dma2 semaphore(%run_scoped3A : memref<!tpu.dma_semaphore, #tpu.memory_space<semaphore_mem>>) src(%dma_wait3A_98 : memref<80x128xf32, #tpu.memory_space<vmem_shared>>) dst(%arg9 : memref<80x128xf32, #tpu.memory_space<vmem>>)
      tpu.yield
    }) : () -> ()
    %mul3A_73 = arith.constant 10240 : i32
    %mul3A_74 = arith.muli %arg0, %mul3A_73 : i32
    %add3A_75 = arith.addi %mul3A_74, %mul3A_4 : i32
    %add3A_76 = arith.constant 400 : i32
    %add3A_77 = arith.addi %add3A_75, %add3A_76 : i32
    "tpu.region"() ({
      %run_scoped3A = tpu.sem_alloc : memref<!tpu.dma_semaphore, #tpu.memory_space<semaphore_mem>>
      %dma_start3A_92 = arith.constant 0 : i32
      %dma_start3A_93 = tpu.memref_slice %arg6[%add3A_77, %dma_start3A_92] : memref<20480x128xf32, #tpu.memory_space<hbm>> -> memref<80x128xf32, #tpu.memory_space<hbm>>
      %dma_start3A_94 = arith.constant 0 : i32
      %dma_start3A_95 = tpu.memref_slice %arg6[%add3A_77, %dma_start3A_94] : memref<20480x128xf32, #tpu.memory_space<hbm>> -> memref<80x128xf32, #tpu.memory_space<hbm>>
      tpu.enqueue_dma source(%arg9 : memref<80x128xf32, #tpu.memory_space<vmem>>) target(%dma_start3A_95 : memref<80x128xf32, #tpu.memory_space<hbm>>) target_semaphore(%run_scoped3A : memref<!tpu.dma_semaphore, #tpu.memory_space<semaphore_mem>>)
      %dma_wait3A = arith.constant 0 : i32
      %dma_wait3A_96 = tpu.memref_slice %arg6[%add3A_77, %dma_wait3A] : memref<20480x128xf32, #tpu.memory_space<hbm>> -> memref<80x128xf32, #tpu.memory_space<hbm>>
      %dma_wait3A_97 = arith.constant 0 : i32
      %dma_wait3A_98 = tpu.memref_slice %arg6[%add3A_77, %dma_wait3A_97] : memref<20480x128xf32, #tpu.memory_space<hbm>> -> memref<80x128xf32, #tpu.memory_space<hbm>>
      tpu.wait_dma2 semaphore(%run_scoped3A : memref<!tpu.dma_semaphore, #tpu.memory_space<semaphore_mem>>) src(%arg9 : memref<80x128xf32, #tpu.memory_space<vmem>>) dst(%dma_wait3A_98 : memref<80x128xf32, #tpu.memory_space<hbm>>)
      tpu.yield
    }) : () -> ()
    %add3A_78 = arith.constant 480 : i32
    %add3A_79 = arith.addi %mul3A_4, %add3A_78 : i32
    "tpu.region"() ({
      %run_scoped3A = tpu.sem_alloc : memref<!tpu.dma_semaphore, #tpu.memory_space<semaphore_mem>>
      %dma_start3A_92 = arith.constant 0 : i32
      %dma_start3A_93 = tpu.memref_slice %arg11[%add3A_79, %dma_start3A_92] : memref<10240x128xf32, #tpu.memory_space<vmem_shared>> -> memref<80x128xf32, #tpu.memory_space<vmem_shared>>
      %dma_start3A_94 = arith.constant 0 : i32
      %dma_start3A_95 = tpu.memref_slice %arg11[%add3A_79, %dma_start3A_94] : memref<10240x128xf32, #tpu.memory_space<vmem_shared>> -> memref<80x128xf32, #tpu.memory_space<vmem_shared>>
      tpu.enqueue_dma source(%dma_start3A_95 : memref<80x128xf32, #tpu.memory_space<vmem_shared>>) target(%arg9 : memref<80x128xf32, #tpu.memory_space<vmem>>) target_semaphore(%run_scoped3A : memref<!tpu.dma_semaphore, #tpu.memory_space<semaphore_mem>>)
      %dma_wait3A = arith.constant 0 : i32
      %dma_wait3A_96 = tpu.memref_slice %arg11[%add3A_79, %dma_wait3A] : memref<10240x128xf32, #tpu.memory_space<vmem_shared>> -> memref<80x128xf32, #tpu.memory_space<vmem_shared>>
      %dma_wait3A_97 = arith.constant 0 : i32
      %dma_wait3A_98 = tpu.memref_slice %arg11[%add3A_79, %dma_wait3A_97] : memref<10240x128xf32, #tpu.memory_space<vmem_shared>> -> memref<80x128xf32, #tpu.memory_space<vmem_shared>>
      tpu.wait_dma2 semaphore(%run_scoped3A : memref<!tpu.dma_semaphore, #tpu.memory_space<semaphore_mem>>) src(%dma_wait3A_98 : memref<80x128xf32, #tpu.memory_space<vmem_shared>>) dst(%arg9 : memref<80x128xf32, #tpu.memory_space<vmem>>)
      tpu.yield
    }) : () -> ()
    %mul3A_80 = arith.constant 10240 : i32
    %mul3A_81 = arith.muli %arg0, %mul3A_80 : i32
    %add3A_82 = arith.addi %mul3A_81, %mul3A_4 : i32
    %add3A_83 = arith.constant 480 : i32
    %add3A_84 = arith.addi %add3A_82, %add3A_83 : i32
    "tpu.region"() ({
      %run_scoped3A = tpu.sem_alloc : memref<!tpu.dma_semaphore, #tpu.memory_space<semaphore_mem>>
      %dma_start3A_92 = arith.constant 0 : i32
      %dma_start3A_93 = tpu.memref_slice %arg6[%add3A_84, %dma_start3A_92] : memref<20480x128xf32, #tpu.memory_space<hbm>> -> memref<80x128xf32, #tpu.memory_space<hbm>>
      %dma_start3A_94 = arith.constant 0 : i32
      %dma_start3A_95 = tpu.memref_slice %arg6[%add3A_84, %dma_start3A_94] : memref<20480x128xf32, #tpu.memory_space<hbm>> -> memref<80x128xf32, #tpu.memory_space<hbm>>
      tpu.enqueue_dma source(%arg9 : memref<80x128xf32, #tpu.memory_space<vmem>>) target(%dma_start3A_95 : memref<80x128xf32, #tpu.memory_space<hbm>>) target_semaphore(%run_scoped3A : memref<!tpu.dma_semaphore, #tpu.memory_space<semaphore_mem>>)
      %dma_wait3A = arith.constant 0 : i32
      %dma_wait3A_96 = tpu.memref_slice %arg6[%add3A_84, %dma_wait3A] : memref<20480x128xf32, #tpu.memory_space<hbm>> -> memref<80x128xf32, #tpu.memory_space<hbm>>
      %dma_wait3A_97 = arith.constant 0 : i32
      %dma_wait3A_98 = tpu.memref_slice %arg6[%add3A_84, %dma_wait3A_97] : memref<20480x128xf32, #tpu.memory_space<hbm>> -> memref<80x128xf32, #tpu.memory_space<hbm>>
      tpu.wait_dma2 semaphore(%run_scoped3A : memref<!tpu.dma_semaphore, #tpu.memory_space<semaphore_mem>>) src(%arg9 : memref<80x128xf32, #tpu.memory_space<vmem>>) dst(%dma_wait3A_98 : memref<80x128xf32, #tpu.memory_space<hbm>>)
      tpu.yield
    }) : () -> ()
    %add3A_85 = arith.constant 560 : i32
    %add3A_86 = arith.addi %mul3A_4, %add3A_85 : i32
    "tpu.region"() ({
      %run_scoped3A = tpu.sem_alloc : memref<!tpu.dma_semaphore, #tpu.memory_space<semaphore_mem>>
      %dma_start3A_92 = arith.constant 0 : i32
      %dma_start3A_93 = tpu.memref_slice %arg11[%add3A_86, %dma_start3A_92] : memref<10240x128xf32, #tpu.memory_space<vmem_shared>> -> memref<80x128xf32, #tpu.memory_space<vmem_shared>>
      %dma_start3A_94 = arith.constant 0 : i32
      %dma_start3A_95 = tpu.memref_slice %arg11[%add3A_86, %dma_start3A_94] : memref<10240x128xf32, #tpu.memory_space<vmem_shared>> -> memref<80x128xf32, #tpu.memory_space<vmem_shared>>
      tpu.enqueue_dma source(%dma_start3A_95 : memref<80x128xf32, #tpu.memory_space<vmem_shared>>) target(%arg9 : memref<80x128xf32, #tpu.memory_space<vmem>>) target_semaphore(%run_scoped3A : memref<!tpu.dma_semaphore, #tpu.memory_space<semaphore_mem>>)
      %dma_wait3A = arith.constant 0 : i32
      %dma_wait3A_96 = tpu.memref_slice %arg11[%add3A_86, %dma_wait3A] : memref<10240x128xf32, #tpu.memory_space<vmem_shared>> -> memref<80x128xf32, #tpu.memory_space<vmem_shared>>
      %dma_wait3A_97 = arith.constant 0 : i32
      %dma_wait3A_98 = tpu.memref_slice %arg11[%add3A_86, %dma_wait3A_97] : memref<10240x128xf32, #tpu.memory_space<vmem_shared>> -> memref<80x128xf32, #tpu.memory_space<vmem_shared>>
      tpu.wait_dma2 semaphore(%run_scoped3A : memref<!tpu.dma_semaphore, #tpu.memory_space<semaphore_mem>>) src(%dma_wait3A_98 : memref<80x128xf32, #tpu.memory_space<vmem_shared>>) dst(%arg9 : memref<80x128xf32, #tpu.memory_space<vmem>>)
      tpu.yield
    }) : () -> ()
    %mul3A_87 = arith.constant 10240 : i32
    %mul3A_88 = arith.muli %arg0, %mul3A_87 : i32
    %add3A_89 = arith.addi %mul3A_88, %mul3A_4 : i32
    %add3A_90 = arith.constant 560 : i32
    %add3A_91 = arith.addi %add3A_89, %add3A_90 : i32
    "tpu.region"() ({
      %run_scoped3A = tpu.sem_alloc : memref<!tpu.dma_semaphore, #tpu.memory_space<semaphore_mem>>
      %dma_start3A_92 = arith.constant 0 : i32
      %dma_start3A_93 = tpu.memref_slice %arg6[%add3A_91, %dma_start3A_92] : memref<20480x128xf32, #tpu.memory_space<hbm>> -> memref<80x128xf32, #tpu.memory_space<hbm>>
      %dma_start3A_94 = arith.constant 0 : i32
      %dma_start3A_95 = tpu.memref_slice %arg6[%add3A_91, %dma_start3A_94] : memref<20480x128xf32, #tpu.memory_space<hbm>> -> memref<80x128xf32, #tpu.memory_space<hbm>>
      tpu.enqueue_dma source(%arg9 : memref<80x128xf32, #tpu.memory_space<vmem>>) target(%dma_start3A_95 : memref<80x128xf32, #tpu.memory_space<hbm>>) target_semaphore(%run_scoped3A : memref<!tpu.dma_semaphore, #tpu.memory_space<semaphore_mem>>)
      %dma_wait3A = arith.constant 0 : i32
      %dma_wait3A_96 = tpu.memref_slice %arg6[%add3A_91, %dma_wait3A] : memref<20480x128xf32, #tpu.memory_space<hbm>> -> memref<80x128xf32, #tpu.memory_space<hbm>>
      %dma_wait3A_97 = arith.constant 0 : i32
      %dma_wait3A_98 = tpu.memref_slice %arg6[%add3A_91, %dma_wait3A_97] : memref<20480x128xf32, #tpu.memory_space<hbm>> -> memref<80x128xf32, #tpu.memory_space<hbm>>
      tpu.wait_dma2 semaphore(%run_scoped3A : memref<!tpu.dma_semaphore, #tpu.memory_space<semaphore_mem>>) src(%arg9 : memref<80x128xf32, #tpu.memory_space<vmem>>) dst(%dma_wait3A_98 : memref<80x128xf32, #tpu.memory_space<hbm>>)
      tpu.yield
    }) : () -> ()
    "tpu.trace_stop"() : () -> ()
    return
  }
}

#map = affine_map<(d0, d1) -> (0)>
module attributes {stable_mosaic.version = 14 : i64} {
  func.func @_sc_degree(%arg0: i32, %arg1: i32, %arg2: memref<327680xi32, #tpu.memory_space<hbm>>, %arg3: memref<20480xf32, #tpu.memory_space<hbm>>, %arg4: memref<10240xi32, #tpu.memory_space<vmem>>, %arg5: memref<80xf32, #tpu.memory_space<vmem>>, %arg6: memref<640xf32, #tpu.memory_space<vmem>>, %arg7: memref<10240xf32, #tpu.memory_space<vmem_shared>>, %arg8: memref<!tpu.dma_semaphore, #tpu.memory_space<semaphore_mem>>) attributes {dimension_semantics = [#tpu.dimension_semantics<core_parallel>, #tpu.dimension_semantics<subcore_parallel>], iteration_bounds = array<i64: 2, 16>, scalar_prefetch = 0 : i64, scratch_operands = 5 : i64, tpu.core_type = #tpu.core_type<sc_vector_subcore>, window_params = [{transform_indices = #map}, {transform_indices = #map}]} {
    %mul3A = arith.constant 2 : i32
    %mul3A_0 = arith.muli %arg1, %mul3A : i32
    %add3A = arith.addi %mul3A_0, %arg0 : i32
    %mul3A_1 = arith.constant 10240 : i32
    %mul3A_2 = arith.muli %add3A, %mul3A_1 : i32
    %mul3A_3 = arith.constant 640 : i32
    %mul3A_4 = arith.muli %arg1, %mul3A_3 : i32
    "tpu.region"() ({
      %run_scoped3A = tpu.sem_alloc : memref<!tpu.dma_semaphore, #tpu.memory_space<semaphore_mem>>
      %dma_start3A = tpu.memref_slice %arg2[%mul3A_2] : memref<327680xi32, #tpu.memory_space<hbm>> -> memref<10240xi32, #tpu.memory_space<hbm>>
      %dma_start3A_282 = tpu.memref_slice %arg2[%mul3A_2] : memref<327680xi32, #tpu.memory_space<hbm>> -> memref<10240xi32, #tpu.memory_space<hbm>>
      tpu.enqueue_dma source(%dma_start3A_282 : memref<10240xi32, #tpu.memory_space<hbm>>) target(%arg4 : memref<10240xi32, #tpu.memory_space<vmem>>) target_semaphore(%run_scoped3A : memref<!tpu.dma_semaphore, #tpu.memory_space<semaphore_mem>>)
      %dma_wait3A = tpu.memref_slice %arg2[%mul3A_2] : memref<327680xi32, #tpu.memory_space<hbm>> -> memref<10240xi32, #tpu.memory_space<hbm>>
      %dma_wait3A_283 = tpu.memref_slice %arg2[%mul3A_2] : memref<327680xi32, #tpu.memory_space<hbm>> -> memref<10240xi32, #tpu.memory_space<hbm>>
      tpu.wait_dma2 semaphore(%run_scoped3A : memref<!tpu.dma_semaphore, #tpu.memory_space<semaphore_mem>>) src(%dma_wait3A_283 : memref<10240xi32, #tpu.memory_space<hbm>>) dst(%arg4 : memref<10240xi32, #tpu.memory_space<vmem>>)
      tpu.yield
    }) : () -> ()
    %broadcast_in_dim3A = arith.constant 1.000000e+00 : f32
    %broadcast_in_dim3A_5 = vector.broadcast %broadcast_in_dim3A : f32 to vector<16xf32>
    %swap3A = arith.constant 0 : index
    %swap3A_6 = tpu.vector_load %arg5[%swap3A] {strides = array<i32>} : memref<80xf32, #tpu.memory_space<vmem>>, vector<16xf32>,
    %swap3A_7 = vector.shape_cast %swap3A_6 : vector<16xf32> to vector<16xf32>
    %swap3A_8 = vector.shape_cast %broadcast_in_dim3A_5 : vector<16xf32> to vector<16xf32>
    tpu.vector_store %arg5[%swap3A], %swap3A_8 {strides = array<i32>} : memref<80xf32, #tpu.memory_space<vmem>>, vector<16xf32>,
    %broadcast_in_dim3A_9 = arith.constant 1.000000e+00 : f32
    %broadcast_in_dim3A_10 = vector.broadcast %broadcast_in_dim3A_9 : f32 to vector<16xf32>
    %swap3A_11 = arith.constant 16 : index
    %swap3A_12 = tpu.vector_load %arg5[%swap3A_11] {strides = array<i32>} : memref<80xf32, #tpu.memory_space<vmem>>, vector<16xf32>,
    %swap3A_13 = vector.shape_cast %swap3A_12 : vector<16xf32> to vector<16xf32>
    %swap3A_14 = vector.shape_cast %broadcast_in_dim3A_10 : vector<16xf32> to vector<16xf32>
    tpu.vector_store %arg5[%swap3A_11], %swap3A_14 {strides = array<i32>} : memref<80xf32, #tpu.memory_space<vmem>>, vector<16xf32>,
    %broadcast_in_dim3A_15 = arith.constant 1.000000e+00 : f32
    %broadcast_in_dim3A_16 = vector.broadcast %broadcast_in_dim3A_15 : f32 to vector<16xf32>
    %swap3A_17 = arith.constant 32 : index
    %swap3A_18 = tpu.vector_load %arg5[%swap3A_17] {strides = array<i32>} : memref<80xf32, #tpu.memory_space<vmem>>, vector<16xf32>,
    %swap3A_19 = vector.shape_cast %swap3A_18 : vector<16xf32> to vector<16xf32>
    %swap3A_20 = vector.shape_cast %broadcast_in_dim3A_16 : vector<16xf32> to vector<16xf32>
    tpu.vector_store %arg5[%swap3A_17], %swap3A_20 {strides = array<i32>} : memref<80xf32, #tpu.memory_space<vmem>>, vector<16xf32>,
    %broadcast_in_dim3A_21 = arith.constant 1.000000e+00 : f32
    %broadcast_in_dim3A_22 = vector.broadcast %broadcast_in_dim3A_21 : f32 to vector<16xf32>
    %swap3A_23 = arith.constant 48 : index
    %swap3A_24 = tpu.vector_load %arg5[%swap3A_23] {strides = array<i32>} : memref<80xf32, #tpu.memory_space<vmem>>, vector<16xf32>,
    %swap3A_25 = vector.shape_cast %swap3A_24 : vector<16xf32> to vector<16xf32>
    %swap3A_26 = vector.shape_cast %broadcast_in_dim3A_22 : vector<16xf32> to vector<16xf32>
    tpu.vector_store %arg5[%swap3A_23], %swap3A_26 {strides = array<i32>} : memref<80xf32, #tpu.memory_space<vmem>>, vector<16xf32>,
    %broadcast_in_dim3A_27 = arith.constant 1.000000e+00 : f32
    %broadcast_in_dim3A_28 = vector.broadcast %broadcast_in_dim3A_27 : f32 to vector<16xf32>
    %swap3A_29 = arith.constant 64 : index
    %swap3A_30 = tpu.vector_load %arg5[%swap3A_29] {strides = array<i32>} : memref<80xf32, #tpu.memory_space<vmem>>, vector<16xf32>,
    %swap3A_31 = vector.shape_cast %swap3A_30 : vector<16xf32> to vector<16xf32>
    %swap3A_32 = vector.shape_cast %broadcast_in_dim3A_28 : vector<16xf32> to vector<16xf32>
    tpu.vector_store %arg5[%swap3A_29], %swap3A_32 {strides = array<i32>} : memref<80xf32, #tpu.memory_space<vmem>>, vector<16xf32>,
    %broadcast_in_dim3A_33 = arith.constant 0.000000e+00 : f32
    %broadcast_in_dim3A_34 = vector.broadcast %broadcast_in_dim3A_33 : f32 to vector<16xf32>
    %swap3A_35 = arith.constant 0 : index
    %swap3A_36 = tpu.vector_load %arg6[%swap3A_35] {strides = array<i32>} : memref<640xf32, #tpu.memory_space<vmem>>, vector<16xf32>,
    %swap3A_37 = vector.shape_cast %swap3A_36 : vector<16xf32> to vector<16xf32>
    %swap3A_38 = vector.shape_cast %broadcast_in_dim3A_34 : vector<16xf32> to vector<16xf32>
    tpu.vector_store %arg6[%swap3A_35], %swap3A_38 {strides = array<i32>} : memref<640xf32, #tpu.memory_space<vmem>>, vector<16xf32>,
    %broadcast_in_dim3A_39 = arith.constant 0.000000e+00 : f32
    %broadcast_in_dim3A_40 = vector.broadcast %broadcast_in_dim3A_39 : f32 to vector<16xf32>
    %swap3A_41 = arith.constant 16 : index
    %swap3A_42 = tpu.vector_load %arg6[%swap3A_41] {strides = array<i32>} : memref<640xf32, #tpu.memory_space<vmem>>, vector<16xf32>,
    %swap3A_43 = vector.shape_cast %swap3A_42 : vector<16xf32> to vector<16xf32>
    %swap3A_44 = vector.shape_cast %broadcast_in_dim3A_40 : vector<16xf32> to vector<16xf32>
    tpu.vector_store %arg6[%swap3A_41], %swap3A_44 {strides = array<i32>} : memref<640xf32, #tpu.memory_space<vmem>>, vector<16xf32>,
    %broadcast_in_dim3A_45 = arith.constant 0.000000e+00 : f32
    %broadcast_in_dim3A_46 = vector.broadcast %broadcast_in_dim3A_45 : f32 to vector<16xf32>
    %swap3A_47 = arith.constant 32 : index
    %swap3A_48 = tpu.vector_load %arg6[%swap3A_47] {strides = array<i32>} : memref<640xf32, #tpu.memory_space<vmem>>, vector<16xf32>,
    %swap3A_49 = vector.shape_cast %swap3A_48 : vector<16xf32> to vector<16xf32>
    %swap3A_50 = vector.shape_cast %broadcast_in_dim3A_46 : vector<16xf32> to vector<16xf32>
    tpu.vector_store %arg6[%swap3A_47], %swap3A_50 {strides = array<i32>} : memref<640xf32, #tpu.memory_space<vmem>>, vector<16xf32>,
    %broadcast_in_dim3A_51 = arith.constant 0.000000e+00 : f32
    %broadcast_in_dim3A_52 = vector.broadcast %broadcast_in_dim3A_51 : f32 to vector<16xf32>
    %swap3A_53 = arith.constant 48 : index
    %swap3A_54 = tpu.vector_load %arg6[%swap3A_53] {strides = array<i32>} : memref<640xf32, #tpu.memory_space<vmem>>, vector<16xf32>,
    %swap3A_55 = vector.shape_cast %swap3A_54 : vector<16xf32> to vector<16xf32>
    %swap3A_56 = vector.shape_cast %broadcast_in_dim3A_52 : vector<16xf32> to vector<16xf32>
    tpu.vector_store %arg6[%swap3A_53], %swap3A_56 {strides = array<i32>} : memref<640xf32, #tpu.memory_space<vmem>>, vector<16xf32>,
    %broadcast_in_dim3A_57 = arith.constant 0.000000e+00 : f32
    %broadcast_in_dim3A_58 = vector.broadcast %broadcast_in_dim3A_57 : f32 to vector<16xf32>
    %swap3A_59 = arith.constant 64 : index
    %swap3A_60 = tpu.vector_load %arg6[%swap3A_59] {strides = array<i32>} : memref<640xf32, #tpu.memory_space<vmem>>, vector<16xf32>,
    %swap3A_61 = vector.shape_cast %swap3A_60 : vector<16xf32> to vector<16xf32>
    %swap3A_62 = vector.shape_cast %broadcast_in_dim3A_58 : vector<16xf32> to vector<16xf32>
    tpu.vector_store %arg6[%swap3A_59], %swap3A_62 {strides = array<i32>} : memref<640xf32, #tpu.memory_space<vmem>>, vector<16xf32>,
    %broadcast_in_dim3A_63 = arith.constant 0.000000e+00 : f32
    %broadcast_in_dim3A_64 = vector.broadcast %broadcast_in_dim3A_63 : f32 to vector<16xf32>
    %swap3A_65 = arith.constant 80 : index
    %swap3A_66 = tpu.vector_load %arg6[%swap3A_65] {strides = array<i32>} : memref<640xf32, #tpu.memory_space<vmem>>, vector<16xf32>,
    %swap3A_67 = vector.shape_cast %swap3A_66 : vector<16xf32> to vector<16xf32>
    %swap3A_68 = vector.shape_cast %broadcast_in_dim3A_64 : vector<16xf32> to vector<16xf32>
    tpu.vector_store %arg6[%swap3A_65], %swap3A_68 {strides = array<i32>} : memref<640xf32, #tpu.memory_space<vmem>>, vector<16xf32>,
    %broadcast_in_dim3A_69 = arith.constant 0.000000e+00 : f32
    %broadcast_in_dim3A_70 = vector.broadcast %broadcast_in_dim3A_69 : f32 to vector<16xf32>
    %swap3A_71 = arith.constant 96 : index
    %swap3A_72 = tpu.vector_load %arg6[%swap3A_71] {strides = array<i32>} : memref<640xf32, #tpu.memory_space<vmem>>, vector<16xf32>,
    %swap3A_73 = vector.shape_cast %swap3A_72 : vector<16xf32> to vector<16xf32>
    %swap3A_74 = vector.shape_cast %broadcast_in_dim3A_70 : vector<16xf32> to vector<16xf32>
    tpu.vector_store %arg6[%swap3A_71], %swap3A_74 {strides = array<i32>} : memref<640xf32, #tpu.memory_space<vmem>>, vector<16xf32>,
    %broadcast_in_dim3A_75 = arith.constant 0.000000e+00 : f32
    %broadcast_in_dim3A_76 = vector.broadcast %broadcast_in_dim3A_75 : f32 to vector<16xf32>
    %swap3A_77 = arith.constant 112 : index
    %swap3A_78 = tpu.vector_load %arg6[%swap3A_77] {strides = array<i32>} : memref<640xf32, #tpu.memory_space<vmem>>, vector<16xf32>,
    %swap3A_79 = vector.shape_cast %swap3A_78 : vector<16xf32> to vector<16xf32>
    %swap3A_80 = vector.shape_cast %broadcast_in_dim3A_76 : vector<16xf32> to vector<16xf32>
    tpu.vector_store %arg6[%swap3A_77], %swap3A_80 {strides = array<i32>} : memref<640xf32, #tpu.memory_space<vmem>>, vector<16xf32>,
    %broadcast_in_dim3A_81 = arith.constant 0.000000e+00 : f32
    %broadcast_in_dim3A_82 = vector.broadcast %broadcast_in_dim3A_81 : f32 to vector<16xf32>
    %swap3A_83 = arith.constant 128 : index
    %swap3A_84 = tpu.vector_load %arg6[%swap3A_83] {strides = array<i32>} : memref<640xf32, #tpu.memory_space<vmem>>, vector<16xf32>,
    %swap3A_85 = vector.shape_cast %swap3A_84 : vector<16xf32> to vector<16xf32>
    %swap3A_86 = vector.shape_cast %broadcast_in_dim3A_82 : vector<16xf32> to vector<16xf32>
    tpu.vector_store %arg6[%swap3A_83], %swap3A_86 {strides = array<i32>} : memref<640xf32, #tpu.memory_space<vmem>>, vector<16xf32>,
    %broadcast_in_dim3A_87 = arith.constant 0.000000e+00 : f32
    %broadcast_in_dim3A_88 = vector.broadcast %broadcast_in_dim3A_87 : f32 to vector<16xf32>
    %swap3A_89 = arith.constant 144 : index
    %swap3A_90 = tpu.vector_load %arg6[%swap3A_89] {strides = array<i32>} : memref<640xf32, #tpu.memory_space<vmem>>, vector<16xf32>,
    %swap3A_91 = vector.shape_cast %swap3A_90 : vector<16xf32> to vector<16xf32>
    %swap3A_92 = vector.shape_cast %broadcast_in_dim3A_88 : vector<16xf32> to vector<16xf32>
    tpu.vector_store %arg6[%swap3A_89], %swap3A_92 {strides = array<i32>} : memref<640xf32, #tpu.memory_space<vmem>>, vector<16xf32>,
    %broadcast_in_dim3A_93 = arith.constant 0.000000e+00 : f32
    %broadcast_in_dim3A_94 = vector.broadcast %broadcast_in_dim3A_93 : f32 to vector<16xf32>
    %swap3A_95 = arith.constant 160 : index
    %swap3A_96 = tpu.vector_load %arg6[%swap3A_95] {strides = array<i32>} : memref<640xf32, #tpu.memory_space<vmem>>, vector<16xf32>,
    %swap3A_97 = vector.shape_cast %swap3A_96 : vector<16xf32> to vector<16xf32>
    %swap3A_98 = vector.shape_cast %broadcast_in_dim3A_94 : vector<16xf32> to vector<16xf32>
    tpu.vector_store %arg6[%swap3A_95], %swap3A_98 {strides = array<i32>} : memref<640xf32, #tpu.memory_space<vmem>>, vector<16xf32>,
    %broadcast_in_dim3A_99 = arith.constant 0.000000e+00 : f32
    %broadcast_in_dim3A_100 = vector.broadcast %broadcast_in_dim3A_99 : f32 to vector<16xf32>
    %swap3A_101 = arith.constant 176 : index
    %swap3A_102 = tpu.vector_load %arg6[%swap3A_101] {strides = array<i32>} : memref<640xf32, #tpu.memory_space<vmem>>, vector<16xf32>,
    %swap3A_103 = vector.shape_cast %swap3A_102 : vector<16xf32> to vector<16xf32>
    %swap3A_104 = vector.shape_cast %broadcast_in_dim3A_100 : vector<16xf32> to vector<16xf32>
    tpu.vector_store %arg6[%swap3A_101], %swap3A_104 {strides = array<i32>} : memref<640xf32, #tpu.memory_space<vmem>>, vector<16xf32>,
    %broadcast_in_dim3A_105 = arith.constant 0.000000e+00 : f32
    %broadcast_in_dim3A_106 = vector.broadcast %broadcast_in_dim3A_105 : f32 to vector<16xf32>
    %swap3A_107 = arith.constant 192 : index
    %swap3A_108 = tpu.vector_load %arg6[%swap3A_107] {strides = array<i32>} : memref<640xf32, #tpu.memory_space<vmem>>, vector<16xf32>,
    %swap3A_109 = vector.shape_cast %swap3A_108 : vector<16xf32> to vector<16xf32>
    %swap3A_110 = vector.shape_cast %broadcast_in_dim3A_106 : vector<16xf32> to vector<16xf32>
    tpu.vector_store %arg6[%swap3A_107], %swap3A_110 {strides = array<i32>} : memref<640xf32, #tpu.memory_space<vmem>>, vector<16xf32>,
    %broadcast_in_dim3A_111 = arith.constant 0.000000e+00 : f32
    %broadcast_in_dim3A_112 = vector.broadcast %broadcast_in_dim3A_111 : f32 to vector<16xf32>
    %swap3A_113 = arith.constant 208 : index
    %swap3A_114 = tpu.vector_load %arg6[%swap3A_113] {strides = array<i32>} : memref<640xf32, #tpu.memory_space<vmem>>, vector<16xf32>,
    %swap3A_115 = vector.shape_cast %swap3A_114 : vector<16xf32> to vector<16xf32>
    %swap3A_116 = vector.shape_cast %broadcast_in_dim3A_112 : vector<16xf32> to vector<16xf32>
    tpu.vector_store %arg6[%swap3A_113], %swap3A_116 {strides = array<i32>} : memref<640xf32, #tpu.memory_space<vmem>>, vector<16xf32>,
    %broadcast_in_dim3A_117 = arith.constant 0.000000e+00 : f32
    %broadcast_in_dim3A_118 = vector.broadcast %broadcast_in_dim3A_117 : f32 to vector<16xf32>
    %swap3A_119 = arith.constant 224 : index
    %swap3A_120 = tpu.vector_load %arg6[%swap3A_119] {strides = array<i32>} : memref<640xf32, #tpu.memory_space<vmem>>, vector<16xf32>,
    %swap3A_121 = vector.shape_cast %swap3A_120 : vector<16xf32> to vector<16xf32>
    %swap3A_122 = vector.shape_cast %broadcast_in_dim3A_118 : vector<16xf32> to vector<16xf32>
    tpu.vector_store %arg6[%swap3A_119], %swap3A_122 {strides = array<i32>} : memref<640xf32, #tpu.memory_space<vmem>>, vector<16xf32>,
    %broadcast_in_dim3A_123 = arith.constant 0.000000e+00 : f32
    %broadcast_in_dim3A_124 = vector.broadcast %broadcast_in_dim3A_123 : f32 to vector<16xf32>
    %swap3A_125 = arith.constant 240 : index
    %swap3A_126 = tpu.vector_load %arg6[%swap3A_125] {strides = array<i32>} : memref<640xf32, #tpu.memory_space<vmem>>, vector<16xf32>,
    %swap3A_127 = vector.shape_cast %swap3A_126 : vector<16xf32> to vector<16xf32>
    %swap3A_128 = vector.shape_cast %broadcast_in_dim3A_124 : vector<16xf32> to vector<16xf32>
    tpu.vector_store %arg6[%swap3A_125], %swap3A_128 {strides = array<i32>} : memref<640xf32, #tpu.memory_space<vmem>>, vector<16xf32>,
    %broadcast_in_dim3A_129 = arith.constant 0.000000e+00 : f32
    %broadcast_in_dim3A_130 = vector.broadcast %broadcast_in_dim3A_129 : f32 to vector<16xf32>
    %swap3A_131 = arith.constant 256 : index
    %swap3A_132 = tpu.vector_load %arg6[%swap3A_131] {strides = array<i32>} : memref<640xf32, #tpu.memory_space<vmem>>, vector<16xf32>,
    %swap3A_133 = vector.shape_cast %swap3A_132 : vector<16xf32> to vector<16xf32>
    %swap3A_134 = vector.shape_cast %broadcast_in_dim3A_130 : vector<16xf32> to vector<16xf32>
    tpu.vector_store %arg6[%swap3A_131], %swap3A_134 {strides = array<i32>} : memref<640xf32, #tpu.memory_space<vmem>>, vector<16xf32>,
    %broadcast_in_dim3A_135 = arith.constant 0.000000e+00 : f32
    %broadcast_in_dim3A_136 = vector.broadcast %broadcast_in_dim3A_135 : f32 to vector<16xf32>
    %swap3A_137 = arith.constant 272 : index
    %swap3A_138 = tpu.vector_load %arg6[%swap3A_137] {strides = array<i32>} : memref<640xf32, #tpu.memory_space<vmem>>, vector<16xf32>,
    %swap3A_139 = vector.shape_cast %swap3A_138 : vector<16xf32> to vector<16xf32>
    %swap3A_140 = vector.shape_cast %broadcast_in_dim3A_136 : vector<16xf32> to vector<16xf32>
    tpu.vector_store %arg6[%swap3A_137], %swap3A_140 {strides = array<i32>} : memref<640xf32, #tpu.memory_space<vmem>>, vector<16xf32>,
    %broadcast_in_dim3A_141 = arith.constant 0.000000e+00 : f32
    %broadcast_in_dim3A_142 = vector.broadcast %broadcast_in_dim3A_141 : f32 to vector<16xf32>
    %swap3A_143 = arith.constant 288 : index
    %swap3A_144 = tpu.vector_load %arg6[%swap3A_143] {strides = array<i32>} : memref<640xf32, #tpu.memory_space<vmem>>, vector<16xf32>,
    %swap3A_145 = vector.shape_cast %swap3A_144 : vector<16xf32> to vector<16xf32>
    %swap3A_146 = vector.shape_cast %broadcast_in_dim3A_142 : vector<16xf32> to vector<16xf32>
    tpu.vector_store %arg6[%swap3A_143], %swap3A_146 {strides = array<i32>} : memref<640xf32, #tpu.memory_space<vmem>>, vector<16xf32>,
    %broadcast_in_dim3A_147 = arith.constant 0.000000e+00 : f32
    %broadcast_in_dim3A_148 = vector.broadcast %broadcast_in_dim3A_147 : f32 to vector<16xf32>
    %swap3A_149 = arith.constant 304 : index
    %swap3A_150 = tpu.vector_load %arg6[%swap3A_149] {strides = array<i32>} : memref<640xf32, #tpu.memory_space<vmem>>, vector<16xf32>,
    %swap3A_151 = vector.shape_cast %swap3A_150 : vector<16xf32> to vector<16xf32>
    %swap3A_152 = vector.shape_cast %broadcast_in_dim3A_148 : vector<16xf32> to vector<16xf32>
    tpu.vector_store %arg6[%swap3A_149], %swap3A_152 {strides = array<i32>} : memref<640xf32, #tpu.memory_space<vmem>>, vector<16xf32>,
    %broadcast_in_dim3A_153 = arith.constant 0.000000e+00 : f32
    %broadcast_in_dim3A_154 = vector.broadcast %broadcast_in_dim3A_153 : f32 to vector<16xf32>
    %swap3A_155 = arith.constant 320 : index
    %swap3A_156 = tpu.vector_load %arg6[%swap3A_155] {strides = array<i32>} : memref<640xf32, #tpu.memory_space<vmem>>, vector<16xf32>,
    %swap3A_157 = vector.shape_cast %swap3A_156 : vector<16xf32> to vector<16xf32>
    %swap3A_158 = vector.shape_cast %broadcast_in_dim3A_154 : vector<16xf32> to vector<16xf32>
    tpu.vector_store %arg6[%swap3A_155], %swap3A_158 {strides = array<i32>} : memref<640xf32, #tpu.memory_space<vmem>>, vector<16xf32>,
    %broadcast_in_dim3A_159 = arith.constant 0.000000e+00 : f32
    %broadcast_in_dim3A_160 = vector.broadcast %broadcast_in_dim3A_159 : f32 to vector<16xf32>
    %swap3A_161 = arith.constant 336 : index
    %swap3A_162 = tpu.vector_load %arg6[%swap3A_161] {strides = array<i32>} : memref<640xf32, #tpu.memory_space<vmem>>, vector<16xf32>,
    %swap3A_163 = vector.shape_cast %swap3A_162 : vector<16xf32> to vector<16xf32>
    %swap3A_164 = vector.shape_cast %broadcast_in_dim3A_160 : vector<16xf32> to vector<16xf32>
    tpu.vector_store %arg6[%swap3A_161], %swap3A_164 {strides = array<i32>} : memref<640xf32, #tpu.memory_space<vmem>>, vector<16xf32>,
    %broadcast_in_dim3A_165 = arith.constant 0.000000e+00 : f32
    %broadcast_in_dim3A_166 = vector.broadcast %broadcast_in_dim3A_165 : f32 to vector<16xf32>
    %swap3A_167 = arith.constant 352 : index
    %swap3A_168 = tpu.vector_load %arg6[%swap3A_167] {strides = array<i32>} : memref<640xf32, #tpu.memory_space<vmem>>, vector<16xf32>,
    %swap3A_169 = vector.shape_cast %swap3A_168 : vector<16xf32> to vector<16xf32>
    %swap3A_170 = vector.shape_cast %broadcast_in_dim3A_166 : vector<16xf32> to vector<16xf32>
    tpu.vector_store %arg6[%swap3A_167], %swap3A_170 {strides = array<i32>} : memref<640xf32, #tpu.memory_space<vmem>>, vector<16xf32>,
    %broadcast_in_dim3A_171 = arith.constant 0.000000e+00 : f32
    %broadcast_in_dim3A_172 = vector.broadcast %broadcast_in_dim3A_171 : f32 to vector<16xf32>
    %swap3A_173 = arith.constant 368 : index
    %swap3A_174 = tpu.vector_load %arg6[%swap3A_173] {strides = array<i32>} : memref<640xf32, #tpu.memory_space<vmem>>, vector<16xf32>,
    %swap3A_175 = vector.shape_cast %swap3A_174 : vector<16xf32> to vector<16xf32>
    %swap3A_176 = vector.shape_cast %broadcast_in_dim3A_172 : vector<16xf32> to vector<16xf32>
    tpu.vector_store %arg6[%swap3A_173], %swap3A_176 {strides = array<i32>} : memref<640xf32, #tpu.memory_space<vmem>>, vector<16xf32>,
    %broadcast_in_dim3A_177 = arith.constant 0.000000e+00 : f32
    %broadcast_in_dim3A_178 = vector.broadcast %broadcast_in_dim3A_177 : f32 to vector<16xf32>
    %swap3A_179 = arith.constant 384 : index
    %swap3A_180 = tpu.vector_load %arg6[%swap3A_179] {strides = array<i32>} : memref<640xf32, #tpu.memory_space<vmem>>, vector<16xf32>,
    %swap3A_181 = vector.shape_cast %swap3A_180 : vector<16xf32> to vector<16xf32>
    %swap3A_182 = vector.shape_cast %broadcast_in_dim3A_178 : vector<16xf32> to vector<16xf32>
    tpu.vector_store %arg6[%swap3A_179], %swap3A_182 {strides = array<i32>} : memref<640xf32, #tpu.memory_space<vmem>>, vector<16xf32>,
    %broadcast_in_dim3A_183 = arith.constant 0.000000e+00 : f32
    %broadcast_in_dim3A_184 = vector.broadcast %broadcast_in_dim3A_183 : f32 to vector<16xf32>
    %swap3A_185 = arith.constant 400 : index
    %swap3A_186 = tpu.vector_load %arg6[%swap3A_185] {strides = array<i32>} : memref<640xf32, #tpu.memory_space<vmem>>, vector<16xf32>,
    %swap3A_187 = vector.shape_cast %swap3A_186 : vector<16xf32> to vector<16xf32>
    %swap3A_188 = vector.shape_cast %broadcast_in_dim3A_184 : vector<16xf32> to vector<16xf32>
    tpu.vector_store %arg6[%swap3A_185], %swap3A_188 {strides = array<i32>} : memref<640xf32, #tpu.memory_space<vmem>>, vector<16xf32>,
    %broadcast_in_dim3A_189 = arith.constant 0.000000e+00 : f32
    %broadcast_in_dim3A_190 = vector.broadcast %broadcast_in_dim3A_189 : f32 to vector<16xf32>
    %swap3A_191 = arith.constant 416 : index
    %swap3A_192 = tpu.vector_load %arg6[%swap3A_191] {strides = array<i32>} : memref<640xf32, #tpu.memory_space<vmem>>, vector<16xf32>,
    %swap3A_193 = vector.shape_cast %swap3A_192 : vector<16xf32> to vector<16xf32>
    %swap3A_194 = vector.shape_cast %broadcast_in_dim3A_190 : vector<16xf32> to vector<16xf32>
    tpu.vector_store %arg6[%swap3A_191], %swap3A_194 {strides = array<i32>} : memref<640xf32, #tpu.memory_space<vmem>>, vector<16xf32>,
    %broadcast_in_dim3A_195 = arith.constant 0.000000e+00 : f32
    %broadcast_in_dim3A_196 = vector.broadcast %broadcast_in_dim3A_195 : f32 to vector<16xf32>
    %swap3A_197 = arith.constant 432 : index
    %swap3A_198 = tpu.vector_load %arg6[%swap3A_197] {strides = array<i32>} : memref<640xf32, #tpu.memory_space<vmem>>, vector<16xf32>,
    %swap3A_199 = vector.shape_cast %swap3A_198 : vector<16xf32> to vector<16xf32>
    %swap3A_200 = vector.shape_cast %broadcast_in_dim3A_196 : vector<16xf32> to vector<16xf32>
    tpu.vector_store %arg6[%swap3A_197], %swap3A_200 {strides = array<i32>} : memref<640xf32, #tpu.memory_space<vmem>>, vector<16xf32>,
    %broadcast_in_dim3A_201 = arith.constant 0.000000e+00 : f32
    %broadcast_in_dim3A_202 = vector.broadcast %broadcast_in_dim3A_201 : f32 to vector<16xf32>
    %swap3A_203 = arith.constant 448 : index
    %swap3A_204 = tpu.vector_load %arg6[%swap3A_203] {strides = array<i32>} : memref<640xf32, #tpu.memory_space<vmem>>, vector<16xf32>,
    %swap3A_205 = vector.shape_cast %swap3A_204 : vector<16xf32> to vector<16xf32>
    %swap3A_206 = vector.shape_cast %broadcast_in_dim3A_202 : vector<16xf32> to vector<16xf32>
    tpu.vector_store %arg6[%swap3A_203], %swap3A_206 {strides = array<i32>} : memref<640xf32, #tpu.memory_space<vmem>>, vector<16xf32>,
    %broadcast_in_dim3A_207 = arith.constant 0.000000e+00 : f32
    %broadcast_in_dim3A_208 = vector.broadcast %broadcast_in_dim3A_207 : f32 to vector<16xf32>
    %swap3A_209 = arith.constant 464 : index
    %swap3A_210 = tpu.vector_load %arg6[%swap3A_209] {strides = array<i32>} : memref<640xf32, #tpu.memory_space<vmem>>, vector<16xf32>,
    %swap3A_211 = vector.shape_cast %swap3A_210 : vector<16xf32> to vector<16xf32>
    %swap3A_212 = vector.shape_cast %broadcast_in_dim3A_208 : vector<16xf32> to vector<16xf32>
    tpu.vector_store %arg6[%swap3A_209], %swap3A_212 {strides = array<i32>} : memref<640xf32, #tpu.memory_space<vmem>>, vector<16xf32>,
    %broadcast_in_dim3A_213 = arith.constant 0.000000e+00 : f32
    %broadcast_in_dim3A_214 = vector.broadcast %broadcast_in_dim3A_213 : f32 to vector<16xf32>
    %swap3A_215 = arith.constant 480 : index
    %swap3A_216 = tpu.vector_load %arg6[%swap3A_215] {strides = array<i32>} : memref<640xf32, #tpu.memory_space<vmem>>, vector<16xf32>,
    %swap3A_217 = vector.shape_cast %swap3A_216 : vector<16xf32> to vector<16xf32>
    %swap3A_218 = vector.shape_cast %broadcast_in_dim3A_214 : vector<16xf32> to vector<16xf32>
    tpu.vector_store %arg6[%swap3A_215], %swap3A_218 {strides = array<i32>} : memref<640xf32, #tpu.memory_space<vmem>>, vector<16xf32>,
    %broadcast_in_dim3A_219 = arith.constant 0.000000e+00 : f32
    %broadcast_in_dim3A_220 = vector.broadcast %broadcast_in_dim3A_219 : f32 to vector<16xf32>
    %swap3A_221 = arith.constant 496 : index
    %swap3A_222 = tpu.vector_load %arg6[%swap3A_221] {strides = array<i32>} : memref<640xf32, #tpu.memory_space<vmem>>, vector<16xf32>,
    %swap3A_223 = vector.shape_cast %swap3A_222 : vector<16xf32> to vector<16xf32>
    %swap3A_224 = vector.shape_cast %broadcast_in_dim3A_220 : vector<16xf32> to vector<16xf32>
    tpu.vector_store %arg6[%swap3A_221], %swap3A_224 {strides = array<i32>} : memref<640xf32, #tpu.memory_space<vmem>>, vector<16xf32>,
    %broadcast_in_dim3A_225 = arith.constant 0.000000e+00 : f32
    %broadcast_in_dim3A_226 = vector.broadcast %broadcast_in_dim3A_225 : f32 to vector<16xf32>
    %swap3A_227 = arith.constant 512 : index
    %swap3A_228 = tpu.vector_load %arg6[%swap3A_227] {strides = array<i32>} : memref<640xf32, #tpu.memory_space<vmem>>, vector<16xf32>,
    %swap3A_229 = vector.shape_cast %swap3A_228 : vector<16xf32> to vector<16xf32>
    %swap3A_230 = vector.shape_cast %broadcast_in_dim3A_226 : vector<16xf32> to vector<16xf32>
    tpu.vector_store %arg6[%swap3A_227], %swap3A_230 {strides = array<i32>} : memref<640xf32, #tpu.memory_space<vmem>>, vector<16xf32>,
    %broadcast_in_dim3A_231 = arith.constant 0.000000e+00 : f32
    %broadcast_in_dim3A_232 = vector.broadcast %broadcast_in_dim3A_231 : f32 to vector<16xf32>
    %swap3A_233 = arith.constant 528 : index
    %swap3A_234 = tpu.vector_load %arg6[%swap3A_233] {strides = array<i32>} : memref<640xf32, #tpu.memory_space<vmem>>, vector<16xf32>,
    %swap3A_235 = vector.shape_cast %swap3A_234 : vector<16xf32> to vector<16xf32>
    %swap3A_236 = vector.shape_cast %broadcast_in_dim3A_232 : vector<16xf32> to vector<16xf32>
    tpu.vector_store %arg6[%swap3A_233], %swap3A_236 {strides = array<i32>} : memref<640xf32, #tpu.memory_space<vmem>>, vector<16xf32>,
    %broadcast_in_dim3A_237 = arith.constant 0.000000e+00 : f32
    %broadcast_in_dim3A_238 = vector.broadcast %broadcast_in_dim3A_237 : f32 to vector<16xf32>
    %swap3A_239 = arith.constant 544 : index
    %swap3A_240 = tpu.vector_load %arg6[%swap3A_239] {strides = array<i32>} : memref<640xf32, #tpu.memory_space<vmem>>, vector<16xf32>,
    %swap3A_241 = vector.shape_cast %swap3A_240 : vector<16xf32> to vector<16xf32>
    %swap3A_242 = vector.shape_cast %broadcast_in_dim3A_238 : vector<16xf32> to vector<16xf32>
    tpu.vector_store %arg6[%swap3A_239], %swap3A_242 {strides = array<i32>} : memref<640xf32, #tpu.memory_space<vmem>>, vector<16xf32>,
    %broadcast_in_dim3A_243 = arith.constant 0.000000e+00 : f32
    %broadcast_in_dim3A_244 = vector.broadcast %broadcast_in_dim3A_243 : f32 to vector<16xf32>
    %swap3A_245 = arith.constant 560 : index
    %swap3A_246 = tpu.vector_load %arg6[%swap3A_245] {strides = array<i32>} : memref<640xf32, #tpu.memory_space<vmem>>, vector<16xf32>,
    %swap3A_247 = vector.shape_cast %swap3A_246 : vector<16xf32> to vector<16xf32>
    %swap3A_248 = vector.shape_cast %broadcast_in_dim3A_244 : vector<16xf32> to vector<16xf32>
    tpu.vector_store %arg6[%swap3A_245], %swap3A_248 {strides = array<i32>} : memref<640xf32, #tpu.memory_space<vmem>>, vector<16xf32>,
    %broadcast_in_dim3A_249 = arith.constant 0.000000e+00 : f32
    %broadcast_in_dim3A_250 = vector.broadcast %broadcast_in_dim3A_249 : f32 to vector<16xf32>
    %swap3A_251 = arith.constant 576 : index
    %swap3A_252 = tpu.vector_load %arg6[%swap3A_251] {strides = array<i32>} : memref<640xf32, #tpu.memory_space<vmem>>, vector<16xf32>,
    %swap3A_253 = vector.shape_cast %swap3A_252 : vector<16xf32> to vector<16xf32>
    %swap3A_254 = vector.shape_cast %broadcast_in_dim3A_250 : vector<16xf32> to vector<16xf32>
    tpu.vector_store %arg6[%swap3A_251], %swap3A_254 {strides = array<i32>} : memref<640xf32, #tpu.memory_space<vmem>>, vector<16xf32>,
    %broadcast_in_dim3A_255 = arith.constant 0.000000e+00 : f32
    %broadcast_in_dim3A_256 = vector.broadcast %broadcast_in_dim3A_255 : f32 to vector<16xf32>
    %swap3A_257 = arith.constant 592 : index
    %swap3A_258 = tpu.vector_load %arg6[%swap3A_257] {strides = array<i32>} : memref<640xf32, #tpu.memory_space<vmem>>, vector<16xf32>,
    %swap3A_259 = vector.shape_cast %swap3A_258 : vector<16xf32> to vector<16xf32>
    %swap3A_260 = vector.shape_cast %broadcast_in_dim3A_256 : vector<16xf32> to vector<16xf32>
    tpu.vector_store %arg6[%swap3A_257], %swap3A_260 {strides = array<i32>} : memref<640xf32, #tpu.memory_space<vmem>>, vector<16xf32>,
    %broadcast_in_dim3A_261 = arith.constant 0.000000e+00 : f32
    %broadcast_in_dim3A_262 = vector.broadcast %broadcast_in_dim3A_261 : f32 to vector<16xf32>
    %swap3A_263 = arith.constant 608 : index
    %swap3A_264 = tpu.vector_load %arg6[%swap3A_263] {strides = array<i32>} : memref<640xf32, #tpu.memory_space<vmem>>, vector<16xf32>,
    %swap3A_265 = vector.shape_cast %swap3A_264 : vector<16xf32> to vector<16xf32>
    %swap3A_266 = vector.shape_cast %broadcast_in_dim3A_262 : vector<16xf32> to vector<16xf32>
    tpu.vector_store %arg6[%swap3A_263], %swap3A_266 {strides = array<i32>} : memref<640xf32, #tpu.memory_space<vmem>>, vector<16xf32>,
    %broadcast_in_dim3A_267 = arith.constant 0.000000e+00 : f32
    %broadcast_in_dim3A_268 = vector.broadcast %broadcast_in_dim3A_267 : f32 to vector<16xf32>
    %swap3A_269 = arith.constant 624 : index
    %swap3A_270 = tpu.vector_load %arg6[%swap3A_269] {strides = array<i32>} : memref<640xf32, #tpu.memory_space<vmem>>, vector<16xf32>,
    %swap3A_271 = vector.shape_cast %swap3A_270 : vector<16xf32> to vector<16xf32>
    %swap3A_272 = vector.shape_cast %broadcast_in_dim3A_268 : vector<16xf32> to vector<16xf32>
    tpu.vector_store %arg6[%swap3A_269], %swap3A_272 {strides = array<i32>} : memref<640xf32, #tpu.memory_space<vmem>>, vector<16xf32>,
    "tpu.region"() ({
      %run_scoped3A = tpu.sem_alloc : memref<!tpu.dma_semaphore, #tpu.memory_space<semaphore_mem>>
      %dma_start3A = tpu.memref_slice %arg7[%mul3A_4] : memref<10240xf32, #tpu.memory_space<vmem_shared>> -> memref<640xf32, #tpu.memory_space<vmem_shared>>
      %dma_start3A_282 = tpu.memref_slice %arg7[%mul3A_4] : memref<10240xf32, #tpu.memory_space<vmem_shared>> -> memref<640xf32, #tpu.memory_space<vmem_shared>>
      tpu.enqueue_dma source(%arg6 : memref<640xf32, #tpu.memory_space<vmem>>) target(%dma_start3A_282 : memref<640xf32, #tpu.memory_space<vmem_shared>>) target_semaphore(%run_scoped3A : memref<!tpu.dma_semaphore, #tpu.memory_space<semaphore_mem>>)
      %dma_wait3A = tpu.memref_slice %arg7[%mul3A_4] : memref<10240xf32, #tpu.memory_space<vmem_shared>> -> memref<640xf32, #tpu.memory_space<vmem_shared>>
      %dma_wait3A_283 = tpu.memref_slice %arg7[%mul3A_4] : memref<10240xf32, #tpu.memory_space<vmem_shared>> -> memref<640xf32, #tpu.memory_space<vmem_shared>>
      tpu.wait_dma2 semaphore(%run_scoped3A : memref<!tpu.dma_semaphore, #tpu.memory_space<semaphore_mem>>) src(%arg6 : memref<640xf32, #tpu.memory_space<vmem>>) dst(%dma_wait3A_283 : memref<640xf32, #tpu.memory_space<vmem_shared>>)
      tpu.yield
    }) : () -> ()
    %barrier3A = arith.constant 0 : index
    tpu.barrier barrier_id(%barrier3A)
    %scan3A = arith.constant 0 : i32
    %scan3A_273 = arith.constant 0 : i32
    %scan3A_274 = arith.constant 128 : i32
    %scan3A_275 = arith.addi %scan3A_273, %scan3A_274 : i32
    %scan3A_276 = arith.constant 1 : i32
    scf.for %scan3A_282 = %scan3A_273 to %scan3A_275 step %scan3A_276  : i32 {
      %mul3A_283 = arith.constant 80 : i32
      %mul3A_284 = arith.muli %scan3A_282, %mul3A_283 : i32
      "tpu.region"() ({
        %run_scoped3A = tpu.sem_alloc : memref<!tpu.dma_semaphore, #tpu.memory_space<semaphore_mem>>
        %dma_start3A = tpu.memref_slice %arg4[%mul3A_284] : memref<10240xi32, #tpu.memory_space<vmem>> -> memref<80xi32, #tpu.memory_space<vmem>>
        %dma_start3A_285 = arith.constant 0 : i32
        %dma_start3A_286 = tpu.memref_slice %arg7[%dma_start3A_285] : memref<10240xf32, #tpu.memory_space<vmem_shared>> -> memref<10240xf32, #tpu.memory_space<vmem_shared>>
        tpu.enqueue_indirect_dma source(%arg5 : memref<80xf32, #tpu.memory_space<vmem>>) target(%dma_start3A_286 : memref<10240xf32, #tpu.memory_space<vmem_shared>>) offsets(%dma_start3A : memref<80xi32, #tpu.memory_space<vmem>>) semaphore(%run_scoped3A : memref<!tpu.dma_semaphore, #tpu.memory_space<semaphore_mem>>) {add = true}
        %dma_wait3A = tpu.memref_slice %arg4[%mul3A_284] : memref<10240xi32, #tpu.memory_space<vmem>> -> memref<80xi32, #tpu.memory_space<vmem>>
        %dma_wait3A_287 = arith.constant 0 : i32
        %dma_wait3A_288 = tpu.memref_slice %arg7[%dma_wait3A_287] : memref<10240xf32, #tpu.memory_space<vmem_shared>> -> memref<10240xf32, #tpu.memory_space<vmem_shared>>
        tpu.wait_indirect_dma semaphore(%run_scoped3A : memref<!tpu.dma_semaphore, #tpu.memory_space<semaphore_mem>>) src(%arg5 : memref<80xf32, #tpu.memory_space<vmem>>) dst(%dma_wait3A_288 : memref<10240xf32, #tpu.memory_space<vmem_shared>>)
        tpu.yield
      }) : () -> ()
    }
    %scan3A_277 = arith.constant 128 : i32
    %barrier3A_278 = arith.constant 0 : index
    tpu.barrier barrier_id(%barrier3A_278)
    "tpu.region"() ({
      %run_scoped3A = tpu.sem_alloc : memref<!tpu.dma_semaphore, #tpu.memory_space<semaphore_mem>>
      %dma_start3A = tpu.memref_slice %arg7[%mul3A_4] : memref<10240xf32, #tpu.memory_space<vmem_shared>> -> memref<640xf32, #tpu.memory_space<vmem_shared>>
      %dma_start3A_282 = tpu.memref_slice %arg7[%mul3A_4] : memref<10240xf32, #tpu.memory_space<vmem_shared>> -> memref<640xf32, #tpu.memory_space<vmem_shared>>
      tpu.enqueue_dma source(%dma_start3A_282 : memref<640xf32, #tpu.memory_space<vmem_shared>>) target(%arg6 : memref<640xf32, #tpu.memory_space<vmem>>) target_semaphore(%run_scoped3A : memref<!tpu.dma_semaphore, #tpu.memory_space<semaphore_mem>>)
      %dma_wait3A = tpu.memref_slice %arg7[%mul3A_4] : memref<10240xf32, #tpu.memory_space<vmem_shared>> -> memref<640xf32, #tpu.memory_space<vmem_shared>>
      %dma_wait3A_283 = tpu.memref_slice %arg7[%mul3A_4] : memref<10240xf32, #tpu.memory_space<vmem_shared>> -> memref<640xf32, #tpu.memory_space<vmem_shared>>
      tpu.wait_dma2 semaphore(%run_scoped3A : memref<!tpu.dma_semaphore, #tpu.memory_space<semaphore_mem>>) src(%dma_wait3A_283 : memref<640xf32, #tpu.memory_space<vmem_shared>>) dst(%arg6 : memref<640xf32, #tpu.memory_space<vmem>>)
      tpu.yield
    }) : () -> ()
    %mul3A_279 = arith.constant 10240 : i32
    %mul3A_280 = arith.muli %arg0, %mul3A_279 : i32
    %add3A_281 = arith.addi %mul3A_280, %mul3A_4 : i32
    "tpu.region"() ({
      %run_scoped3A = tpu.sem_alloc : memref<!tpu.dma_semaphore, #tpu.memory_space<semaphore_mem>>
      %dma_start3A = tpu.memref_slice %arg3[%add3A_281] : memref<20480xf32, #tpu.memory_space<hbm>> -> memref<640xf32, #tpu.memory_space<hbm>>
      %dma_start3A_282 = tpu.memref_slice %arg3[%add3A_281] : memref<20480xf32, #tpu.memory_space<hbm>> -> memref<640xf32, #tpu.memory_space<hbm>>
      tpu.enqueue_dma source(%arg6 : memref<640xf32, #tpu.memory_space<vmem>>) target(%dma_start3A_282 : memref<640xf32, #tpu.memory_space<hbm>>) target_semaphore(%run_scoped3A : memref<!tpu.dma_semaphore, #tpu.memory_space<semaphore_mem>>)
      %dma_wait3A = tpu.memref_slice %arg3[%add3A_281] : memref<20480xf32, #tpu.memory_space<hbm>> -> memref<640xf32, #tpu.memory_space<hbm>>
      %dma_wait3A_283 = tpu.memref_slice %arg3[%add3A_281] : memref<20480xf32, #tpu.memory_space<hbm>> -> memref<640xf32, #tpu.memory_space<hbm>>
      tpu.wait_dma2 semaphore(%run_scoped3A : memref<!tpu.dma_semaphore, #tpu.memory_space<semaphore_mem>>) src(%arg6 : memref<640xf32, #tpu.memory_space<vmem>>) dst(%dma_wait3A_283 : memref<640xf32, #tpu.memory_space<hbm>>)
      tpu.yield
    }) : () -> ()
    return
  }
}

module attributes {stable_mosaic.version = 14 : i64} {
  func.func @_tc_y1_body(%arg0: i32, %arg1: memref<400x128xf32, #tpu.memory_space<vmem>>, %arg2: memref<128x128xf32, #tpu.memory_space<vmem>>, %arg3: memref<400x2xf32, #tpu.memory_space<vmem>>, %arg4: memref<400x128xf32, #tpu.memory_space<vmem>>) attributes {dimension_semantics = [#tpu.dimension_semantics<arbitrary>], iteration_bounds = array<i64: 25>, scalar_prefetch = 0 : i64, scratch_operands = 0 : i64, tpu.core_type = #tpu.core_type<tc>, window_params = [{transform_indices = @transform_0, window_bounds = array<i64: 400, 128>}, {pipeline_mode = #tpu.pipeline_mode<synchronous>, transform_indices = @transform_1, window_bounds = array<i64: 128, 128>}, {transform_indices = @transform_2, window_bounds = array<i64: 400, 2>}, {transform_indices = @transform_3, window_bounds = array<i64: 400, 128>}]} {
    %get3A = arith.constant 0 : index
    %get3A_0 = arith.constant 0 : index
    %get3A_1 = vector.load %arg3[%get3A, %get3A_0] : memref<400x2xf32, #tpu.memory_space<vmem>>, vector<400x2xf32>
    %slice3A = vector.extract_strided_slice %get3A_1 {offsets = [0, 0], sizes = [400, 1], strides = [1, 1]} : vector<400x2xf32> to vector<400x1xf32>
    %squeeze3A = vector.shape_cast %slice3A : vector<400x1xf32> to vector<400xf32>
    %slice3A_2 = vector.extract_strided_slice %get3A_1 {offsets = [0, 1], sizes = [400, 1], strides = [1, 1]} : vector<400x2xf32> to vector<400x1xf32>
    %squeeze3A_3 = vector.shape_cast %slice3A_2 : vector<400x1xf32> to vector<400xf32>
    %add3A = arith.addf %squeeze3A, %squeeze3A_3 : vector<400xf32>
    %add3A_4 = arith.constant 1.000000e+00 : f32
    %add3A_5 = vector.broadcast %add3A_4 : f32 to vector<400xf32>
    %add3A_6 = arith.addf %add3A, %add3A_5 : vector<400xf32>
    %rsqrt3A = math.rsqrt %add3A_6 : vector<400xf32>
    %get3A_7 = arith.constant 0 : index
    %get3A_8 = arith.constant 0 : index
    %get3A_9 = vector.load %arg1[%get3A_7, %get3A_8] : memref<400x128xf32, #tpu.memory_space<vmem>>, vector<400x128xf32>
    %get3A_10 = arith.constant 0 : index
    %get3A_11 = arith.constant 0 : index
    %get3A_12 = vector.load %arg2[%get3A_10, %get3A_11] : memref<128x128xf32, #tpu.memory_space<vmem>>, vector<128x128xf32>
    %dot_general3A = arith.constant dense<0.000000e+00> : vector<400x128xf32>
    %dot_general3A_13 = tpu.matmul %get3A_9, %get3A_12, %dot_general3A {dimension_numbers = #tpu.dot_dimension_numbers<[1], [0], [0], [1], [0, 0, 1, 1], [], []>, transpose_lhs_hint = false} : vector<400x128xf32>, vector<128x128xf32>, vector<400x128xf32> -> vector<400x128xf32>
    %broadcast_in_dim3A = vector.shape_cast %rsqrt3A : vector<400xf32> to vector<400x1xf32>
    %mul3A = vector.broadcast %broadcast_in_dim3A : vector<400x1xf32> to vector<400x128xf32>
    %mul3A_14 = arith.mulf %dot_general3A_13, %mul3A : vector<400x128xf32>
    %swap3A = arith.constant 0 : index
    %swap3A_15 = arith.constant 0 : index
    %swap3A_16 = vector.load %arg4[%swap3A, %swap3A_15] : memref<400x128xf32, #tpu.memory_space<vmem>>, vector<400x128xf32>
    tpu.vector_store %arg4[%swap3A, %swap3A_15], %mul3A_14 {strides = array<i32>} : memref<400x128xf32, #tpu.memory_space<vmem>>, vector<400x128xf32>,
    return
  }
  func.func @transform_0(%arg0: i32) -> (i32, i32) {
    %c0_i32 = arith.constant 0 : i32
    %c0_i32_0 = arith.constant 0 : i32
    return %arg0, %c0_i32 : i32, i32
  }
  func.func @transform_1(%arg0: i32) -> (i32, i32) {
    %c0_i32 = arith.constant 0 : i32
    %c0_i32_0 = arith.constant 0 : i32
    %c0_i32_1 = arith.constant 0 : i32
    return %c0_i32, %c0_i32_0 : i32, i32
  }
  func.func @transform_2(%arg0: i32) -> (i32, i32) {
    %c0_i32 = arith.constant 0 : i32
    %c0_i32_0 = arith.constant 0 : i32
    return %arg0, %c0_i32 : i32, i32
  }
  func.func @transform_3(%arg0: i32) -> (i32, i32) {
    %c0_i32 = arith.constant 0 : i32
    %c0_i32_0 = arith.constant 0 : i32
    return %arg0, %c0_i32 : i32, i32
  }
}

module attributes {stable_mosaic.version = 14 : i64} {
  func.func @_tc_mid_body(%arg0: i32, %arg1: memref<400x128xf32, #tpu.memory_space<vmem>>, %arg2: memref<400x128xf32, #tpu.memory_space<vmem>>, %arg3: memref<400x128xf32, #tpu.memory_space<vmem>>, %arg4: memref<400x2xf32, #tpu.memory_space<vmem>>, %arg5: memref<1x128xf32, #tpu.memory_space<vmem>>, %arg6: memref<128x128xf32, #tpu.memory_space<vmem>>, %arg7: memref<400x128xf32, #tpu.memory_space<vmem>>) attributes {dimension_semantics = [#tpu.dimension_semantics<arbitrary>], iteration_bounds = array<i64: 25>, scalar_prefetch = 0 : i64, scratch_operands = 0 : i64, tpu.core_type = #tpu.core_type<tc>, window_params = [{transform_indices = @transform_0, window_bounds = array<i64: 400, 128>}, {transform_indices = @transform_1, window_bounds = array<i64: 400, 128>}, {transform_indices = @transform_2, window_bounds = array<i64: 400, 128>}, {transform_indices = @transform_3, window_bounds = array<i64: 400, 2>}, {pipeline_mode = #tpu.pipeline_mode<synchronous>, transform_indices = @transform_4, window_bounds = array<i64: 1, 128>}, {pipeline_mode = #tpu.pipeline_mode<synchronous>, transform_indices = @transform_5, window_bounds = array<i64: 128, 128>}, {transform_indices = @transform_6, window_bounds = array<i64: 400, 128>}]} {
    %get3A = arith.constant 0 : index
    %get3A_0 = arith.constant 0 : index
    %get3A_1 = vector.load %arg4[%get3A, %get3A_0] : memref<400x2xf32, #tpu.memory_space<vmem>>, vector<400x2xf32>
    %slice3A = vector.extract_strided_slice %get3A_1 {offsets = [0, 0], sizes = [400, 1], strides = [1, 1]} : vector<400x2xf32> to vector<400x1xf32>
    %squeeze3A = vector.shape_cast %slice3A : vector<400x1xf32> to vector<400xf32>
    %slice3A_2 = vector.extract_strided_slice %get3A_1 {offsets = [0, 1], sizes = [400, 1], strides = [1, 1]} : vector<400x2xf32> to vector<400x1xf32>
    %squeeze3A_3 = vector.shape_cast %slice3A_2 : vector<400x1xf32> to vector<400xf32>
    %add3A = arith.addf %squeeze3A, %squeeze3A_3 : vector<400xf32>
    %add3A_4 = arith.constant 1.000000e+00 : f32
    %add3A_5 = vector.broadcast %add3A_4 : f32 to vector<400xf32>
    %add3A_6 = arith.addf %add3A, %add3A_5 : vector<400xf32>
    %rsqrt3A = math.rsqrt %add3A_6 : vector<400xf32>
    %broadcast_in_dim3A = vector.shape_cast %rsqrt3A : vector<400xf32> to vector<400x1xf32>
    %get3A_7 = arith.constant 0 : index
    %get3A_8 = arith.constant 0 : index
    %get3A_9 = vector.load %arg1[%get3A_7, %get3A_8] : memref<400x128xf32, #tpu.memory_space<vmem>>, vector<400x128xf32>
    %get3A_10 = arith.constant 0 : index
    %get3A_11 = arith.constant 0 : index
    %get3A_12 = vector.load %arg2[%get3A_10, %get3A_11] : memref<400x128xf32, #tpu.memory_space<vmem>>, vector<400x128xf32>
    %add3A_13 = arith.addf %get3A_9, %get3A_12 : vector<400x128xf32>
    %get3A_14 = arith.constant 0 : index
    %get3A_15 = arith.constant 0 : index
    %get3A_16 = vector.load %arg3[%get3A_14, %get3A_15] : memref<400x128xf32, #tpu.memory_space<vmem>>, vector<400x128xf32>
    %add3A_17 = arith.addf %add3A_13, %get3A_16 : vector<400x128xf32>
    %mul3A = vector.broadcast %broadcast_in_dim3A : vector<400x1xf32> to vector<400x128xf32>
    %mul3A_18 = arith.mulf %mul3A, %add3A_17 : vector<400x128xf32>
    %get3A_19 = arith.constant 0 : index
    %get3A_20 = arith.constant 0 : index
    %get3A_21 = vector.load %arg5[%get3A_19, %get3A_20] : memref<1x128xf32, #tpu.memory_space<vmem>>, vector<1x128xf32>
    %add3A_22 = vector.broadcast %get3A_21 : vector<1x128xf32> to vector<400x128xf32>
    %add3A_23 = arith.addf %mul3A_18, %add3A_22 : vector<400x128xf32>
    %max3A = arith.constant 0.000000e+00 : f32
    %max3A_24 = vector.broadcast %max3A : f32 to vector<400x128xf32>
    %max3A_25 = arith.maximumf %add3A_23, %max3A_24 : vector<400x128xf32>
    %get3A_26 = arith.constant 0 : index
    %get3A_27 = arith.constant 0 : index
    %get3A_28 = vector.load %arg6[%get3A_26, %get3A_27] : memref<128x128xf32, #tpu.memory_space<vmem>>, vector<128x128xf32>
    %dot_general3A = arith.constant dense<0.000000e+00> : vector<400x128xf32>
    %dot_general3A_29 = tpu.matmul %max3A_25, %get3A_28, %dot_general3A {dimension_numbers = #tpu.dot_dimension_numbers<[1], [0], [0], [1], [0, 0, 1, 1], [], []>, transpose_lhs_hint = false} : vector<400x128xf32>, vector<128x128xf32>, vector<400x128xf32> -> vector<400x128xf32>
    %broadcast_in_dim3A_30 = vector.shape_cast %rsqrt3A : vector<400xf32> to vector<400x1xf32>
    %mul3A_31 = vector.broadcast %broadcast_in_dim3A_30 : vector<400x1xf32> to vector<400x128xf32>
    %mul3A_32 = arith.mulf %dot_general3A_29, %mul3A_31 : vector<400x128xf32>
    %swap3A = arith.constant 0 : index
    %swap3A_33 = arith.constant 0 : index
    %swap3A_34 = vector.load %arg7[%swap3A, %swap3A_33] : memref<400x128xf32, #tpu.memory_space<vmem>>, vector<400x128xf32>
    tpu.vector_store %arg7[%swap3A, %swap3A_33], %mul3A_32 {strides = array<i32>} : memref<400x128xf32, #tpu.memory_space<vmem>>, vector<400x128xf32>,
    return
  }
  func.func @transform_0(%arg0: i32) -> (i32, i32) {
    %c0_i32 = arith.constant 0 : i32
    %c0_i32_0 = arith.constant 0 : i32
    return %arg0, %c0_i32 : i32, i32
  }
  func.func @transform_1(%arg0: i32) -> (i32, i32) {
    %c0_i32 = arith.constant 0 : i32
    %c0_i32_0 = arith.constant 0 : i32
    return %arg0, %c0_i32 : i32, i32
  }
  func.func @transform_2(%arg0: i32) -> (i32, i32) {
    %c0_i32 = arith.constant 0 : i32
    %c0_i32_0 = arith.constant 0 : i32
    return %arg0, %c0_i32 : i32, i32
  }
  func.func @transform_3(%arg0: i32) -> (i32, i32) {
    %c0_i32 = arith.constant 0 : i32
    %c0_i32_0 = arith.constant 0 : i32
    return %arg0, %c0_i32 : i32, i32
  }
  func.func @transform_4(%arg0: i32) -> (i32, i32) {
    %c0_i32 = arith.constant 0 : i32
    %c0_i32_0 = arith.constant 0 : i32
    %c0_i32_1 = arith.constant 0 : i32
    return %c0_i32, %c0_i32_0 : i32, i32
  }
  func.func @transform_5(%arg0: i32) -> (i32, i32) {
    %c0_i32 = arith.constant 0 : i32
    %c0_i32_0 = arith.constant 0 : i32
    %c0_i32_1 = arith.constant 0 : i32
    return %c0_i32, %c0_i32_0 : i32, i32
  }
  func.func @transform_6(%arg0: i32) -> (i32, i32) {
    %c0_i32 = arith.constant 0 : i32
    %c0_i32_0 = arith.constant 0 : i32
    return %arg0, %c0_i32 : i32, i32
  }
}

module attributes {stable_mosaic.version = 14 : i64} {
  func.func @_tc_out_body(%arg0: i32, %arg1: memref<400x128xf32, #tpu.memory_space<vmem>>, %arg2: memref<400x128xf32, #tpu.memory_space<vmem>>, %arg3: memref<400x128xf32, #tpu.memory_space<vmem>>, %arg4: memref<400x2xf32, #tpu.memory_space<vmem>>, %arg5: memref<1x128xf32, #tpu.memory_space<vmem>>, %arg6: memref<400x128xf32, #tpu.memory_space<vmem>>) attributes {dimension_semantics = [#tpu.dimension_semantics<arbitrary>], iteration_bounds = array<i64: 25>, scalar_prefetch = 0 : i64, scratch_operands = 0 : i64, tpu.core_type = #tpu.core_type<tc>, window_params = [{transform_indices = @transform_0, window_bounds = array<i64: 400, 128>}, {transform_indices = @transform_1, window_bounds = array<i64: 400, 128>}, {transform_indices = @transform_2, window_bounds = array<i64: 400, 128>}, {transform_indices = @transform_3, window_bounds = array<i64: 400, 2>}, {pipeline_mode = #tpu.pipeline_mode<synchronous>, transform_indices = @transform_4, window_bounds = array<i64: 1, 128>}, {transform_indices = @transform_5, window_bounds = array<i64: 400, 128>}]} {
    %get3A = arith.constant 0 : index
    %get3A_0 = arith.constant 0 : index
    %get3A_1 = vector.load %arg4[%get3A, %get3A_0] : memref<400x2xf32, #tpu.memory_space<vmem>>, vector<400x2xf32>
    %slice3A = vector.extract_strided_slice %get3A_1 {offsets = [0, 0], sizes = [400, 1], strides = [1, 1]} : vector<400x2xf32> to vector<400x1xf32>
    %squeeze3A = vector.shape_cast %slice3A : vector<400x1xf32> to vector<400xf32>
    %slice3A_2 = vector.extract_strided_slice %get3A_1 {offsets = [0, 1], sizes = [400, 1], strides = [1, 1]} : vector<400x2xf32> to vector<400x1xf32>
    %squeeze3A_3 = vector.shape_cast %slice3A_2 : vector<400x1xf32> to vector<400xf32>
    %add3A = arith.addf %squeeze3A, %squeeze3A_3 : vector<400xf32>
    %add3A_4 = arith.constant 1.000000e+00 : f32
    %add3A_5 = vector.broadcast %add3A_4 : f32 to vector<400xf32>
    %add3A_6 = arith.addf %add3A, %add3A_5 : vector<400xf32>
    %rsqrt3A = math.rsqrt %add3A_6 : vector<400xf32>
    %broadcast_in_dim3A = vector.shape_cast %rsqrt3A : vector<400xf32> to vector<400x1xf32>
    %get3A_7 = arith.constant 0 : index
    %get3A_8 = arith.constant 0 : index
    %get3A_9 = vector.load %arg1[%get3A_7, %get3A_8] : memref<400x128xf32, #tpu.memory_space<vmem>>, vector<400x128xf32>
    %get3A_10 = arith.constant 0 : index
    %get3A_11 = arith.constant 0 : index
    %get3A_12 = vector.load %arg2[%get3A_10, %get3A_11] : memref<400x128xf32, #tpu.memory_space<vmem>>, vector<400x128xf32>
    %add3A_13 = arith.addf %get3A_9, %get3A_12 : vector<400x128xf32>
    %get3A_14 = arith.constant 0 : index
    %get3A_15 = arith.constant 0 : index
    %get3A_16 = vector.load %arg3[%get3A_14, %get3A_15] : memref<400x128xf32, #tpu.memory_space<vmem>>, vector<400x128xf32>
    %add3A_17 = arith.addf %add3A_13, %get3A_16 : vector<400x128xf32>
    %mul3A = vector.broadcast %broadcast_in_dim3A : vector<400x1xf32> to vector<400x128xf32>
    %mul3A_18 = arith.mulf %mul3A, %add3A_17 : vector<400x128xf32>
    %get3A_19 = arith.constant 0 : index
    %get3A_20 = arith.constant 0 : index
    %get3A_21 = vector.load %arg5[%get3A_19, %get3A_20] : memref<1x128xf32, #tpu.memory_space<vmem>>, vector<1x128xf32>
    %add3A_22 = vector.broadcast %get3A_21 : vector<1x128xf32> to vector<400x128xf32>
    %add3A_23 = arith.addf %mul3A_18, %add3A_22 : vector<400x128xf32>
    %max3A = arith.constant 0.000000e+00 : f32
    %max3A_24 = vector.broadcast %max3A : f32 to vector<400x128xf32>
    %max3A_25 = arith.maximumf %add3A_23, %max3A_24 : vector<400x128xf32>
    %swap3A = arith.constant 0 : index
    %swap3A_26 = arith.constant 0 : index
    %swap3A_27 = vector.load %arg6[%swap3A, %swap3A_26] : memref<400x128xf32, #tpu.memory_space<vmem>>, vector<400x128xf32>
    tpu.vector_store %arg6[%swap3A, %swap3A_26], %max3A_25 {strides = array<i32>} : memref<400x128xf32, #tpu.memory_space<vmem>>, vector<400x128xf32>,
    return
  }
  func.func @transform_0(%arg0: i32) -> (i32, i32) {
    %c0_i32 = arith.constant 0 : i32
    %c0_i32_0 = arith.constant 0 : i32
    return %arg0, %c0_i32 : i32, i32
  }
  func.func @transform_1(%arg0: i32) -> (i32, i32) {
    %c0_i32 = arith.constant 0 : i32
    %c0_i32_0 = arith.constant 0 : i32
    return %arg0, %c0_i32 : i32, i32
  }
  func.func @transform_2(%arg0: i32) -> (i32, i32) {
    %c0_i32 = arith.constant 0 : i32
    %c0_i32_0 = arith.constant 0 : i32
    return %arg0, %c0_i32 : i32, i32
  }
  func.func @transform_3(%arg0: i32) -> (i32, i32) {
    %c0_i32 = arith.constant 0 : i32
    %c0_i32_0 = arith.constant 0 : i32
    return %arg0, %c0_i32 : i32, i32
  }
  func.func @transform_4(%arg0: i32) -> (i32, i32) {
    %c0_i32 = arith.constant 0 : i32
    %c0_i32_0 = arith.constant 0 : i32
    %c0_i32_1 = arith.constant 0 : i32
    return %c0_i32, %c0_i32_0 : i32, i32
  }
  func.func @transform_5(%arg0: i32) -> (i32, i32) {
    %c0_i32 = arith.constant 0 : i32
    %c0_i32_0 = arith.constant 0 : i32
    return %arg0, %c0_i32 : i32, i32
  }
}

</mosaic_0001>

<sc_bundles>
// kernel: kernel.11.cloned.1.call-start
scs
__scs_entry_jumppad:
0x0: {  	(pc) =	sbr.rel $0x88, $3  }
0x1: {  	(tag) =	ssettag $0x0;
	lr =	simm.s32 $0x1  }
0x2: {  	[smem:$0x3F9B] =	sst lr;
	_ =	strace $0xD0000000  }
0x3: {  	_ = 	snop  }
0x4: {  	_ = 	snop  }
0x5: {  	_ = 	snop  }
0x6: {  	_ = 	snop  }
0x7: {  	_ = 	snop  }
__scs_overlays_trampoline_lowered:
0x8: {  	[smem:$0x3FAA] =	sst s0  }
0x9: {  	[smem:$0x3FAB] =	sst s1  }
0xa: {  	[smem:$0x3FAC] =	sst s2  }
0xb: {  	[smem:$0x3FAD] =	sst s3  }
0xc: {  	[smem:$0x3FAE] =	sst s4  }
0xd: {  	[smem:$0x3FAF] =	sst s5  }
0xe: {  	[smem:$0x3FB0] =	sst s6  }
0xf: {  	[smem:$0x3FB1] =	sst s7  }
0x10: {  	[smem:$0x3FB2] =	sst s8  }
0x11: {  	[smem:$0x3FB3] =	sst s9;
	s0 =	simm.s32 @!p0 $0x0  }
0x12: {  	s1 =	sld [smem:$0x3F99];
	s0 =	simm.s32 @p0 $0x1  }
0x13: {  	[smem:$0x3FB4] =	sst s0;
	s0 =	simm.s32 @!p1 $0x0  }
0x14: {  	s2 =	sld [smem:$0x3F98];
	s0 =	simm.s32 @p1 $0x1  }
0x15: {  	[smem:$0x3FB5] =	sst s0;
	s0 =	simm.s32 @!p2 $0x0  }
0x16: {  	s3 =	sld [smem:$0x3FDB];
	s0 =	simm.s32 @p2 $0x1  }
0x17: {  	s4 =	simm.s32 $0x1BF5;
	[smem:$0x3FB7] =	sst s0  }
0x18: {  	s0 =	sld [smem:$0x3F9A];
	_ =	swait.ge [sflag:s4], $0x0  }
0x19: {  	s7 =	sld [smem:$0x3F9B]  }
0x1a: {  	s8 =	sadd.s32 $0xFFFFE003, lr  }
0x1b: {  	s9 =	sadd.s32 $0xFFFFFEF7, lr;
	s5 =	simm.s32 $0xFFFFFFFF;
	p2 =	slt.u32 s8, $0xFFFFF086  }
0x1c: {  	p1 =	slt.u32 s9, $0xF7A;
	s5 =	simm.s32 @!p2 $0x0  }
0x1d: {  	s5 =	simm.s32 @p1 $0x1;
	p0 =	seq.s32 s7, s2  }
0x1e: {  	s7 =	smul.u32 @!p0 $0xF7A, s2;
	p2 =	seq.s32 @!p0 s5, $0x0  }
0x1f: {  	s9 =	smul.u32 $0xF7A, s1;
	s8 =	simm.s32 @!p0 $0x1BF5;
	p2 =	por !p2, p0  }
0x20: {  	[sflag:s8] =	ssyncset.s32 @!p0 $0xFFFFF086;
	s6 =	sadd.s32 @!p0 s3, s7;
	s7 =	simm.s32 @!p0 $0x108  }
0x21: {  	s3 =	sadd.s32 s3, s9;
	s6 =	sadd.s32 @!p0 $0x88, s6;
	s7 =	simm.s32 @p2 $0x1082  }
0x22: {  	[simem:s7], [sflag:s8] =	dma.local @!p0 [hbm:s6], $0xF7A  }
0x23: {  	s9 =	sor.u32 $0xD0000000, s2;
	s6 =	simm.s32 $0x108;
	_ =	swait.ge @!p0 [sflag:s8], $0x0  }
0x24: {  	s3 =	sadd.s32 $0x88, s3;
	s6 =	simm.s32 @!p1 $0x1082;
	[sflag:s4] =	ssyncset.s32 $0xFFFFF086  }
0x25: {  	[simem:s6], [sflag:s4] =	dma.local [hbm:s3], $0xF7A  }
0x26: {  	[smem:$0x3F9B] =	sst s1;
	(tag) =	ssettag s2;
	_ =	strace s9  }
0x27: {  	s1 =	sld [smem:$0x3FAB]  }
0x28: {  	s2 =	sld [smem:$0x3FAC]  }
0x29: {  	s4 =	sld [smem:$0x3FAE]  }
0x2a: {  	p0 =	seq.s32 s5, $0x0;
	s5 =	sld [smem:$0x3FAF]  }
0x2b: {  	s6 =	sld [smem:$0x3FB0]  }
0x2c: {  	s7 =	sld [smem:$0x3FB1]  }
0x2d: {  	s3 =	simm.s32 $0x108;
	s8 =	sld [smem:$0x3FB2]  }
0x2e: {  	s3 =	simm.s32 @!p0 $0x1082;
	s9 =	sld [smem:$0x3FB3]  }
0x2f: {  	lr =	sadd.s32 s0, s3;
	s0 =	sld [smem:$0x3FAA]  }
0x30: {  	s3 =	sld [smem:$0x3FAD]  }
0x31: {  	[smem:$0x3FB6] =	sst s10  }
0x32: {  	s10 =	sld [smem:$0x3FB4];
	_ =	sdelay $0x3  }
0x33: {  	p0 =	seq.s32 s10, $0x1;
	s10 =	sld [smem:$0x3FB6];
	_ =	sdelay $0x3  }
0x34: {  	[smem:$0x3FB6] =	sst s10  }
0x35: {  	s10 =	sld [smem:$0x3FB5];
	_ =	sdelay $0x3  }
0x36: {  	p1 =	seq.s32 s10, $0x1;
	s10 =	sld [smem:$0x3FB6];
	_ =	sdelay $0x3  }
0x37: {  	[smem:$0x3FB6] =	sst s10  }
0x38: {  	s10 =	sld [smem:$0x3FB7]  }
0x39: {  	_ = 	snop;
	(pc) =	sbr.ind lr, $3  }
0x3a: {  	_ = 	snop  }
0x3b: {  	_ = 	snop  }
0x3c: {  	p2 =	seq.s32 s10, $0x1;
	s10 =	sld [smem:$0x3FB6]  }
0x3d: {  	_ =	shalt  }
0x3e: {  	_ =	shalt  }
0x3f: {  	_ =	shalt  }
0x40: {  	_ =	shalt  }
0x41: {  	_ =	shalt  }
0x42: {  	_ =	shalt  }
0x43: {  	_ =	shalt  }
0x44: {  	_ =	shalt  }
0x45: {  	_ =	shalt  }
0x46: {  	_ =	shalt  }
0x47: {  	_ =	shalt  }
0x48: {  	_ =	shalt  }
0x49: {  	_ =	shalt  }
0x4a: {  	_ =	shalt  }
0x4b: {  	_ =	shalt  }
0x4c: {  	_ =	shalt  }
0x4d: {  	_ =	shalt  }
0x4e: {  	_ =	shalt  }
0x4f: {  	_ =	shalt  }
0x50: {  	_ =	shalt  }
0x51: {  	_ =	shalt  }
0x52: {  	_ =	shalt  }
0x53: {  	_ =	shalt  }
0x54: {  	_ =	shalt  }
0x55: {  	_ =	shalt  }
0x56: {  	_ =	shalt  }
0x57: {  	_ =	shalt  }
0x58: {  	_ =	shalt  }
0x59: {  	_ =	shalt  }
0x5a: {  	_ =	shalt  }
0x5b: {  	_ =	shalt  }
0x5c: {  	_ =	shalt  }
0x5d: {  	_ =	shalt  }
0x5e: {  	_ =	shalt  }
0x5f: {  	_ =	shalt  }
0x60: {  	_ =	shalt  }
0x61: {  	_ =	shalt  }
0x62: {  	_ =	shalt  }
0x63: {  	_ =	shalt  }
0x64: {  	_ =	shalt  }
0x65: {  	_ =	shalt  }
0x66: {  	_ =	shalt  }
0x67: {  	_ =	shalt  }
0x68: {  	_ =	shalt  }
0x69: {  	_ =	shalt  }
0x6a: {  	_ =	shalt  }
0x6b: {  	_ =	shalt  }
0x6c: {  	_ =	shalt  }
0x6d: {  	_ =	shalt  }
0x6e: {  	_ =	shalt  }
0x6f: {  	_ =	shalt  }
0x70: {  	_ =	shalt  }
0x71: {  	_ =	shalt  }
0x72: {  	_ =	shalt  }
0x73: {  	_ =	shalt  }
0x74: {  	_ =	shalt  }
0x75: {  	_ =	shalt  }
0x76: {  	_ =	shalt  }
0x77: {  	_ =	shalt  }
0x78: {  	_ =	shalt  }
0x79: {  	_ =	shalt  }
0x7a: {  	_ =	shalt  }
0x7b: {  	_ =	shalt  }
0x7c: {  	_ =	shalt  }
0x7d: {  	_ =	shalt  }
0x7e: {  	_ =	shalt  }
0x7f: {  	_ =	shalt  }
0x80: {  	_ =	shalt  }
0x81: {  	_ =	shalt  }
0x82: {  	_ =	shalt  }
0x83: {  	_ =	shalt  }
0x84: {  	_ =	shalt  }
0x85: {  	_ =	shalt  }
0x86: {  	_ =	shalt  }
0x87: {  	_ =	shalt  }
.Lfunc_end0:
.L_simem_size_0:
called_computation.1_lowered:
.L_overlay_start_0:
0x88: {  	s2 =	sld [smem:$0x3FD9]  }
0x89: {  	s3 =	sld [smem:$0x3FFE];
	_ =	sdelay $0x1  }
0x8a: {  	s1 =	srdreg.scid  }
0x8b: {  	s0 =	sand.u32 $0x1, s1  }
0x8c: {  	s17 =	sshll.u32 s0, $0xA;
	s2 =	sadd.s32 s3, s2  }
0x8d: {  	s2 =	sadd.s32 s2, s17  }
0x8e: {  	[smem:$0x3FC2] =	sst s2  }
0x8f: {  	_ = 	snop  }
0x90: {  	s2 =	sld [smem:$0x3FD0];
	(tm) =	ssettm $0x1  }
0x91: {  	s18 =	sld [smem:$0x3FFB];
	_ =	sdelay $0x3  }
0x92: {  	_ =	strace s18  }
0x93: {  	s3 =	sld [smem:$0x3FFC];
	_ =	sdelay $0x3  }
0x94: {  	_ =	strace s3  }
0x95: {  	s3 =	sld [smem:$0x3FFD];
	_ =	sdelay $0x3  }
0x96: {  	_ =	strace s3  }
0x97: {  	_ =	strace $0x8FFFFFFF  }
0x98: {  	s19 =	sld [smem:$0x3FDB];
	_ =	sdelay $0x1  }
0x99: {  	s4 =	simm.s32 $_scs_section_size  }
0x9a: {  	s5 =	simm.s32 $_size__tile_overlayer_lowered;
	s6 =	simm.s32 $_tile_overlayer_lowered  }
0x9b: {  	s22 =	simm.s32 $0x1BFF;
	s21 =	sshll.u32 s6, $0x1;
	s3 =	sadd.s32 s4, s19  }
0x9c: {  	s7 =	simm.s32 $0x0;
	s20 =	sshll.u32 s5, $0x1;
	s5 =	sadd.s32 s21, s3  }
0x9d: {  	[timem:s7], [sflag:s22] =	dma.local [hbm:s5], s20  }
0x9e: {  	_ =	swait.ge [sflag:s22], s20  }
0x9f: {  	s4 =	ssub.s32 $0x0, s20;
	[sflag:s22] =	ssyncset.done $0x0  }
0xa0: {  	[sflag:s22] =	ssyncadd.s32 s4;
	_ =	sdelay $0x1  }
0xa1: {  	s23 =	simm.s32 $0x1B8B  }
0xa2: {  	_ =	swait.ge [sflag:s23], $0x1  }
0xa3: {  	[sflag:s23] =	ssyncset.done $0x0  }
0xa4: {  	s25 =	simm.s32 $0x1B8E;
	s24 =	sld [smem:$0x3FFE];
	[sflag:s23] =	ssyncadd.s32 $0xFFFFFFFF  }
0xa5: {  	s26 =	simm.s32 $execute0_lowered;
	[smem:$0x3FD2] =	sst s25  }
0xa6: {  	s5 =	sshll.u32 s26, $0x1;
	_ =	strace $0x80000049;
	[dreg:$0x1] =	wrdreg $0xFFFFFFFF  }
0xa7: {  	s28 =	simm.s32 $_size_execute0_lowered;
	s3 =	sadd.s32 s3, s5;
	[dreg:$0x0] =	wrdreg $0x0  }
0xa8: {  	s5 =	sshll.u32 s28, $0x1;
	[dreg:$0x2] =	wrdreg s3  }
0xa9: {  	[dreg:$0x3] =	wrdreg s5  }
0xaa: {  	[dreg:$0x4] =	wrdreg $0xC0  }
0xab: {  	_ =	task [dreg:s7], $0x5FFFF  }
0xac: {  	[dreg:$0x1] =	wrdreg $0xFFFFFFFF  }
0xad: {  	[dreg:$0x0] =	wrdreg $0x60  }
0xae: {  	[dreg:$0x2] =	wrdreg s2  }
0xaf: {  	[dreg:$0x3] =	wrdreg s24  }
0xb0: {  	[dreg:$0x4] =	wrdreg $0xA0000  }
0xb1: {  	[dreg:$0x5] =	wrdreg $0x9  }
0xb2: {  	_ =	task.clear_ibuf [dreg:s7], $0x6FFFF;
	_ =	strace $0x90000049  }
0xb3: {  	s29 =	simm.s32 $0x9;
	_ =	strace $0x8000004C  }
0xb4: {  	_ =	swait.ge [sflag:s29], $0x1  }
0xb5: {  	[sflag:s29] =	ssyncadd.s32 $0xFFFFFFFF  }
0xb6: {  	_ =	strace $0x9000004C  }
0xb7: {  	_ =	sfence  }
0xb8: {  	s30 =	sld [smem:$0x0];
	_ =	sdelay $0x2  }
0xb9: {  	s31 =	sshll.u32 s1, $0xD;
	s1 =	sshrl.u32 s1, $0x2  }
0xba: {  	s3 =	sand.u32 $0x4000, s31;
	s1 =	sadd.s32 s1, s30  }
0xbb: {  	s0 =	sor.u32 s3, s0;
	s1 =	sshll.u32 s1, $0x11  }
0xbc: {  	s0 =	sor.u32 s1, s0  }
0xbd: {  	s0 =	sadd.s32 $0x8F2B, s0  }
0xbe: {  	[sflag:s0] =	ssyncadd.remote.s32 $0x1  }
0xbf: {  	_ =	sfence.sel $0xFFFF  }
0xc0: {  	[dreg:$0x0] =	wrdreg $0xFFFFFFFF;
	(pc) =	sbr.abs _section_cstart, $3  }
0xc1: {  	[dreg:$0x1] =	wrdreg $0xFFFFFFFF  }
0xc2: {  	_ =	task.clear_ibuf [dreg:s7], $0x2FFFF;
	_ =	strace $0x9FFFFFFF  }
0xc3: {  	(tm) =	ssettm $0x7FFFFFFF  }
tec
execute0_lowered:
.L_overlay_start_1:
0x0: {  	(tag) =	ssettag $0x1  }
0x1: {  	s0 =	srdreg.scid;
	s1 =	rddreg [dreg:$0x0]  }
0x2: {  	s8 =	stileid.u32;
	s5 =	rddreg [dreg:$0x1]  }
0x3: {  	s3 =	rddreg [dreg:$0x2];
	s4 =	simm.s32 $0x0;
	s28 =	simm.s32 $0x7800  }
0x4: {  	s29 =	simm.s32 $0x50;
	s30 =	simm.s32 $0x5000;
	s31 =	simm.s32 $0x1  }
0x5: {  	s0 =	sand.u32 $0x1, s0;
	s2 =	sshll.u32 s8, $0x1;
	s6 =	smul.u32 $0x280, s8  }
0x6: {  	[smem:$0x7FF] =	sst s4;
	s23 =	smul.u32 $0x50000, s8;
	s24 =	sadd.s32 $0x3F200, s5  }
0x7: {  	s2 =	sor.u32 s0, s2;
	s7 =	smul.u32 $0x2800, s0;
	_ =	strace $0x8000004A  }
0x8: {  	[dreg:$0x4] =	wrdreg s24;
	s0 =	ssub.s32 $0x2, s0;
	s2 =	smul.u32 $0x500, s2  }
0x9: {  	s25 =	sshrl.u32 s0, $0x1;
	s6 =	sadd.s32 s6, s7;
	s7 =	sshrl.u32 s23, $0x2  }
0xa: {  	s0 =	ssub.s32 s0, s25;
	s25 =	simm.s32 $0x3;
	s2 =	sadd.s32 s2, s5  }
0xb: {  	s6 =	sshll.u32 s6, $0x4;
	s7 =	sadd.s32 s7, s3;
	s24 =	smax.u32 s0, $0x1  }
0xc: {  	s0 =	simm.s32 $0x0;
	s5 =	sadd.s32 s6, s5;
	s26 =	sadd.s32 $0xD200, s2  }
0xd: {  	s8 =	sadd.s32 $0x3200, s2;
	s9 =	sadd.s32 $0x2800, s7;
	s10 =	sadd.s32 $0x5000, s7  }
0xe: {  	s11 =	sadd.s32 $0x7800, s7;
	s12 =	sadd.s32 $0xA000, s7;
	s13 =	sadd.s32 $0xC800, s7  }
0xf: {  	s14 =	sadd.s32 $0xF000, s7;
	s15 =	sadd.s32 $0x11800, s7;
	s2 =	simm.s32 $0x2  }
0x10: {  	[dreg:$0x5] =	wrdreg s26;
	s16 =	sadd.s32 $0x3F800, s5;
	s17 =	sadd.s32 $0x3FD00, s5  }
0x11: {  	s18 =	sadd.s32 $0x40200, s5;
	s19 =	sadd.s32 $0x40700, s5;
	s20 =	sadd.s32 $0x40C00, s5  }
0x12: {  	s21 =	sadd.s32 $0x41100, s5;
	s22 =	sadd.s32 $0x41600, s5;
	s23 =	sadd.s32 $0x41B00, s5  }
.LBB2_1:
0x13: {  	s5 =	rddreg [dreg:$0x5]  }
0x14: {  	[tilespmem:s4], [sflag:$0x3] =	stream.linear.gather [hbm4b:s5+s4], $0x2800, $0x38;
	[tilespmem:$0x1E000] =	vst v63  }
0x15: {  	_ =	swait.ge [sflag:s25], $0x2800  }
0x16: {  	[sflag:s25] =	ssyncset.done $0x0  }
0x17: {  	s26 =	simm.s32 $0x2800;
	[sflag:s25] =	ssyncadd.s32 $0xFFFFD800  }
0x18: {  	[tilespmem:s26], [sflag:$0x3] =	stream.linear.gather [hbm4b:s8+s4], $0x2800, $0x38;
	[tilespmem:$0x1E000] =	vst v63  }
0x19: {  	_ =	swait.ge [sflag:s25], $0x2800  }
0x1a: {  	[sflag:s25] =	ssyncset.done $0x0  }
0x1b: {  	s6 =	rddreg [dreg:$0x4];
	[sflag:s25] =	ssyncadd.s32 $0xFFFFD800  }
0x1c: {  	[tilespmem:s28], [sflag:$0x3] =	stream.linear.gather [hbm4b:s6+s4], $0x2800, $0x38;
	[tilespmem:$0x1E000] =	vst v63  }
0x1d: {  	_ =	swait.ge [sflag:s25], $0x2800  }
0x1e: {  	[sflag:s25] =	ssyncset.done $0x0  }
0x1f: {  	[sflag:s25] =	ssyncadd.s32 $0xFFFFD800  }
0x20: {  	[spmem:s7] =	stream.linear.scatter [tilespmem:s28], [sflag:$0x3], $0x2800, $0x38;
	[tilespmem:$0x1E000] =	vst v63  }
0x21: {  	_ =	swait.ge [sflag:s25], $0x2800  }
0x22: {  	[sflag:s25] =	ssyncset.done $0x0  }
0x23: {  	[sflag:s25] =	ssyncadd.s32 $0xFFFFD800  }
0x24: {  	[spmem:s9] =	stream.linear.scatter [tilespmem:s28], [sflag:$0x3], $0x2800, $0x38;
	[tilespmem:$0x1E000] =	vst v63  }
0x25: {  	_ =	swait.ge [sflag:s25], $0x2800  }
0x26: {  	[sflag:s25] =	ssyncset.done $0x0  }
0x27: {  	[sflag:s25] =	ssyncadd.s32 $0xFFFFD800  }
0x28: {  	[spmem:s10] =	stream.linear.scatter [tilespmem:s28], [sflag:$0x3], $0x2800, $0x38;
	[tilespmem:$0x1E000] =	vst v63  }
0x29: {  	_ =	swait.ge [sflag:s25], $0x2800  }
0x2a: {  	[sflag:s25] =	ssyncset.done $0x0  }
0x2b: {  	[sflag:s25] =	ssyncadd.s32 $0xFFFFD800  }
0x2c: {  	[spmem:s11] =	stream.linear.scatter [tilespmem:s28], [sflag:$0x3], $0x2800, $0x38;
	[tilespmem:$0x1E000] =	vst v63  }
0x2d: {  	_ =	swait.ge [sflag:s25], $0x2800  }
0x2e: {  	[sflag:s25] =	ssyncset.done $0x0  }
0x2f: {  	[sflag:s25] =	ssyncadd.s32 $0xFFFFD800  }
0x30: {  	[spmem:s12] =	stream.linear.scatter [tilespmem:s28], [sflag:$0x3], $0x2800, $0x38;
	[tilespmem:$0x1E000] =	vst v63  }
0x31: {  	_ =	swait.ge [sflag:s25], $0x2800  }
0x32: {  	[sflag:s25] =	ssyncset.done $0x0  }
0x33: {  	[sflag:s25] =	ssyncadd.s32 $0xFFFFD800  }
0x34: {  	[spmem:s13] =	stream.linear.scatter [tilespmem:s28], [sflag:$0x3], $0x2800, $0x38;
	[tilespmem:$0x1E000] =	vst v63  }
0x35: {  	_ =	swait.ge [sflag:s25], $0x2800  }
0x36: {  	[sflag:s25] =	ssyncset.done $0x0  }
0x37: {  	[sflag:s25] =	ssyncadd.s32 $0xFFFFD800  }
0x38: {  	[spmem:s14] =	stream.linear.scatter [tilespmem:s28], [sflag:$0x3], $0x2800, $0x38;
	[tilespmem:$0x1E000] =	vst v63  }
0x39: {  	_ =	swait.ge [sflag:s25], $0x2800  }
0x3a: {  	[sflag:s25] =	ssyncset.done $0x0  }
0x3b: {  	[sflag:s25] =	ssyncadd.s32 $0xFFFFD800  }
0x3c: {  	[spmem:s15] =	stream.linear.scatter [tilespmem:s28], [sflag:$0x3], $0x2800, $0x38;
	[tilespmem:$0x1E000] =	vst v63  }
0x3d: {  	_ =	swait.ge [sflag:s25], $0x2800  }
0x3e: {  	[sflag:s25] =	ssyncset.done $0x0  }
0x3f: {  	[sflag:s25] =	ssyncadd.s32 $0xFFFFD800  }
0x40: {  	[bflag:$0x0] =	sbarrier.arrive $0xFFFF  }
0x41: {  	[tilespmem:s30], [sflag:$0x1] =	stream.indirect.gather [hbm4b:s1+s29], $0x80, s4, s29, $0xb8;
	[tilespmem:$0x1E000] =	vst v63  }
0x42: {  	_ = 	snop  }
0x43: {  	[tilespmem:s28], [sflag:$0x2] =	stream.indirect.gather [hbm4b:s1+s29], $0x80, s29, s29, $0xb8;
	[tilespmem:$0x1E000] =	vst v63  }
0x44: {  	_ =	swait.ge [sflag:s31], $0x2800  }
0x45: {  	[sflag:s31] =	ssyncset.done $0x0  }
0x46: {  	s26 =	simm.s32 $0x2800;
	[sflag:s31] =	ssyncadd.s32 $0xFFFFD800  }
0x47: {  	[spmem:s3] =	stream.indirect.scatter.add.f32 [tilespmem:s30], [sflag:$0x3], $0x80, s26, s29, $0xb8;
	[tilespmem:$0x1E000] =	vst v63  }
0x48: {  	_ =	swait.ge [sflag:s25], $0x2800  }
0x49: {  	[sflag:s25] =	ssyncset.done $0x0  }
0x4a: {  	s6 =	simm.s32 $0xA0;
	[sflag:s25] =	ssyncadd.s32 $0xFFFFD800  }
0x4b: {  	[tilespmem:s30], [sflag:$0x1] =	stream.indirect.gather [hbm4b:s1+s29], $0x80, s6, s29, $0xb8;
	[tilespmem:$0x1E000] =	vst v63  }
0x4c: {  	_ =	swait.ge [sflag:s2], $0x2800  }
0x4d: {  	[sflag:s2] =	ssyncset.done $0x0  }
0x4e: {  	s26 =	simm.s32 $0x2850;
	[sflag:s2] =	ssyncadd.s32 $0xFFFFD800  }
0x4f: {  	[spmem:s3] =	stream.indirect.scatter.add.f32 [tilespmem:s28], [sflag:$0x3], $0x80, s26, s29, $0xb8;
	[tilespmem:$0x1E000] =	vst v63  }
0x50: {  	_ =	swait.ge [sflag:s25], $0x2800  }
0x51: {  	[sflag:s25] =	ssyncset.done $0x0  }
0x52: {  	s5 =	simm.s32 $0xF0;
	s26 =	simm.s32 $0x280;
	[sflag:s25] =	ssyncadd.s32 $0xFFFFD800  }
.LBB2_2:
0x53: {  	[tilespmem:s28], [sflag:$0x2] =	stream.indirect.gather [hbm4b:s1+s29], $0x80, s5, s29, $0xb8;
	[tilespmem:$0x1E000] =	vst v63  }
0x54: {  	s5 =	smov.u32 s26  }
0x55: {  	p0 =	sne.s32 s26, $0x9B00;
	s26 =	sadd.s32 $0x280, s26;
	_ =	swait.ge [sflag:s31], $0x2800  }
0x56: {  	s5 =	sshra.s32 s5, $0x2;
	[sflag:s31] =	ssyncset.done $0x0  }
0x57: {  	s6 =	sadd.s32 $0x2800, s5;
	[sflag:s31] =	ssyncadd.s32 $0xFFFFD800  }
0x58: {  	[spmem:s3] =	stream.indirect.scatter.add.f32 [tilespmem:s30], [sflag:$0x3], $0x80, s6, s29, $0xb8;
	[tilespmem:$0x1E000] =	vst v63  }
0x59: {  	_ =	swait.ge [sflag:s25], $0x2800  }
0x5a: {  	[sflag:s25] =	ssyncset.done $0x0  }
0x5b: {  	s6 =	sadd.s32 $0xA0, s5;
	[sflag:s25] =	ssyncadd.s32 $0xFFFFD800  }
0x5c: {  	[tilespmem:s30], [sflag:$0x1] =	stream.indirect.gather [hbm4b:s1+s29], $0x80, s6, s29, $0xb8;
	[tilespmem:$0x1E000] =	vst v63  }
0x5d: {  	_ =	swait.ge [sflag:s2], $0x2800  }
0x5e: {  	[sflag:s2] =	ssyncset.done $0x0  }
.Ltmp0:
0x5f: {  	s6 =	sadd.s32 $0x2850, s5;
	[sflag:s2] =	ssyncadd.s32 $0xFFFFD800;
	(pc) =	sbr.rel @p0 .LBB2_2-.Ltmp0, $4  }
0x60: {  	[spmem:s3] =	stream.indirect.scatter.add.f32 [tilespmem:s28], [sflag:$0x3], $0x80, s6, s29, $0xb8;
	[tilespmem:$0x1E000] =	vst v63  }
0x61: {  	_ =	swait.ge [sflag:s25], $0x2800  }
0x62: {  	[sflag:s25] =	ssyncset.done $0x0  }
0x63: {  	s5 =	sadd.s32 $0xF0, s5;
	[sflag:s25] =	ssyncadd.s32 $0xFFFFD800  }
0x64: {  	[tilespmem:s28], [sflag:$0x2] =	stream.indirect.gather [hbm4b:s1+s29], $0x80, s5, s29, $0xb8;
	[tilespmem:$0x1E000] =	vst v63  }
0x65: {  	_ =	swait.ge [sflag:s31], $0x2800  }
0x66: {  	[sflag:s31] =	ssyncset.done $0x0  }
0x67: {  	s6 =	simm.s32 $0x4F60;
	[sflag:s31] =	ssyncadd.s32 $0xFFFFD800  }
0x68: {  	[spmem:s3] =	stream.indirect.scatter.add.f32 [tilespmem:s30], [sflag:$0x3], $0x80, s6, s29, $0xb8;
	[tilespmem:$0x1E000] =	vst v63  }
0x69: {  	_ =	swait.ge [sflag:s25], $0x2800  }
0x6a: {  	[sflag:s25] =	ssyncset.done $0x0  }
0x6b: {  	[sflag:s25] =	ssyncadd.s32 $0xFFFFD800  }
0x6c: {  	_ =	swait.ge [sflag:s2], $0x2800  }
0x6d: {  	[sflag:s2] =	ssyncset.done $0x0  }
0x6e: {  	s26 =	simm.s32 $0x4FB0;
	[sflag:s2] =	ssyncadd.s32 $0xFFFFD800  }
0x6f: {  	[spmem:s3] =	stream.indirect.scatter.add.f32 [tilespmem:s28], [sflag:$0x3], $0x80, s26, s29, $0xb8;
	[tilespmem:$0x1E000] =	vst v63  }
0x70: {  	_ =	swait.ge [sflag:s25], $0x2800  }
0x71: {  	[sflag:s25] =	ssyncset.done $0x0  }
0x72: {  	[sflag:s25] =	ssyncadd.s32 $0xFFFFD800  }
0x73: {  	[bflag:$0x0] =	sbarrier.arrive $0xFFFF  }
0x74: {  	_ =	strace $0x8000004B  }
0x75: {  	[tilespmem:s30], [sflag:$0x3] =	stream.linear.gather [spmem:s7], $0x2800, $0x200038;
	[tilespmem:$0x1E000] =	vst v63  }
0x76: {  	_ =	swait.ge [sflag:s25], $0x2800  }
0x77: {  	[sflag:s25] =	ssyncset.done $0x0  }
0x78: {  	[sflag:s25] =	ssyncadd.s32 $0xFFFFD800  }
0x79: {  	[hbm4b:s16+s4] =	stream.linear.scatter [tilespmem:s30], [sflag:$0x3], $0x2800, $0x200038;
	[tilespmem:$0x1E000] =	vst v63  }
0x7a: {  	_ =	swait.ge [sflag:s25], $0x2800  }
0x7b: {  	[sflag:s25] =	ssyncset.done $0x0  }
0x7c: {  	[sflag:s25] =	ssyncadd.s32 $0xFFFFD800  }
0x7d: {  	[tilespmem:s30], [sflag:$0x3] =	stream.linear.gather [spmem:s9], $0x2800, $0x200038;
	[tilespmem:$0x1E000] =	vst v63  }
0x7e: {  	_ =	swait.ge [sflag:s25], $0x2800  }
0x7f: {  	[sflag:s25] =	ssyncset.done $0x0  }
0x80: {  	[sflag:s25] =	ssyncadd.s32 $0xFFFFD800  }
0x81: {  	[hbm4b:s17+s4] =	stream.linear.scatter [tilespmem:s30], [sflag:$0x3], $0x2800, $0x200038;
	[tilespmem:$0x1E000] =	vst v63  }
0x82: {  	_ =	swait.ge [sflag:s25], $0x2800  }
0x83: {  	[sflag:s25] =	ssyncset.done $0x0  }
0x84: {  	[sflag:s25] =	ssyncadd.s32 $0xFFFFD800  }
0x85: {  	[tilespmem:s30], [sflag:$0x3] =	stream.linear.gather [spmem:s10], $0x2800, $0x200038;
	[tilespmem:$0x1E000] =	vst v63  }
0x86: {  	_ =	swait.ge [sflag:s25], $0x2800  }
0x87: {  	[sflag:s25] =	ssyncset.done $0x0  }
0x88: {  	[sflag:s25] =	ssyncadd.s32 $0xFFFFD800  }
0x89: {  	[hbm4b:s18+s4] =	stream.linear.scatter [tilespmem:s30], [sflag:$0x3], $0x2800, $0x200038;
	[tilespmem:$0x1E000] =	vst v63  }
0x8a: {  	_ =	swait.ge [sflag:s25], $0x2800  }
0x8b: {  	[sflag:s25] =	ssyncset.done $0x0  }
0x8c: {  	[sflag:s25] =	ssyncadd.s32 $0xFFFFD800  }
0x8d: {  	[tilespmem:s30], [sflag:$0x3] =	stream.linear.gather [spmem:s11], $0x2800, $0x200038;
	[tilespmem:$0x1E000] =	vst v63  }
0x8e: {  	_ =	swait.ge [sflag:s25], $0x2800  }
0x8f: {  	[sflag:s25] =	ssyncset.done $0x0  }
0x90: {  	[sflag:s25] =	ssyncadd.s32 $0xFFFFD800  }
0x91: {  	[hbm4b:s19+s4] =	stream.linear.scatter [tilespmem:s30], [sflag:$0x3], $0x2800, $0x200038;
	[tilespmem:$0x1E000] =	vst v63  }
0x92: {  	_ =	swait.ge [sflag:s25], $0x2800  }
0x93: {  	[sflag:s25] =	ssyncset.done $0x0  }
0x94: {  	[sflag:s25] =	ssyncadd.s32 $0xFFFFD800  }
0x95: {  	[tilespmem:s30], [sflag:$0x3] =	stream.linear.gather [spmem:s12], $0x2800, $0x200038;
	[tilespmem:$0x1E000] =	vst v63  }
0x96: {  	_ =	swait.ge [sflag:s25], $0x2800  }
0x97: {  	[sflag:s25] =	ssyncset.done $0x0  }
0x98: {  	[sflag:s25] =	ssyncadd.s32 $0xFFFFD800  }
0x99: {  	[hbm4b:s20+s4] =	stream.linear.scatter [tilespmem:s30], [sflag:$0x3], $0x2800, $0x200038;
	[tilespmem:$0x1E000] =	vst v63  }
0x9a: {  	_ =	swait.ge [sflag:s25], $0x2800  }
0x9b: {  	[sflag:s25] =	ssyncset.done $0x0  }
0x9c: {  	[sflag:s25] =	ssyncadd.s32 $0xFFFFD800  }
0x9d: {  	[tilespmem:s30], [sflag:$0x3] =	stream.linear.gather [spmem:s13], $0x2800, $0x200038;
	[tilespmem:$0x1E000] =	vst v63  }
0x9e: {  	_ =	swait.ge [sflag:s25], $0x2800  }
0x9f: {  	[sflag:s25] =	ssyncset.done $0x0  }
0xa0: {  	[sflag:s25] =	ssyncadd.s32 $0xFFFFD800  }
0xa1: {  	[hbm4b:s21+s4] =	stream.linear.scatter [tilespmem:s30], [sflag:$0x3], $0x2800, $0x200038;
	[tilespmem:$0x1E000] =	vst v63  }
0xa2: {  	_ =	swait.ge [sflag:s25], $0x2800  }
0xa3: {  	[sflag:s25] =	ssyncset.done $0x0  }
0xa4: {  	[sflag:s25] =	ssyncadd.s32 $0xFFFFD800  }
0xa5: {  	[tilespmem:s30], [sflag:$0x3] =	stream.linear.gather [spmem:s14], $0x2800, $0x200038;
	[tilespmem:$0x1E000] =	vst v63  }
0xa6: {  	_ =	swait.ge [sflag:s25], $0x2800  }
0xa7: {  	[sflag:s25] =	ssyncset.done $0x0  }
0xa8: {  	[sflag:s25] =	ssyncadd.s32 $0xFFFFD800  }
0xa9: {  	[hbm4b:s22+s4] =	stream.linear.scatter [tilespmem:s30], [sflag:$0x3], $0x2800, $0x200038;
	[tilespmem:$0x1E000] =	vst v63  }
0xaa: {  	_ =	swait.ge [sflag:s25], $0x2800  }
0xab: {  	[sflag:s25] =	ssyncset.done $0x0  }
0xac: {  	[sflag:s25] =	ssyncadd.s32 $0xFFFFD800  }
0xad: {  	[tilespmem:s30], [sflag:$0x3] =	stream.linear.gather [spmem:s15], $0x2800, $0x200038;
	[tilespmem:$0x1E000] =	vst v63  }
0xae: {  	_ =	swait.ge [sflag:s25], $0x2800  }
0xaf: {  	s0 =	sadd.s32 $0x1, s0;
	[sflag:s25] =	ssyncset.done $0x0  }
0xb0: {  	p0 =	sne.s32 s0, s24;
	[sflag:s25] =	ssyncadd.s32 $0xFFFFD800  }
0xb1: {  	[hbm4b:s23+s4] =	stream.linear.scatter [tilespmem:s30], [sflag:$0x3], $0x2800, $0x200038;
	[tilespmem:$0x1E000] =	vst v63  }
.Ltmp1:
0xb2: {  	_ = 	snop;
	(pc) =	sbr.rel @p0 .LBB2_1-.Ltmp1, $4  }
0xb3: {  	_ =	swait.ge [sflag:s25], $0x2800  }
0xb4: {  	[sflag:s25] =	ssyncset.done $0x0  }
0xb5: {  	[sflag:s25] =	ssyncadd.s32 $0xFFFFD800  }
0xb6: {  	_ =	strace $0x9000004B  }
0xb7: {  	_ =	sfence.sel $0x180000  }
0xb8: {  	[bflag:$0x0] =	sbarrier.arrive $0xFFFF  }
0xb9: {  	_ =	strace $0x9000004A  }
0xba: {  	s0 =	stileid.u32;
	[bflag:$0x2] =	sbarrier.arrive $0xFFFF  }
0xbb: {  	p0 =	sne.s32 s0, $0x0;
	s0 =	rddreg [dreg:$0x3]  }
0xbc: {  	s0 =	sadd.s32 @!p0 $0x100000, s0  }
0xbd: {  	[sflag:s0] =	ssyncadd.tile.s32 @!p0 $0x1;
	_ =	shalt  }
.Lfunc_end2:
_tile_overlayer_lowered:
.L_overlay_start_2:
0xbe: {  	(tag) =	ssettag $0x2  }
0xbf: {  	s0 =	rddreg [dreg:$0x0];
	s2 =	stileid.u32  }
0xc0: {  	s1 =	rddreg [dreg:$0x1];
	p0 =	sne.s32 s2, $0x0  }
0xc1: {  	s3 =	rddreg [dreg:$0x2];
	[bflag:$0x3] =	sbarrier.arrive $0xFFFF;
	s2 =	simm.s32 @!p0 $0x1C03  }
0xc2: {  	[timem:s3], [sflag:s2] =	dma.local @!p0 [hbm:s0], s1  }
0xc3: {  	s0 =	simm.s32 @!p0 $0x3  }
0xc4: {  	_ =	swait.ge @!p0 [sflag:s0], s1  }
0xc5: {  	s1 =	ssub.s32 @!p0 $0x0, s1;
	[sflag:s0] =	ssyncset.done @!p0 $0x0  }
0xc6: {  	[sflag:s0] =	ssyncadd.s32 @!p0 s1  }
0xc7: {  	[bflag:$0x3] =	sbarrier.arrive $0xFFFF  }
0xc8: {  	_ =	shalt  }

// kernel: kernel.14.cloned.1.call-start
scs
__scs_entry_jumppad:
0x0: {  	(pc) =	sbr.rel $0x88, $3  }
0x1: {  	(tag) =	ssettag $0x0;
	lr =	simm.s32 $0x1  }
0x2: {  	[smem:$0x3F9B] =	sst lr;
	_ =	strace $0xD0000000  }
0x3: {  	_ = 	snop  }
0x4: {  	_ = 	snop  }
0x5: {  	_ = 	snop  }
0x6: {  	_ = 	snop  }
0x7: {  	_ = 	snop  }
__scs_overlays_trampoline_lowered:
0x8: {  	[smem:$0x3FAA] =	sst s0  }
0x9: {  	[smem:$0x3FAB] =	sst s1  }
0xa: {  	[smem:$0x3FAC] =	sst s2  }
0xb: {  	[smem:$0x3FAD] =	sst s3  }
0xc: {  	[smem:$0x3FAE] =	sst s4  }
0xd: {  	[smem:$0x3FAF] =	sst s5  }
0xe: {  	[smem:$0x3FB0] =	sst s6  }
0xf: {  	[smem:$0x3FB1] =	sst s7  }
0x10: {  	[smem:$0x3FB2] =	sst s8  }
0x11: {  	[smem:$0x3FB3] =	sst s9;
	s0 =	simm.s32 @!p0 $0x0  }
0x12: {  	s1 =	sld [smem:$0x3F99];
	s0 =	simm.s32 @p0 $0x1  }
0x13: {  	[smem:$0x3FB4] =	sst s0;
	s0 =	simm.s32 @!p1 $0x0  }
0x14: {  	s2 =	sld [smem:$0x3F98];
	s0 =	simm.s32 @p1 $0x1  }
0x15: {  	[smem:$0x3FB5] =	sst s0;
	s0 =	simm.s32 @!p2 $0x0  }
0x16: {  	s3 =	sld [smem:$0x3FDB];
	s0 =	simm.s32 @p2 $0x1  }
0x17: {  	s4 =	simm.s32 $0x1BF5;
	[smem:$0x3FB7] =	sst s0  }
0x18: {  	s0 =	sld [smem:$0x3F9A];
	_ =	swait.ge [sflag:s4], $0x0  }
0x19: {  	s7 =	sld [smem:$0x3F9B]  }
0x1a: {  	s8 =	sadd.s32 $0xFFFFE003, lr  }
0x1b: {  	s9 =	sadd.s32 $0xFFFFFEF7, lr;
	s5 =	simm.s32 $0xFFFFFFFF;
	p2 =	slt.u32 s8, $0xFFFFF086  }
0x1c: {  	p1 =	slt.u32 s9, $0xF7A;
	s5 =	simm.s32 @!p2 $0x0  }
0x1d: {  	s5 =	simm.s32 @p1 $0x1;
	p0 =	seq.s32 s7, s2  }
0x1e: {  	s7 =	smul.u32 @!p0 $0xF7A, s2;
	p2 =	seq.s32 @!p0 s5, $0x0  }
0x1f: {  	s9 =	smul.u32 $0xF7A, s1;
	s8 =	simm.s32 @!p0 $0x1BF5;
	p2 =	por !p2, p0  }
0x20: {  	[sflag:s8] =	ssyncset.s32 @!p0 $0xFFFFF086;
	s6 =	sadd.s32 @!p0 s3, s7;
	s7 =	simm.s32 @!p0 $0x108  }
0x21: {  	s3 =	sadd.s32 s3, s9;
	s6 =	sadd.s32 @!p0 $0x88, s6;
	s7 =	simm.s32 @p2 $0x1082  }
0x22: {  	[simem:s7], [sflag:s8] =	dma.local @!p0 [hbm:s6], $0xF7A  }
0x23: {  	s9 =	sor.u32 $0xD0000000, s2;
	s6 =	simm.s32 $0x108;
	_ =	swait.ge @!p0 [sflag:s8], $0x0  }
0x24: {  	s3 =	sadd.s32 $0x88, s3;
	s6 =	simm.s32 @!p1 $0x1082;
	[sflag:s4] =	ssyncset.s32 $0xFFFFF086  }
0x25: {  	[simem:s6], [sflag:s4] =	dma.local [hbm:s3], $0xF7A  }
0x26: {  	[smem:$0x3F9B] =	sst s1;
	(tag) =	ssettag s2;
	_ =	strace s9  }
0x27: {  	s1 =	sld [smem:$0x3FAB]  }
0x28: {  	s2 =	sld [smem:$0x3FAC]  }
0x29: {  	s4 =	sld [smem:$0x3FAE]  }
0x2a: {  	p0 =	seq.s32 s5, $0x0;
	s5 =	sld [smem:$0x3FAF]  }
0x2b: {  	s6 =	sld [smem:$0x3FB0]  }
0x2c: {  	s7 =	sld [smem:$0x3FB1]  }
0x2d: {  	s3 =	simm.s32 $0x108;
	s8 =	sld [smem:$0x3FB2]  }
0x2e: {  	s3 =	simm.s32 @!p0 $0x1082;
	s9 =	sld [smem:$0x3FB3]  }
0x2f: {  	lr =	sadd.s32 s0, s3;
	s0 =	sld [smem:$0x3FAA]  }
0x30: {  	s3 =	sld [smem:$0x3FAD]  }
0x31: {  	[smem:$0x3FB6] =	sst s10  }
0x32: {  	s10 =	sld [smem:$0x3FB4];
	_ =	sdelay $0x3  }
0x33: {  	p0 =	seq.s32 s10, $0x1;
	s10 =	sld [smem:$0x3FB6];
	_ =	sdelay $0x3  }
0x34: {  	[smem:$0x3FB6] =	sst s10  }
0x35: {  	s10 =	sld [smem:$0x3FB5];
	_ =	sdelay $0x3  }
0x36: {  	p1 =	seq.s32 s10, $0x1;
	s10 =	sld [smem:$0x3FB6];
	_ =	sdelay $0x3  }
0x37: {  	[smem:$0x3FB6] =	sst s10  }
0x38: {  	s10 =	sld [smem:$0x3FB7]  }
0x39: {  	_ = 	snop;
	(pc) =	sbr.ind lr, $3  }
0x3a: {  	_ = 	snop  }
0x3b: {  	_ = 	snop  }
0x3c: {  	p2 =	seq.s32 s10, $0x1;
	s10 =	sld [smem:$0x3FB6]  }
0x3d: {  	_ =	shalt  }
0x3e: {  	_ =	shalt  }
0x3f: {  	_ =	shalt  }
0x40: {  	_ =	shalt  }
0x41: {  	_ =	shalt  }
0x42: {  	_ =	shalt  }
0x43: {  	_ =	shalt  }
0x44: {  	_ =	shalt  }
0x45: {  	_ =	shalt  }
0x46: {  	_ =	shalt  }
0x47: {  	_ =	shalt  }
0x48: {  	_ =	shalt  }
0x49: {  	_ =	shalt  }
0x4a: {  	_ =	shalt  }
0x4b: {  	_ =	shalt  }
0x4c: {  	_ =	shalt  }
0x4d: {  	_ =	shalt  }
0x4e: {  	_ =	shalt  }
0x4f: {  	_ =	shalt  }
0x50: {  	_ =	shalt  }
0x51: {  	_ =	shalt  }
0x52: {  	_ =	shalt  }
0x53: {  	_ =	shalt  }
0x54: {  	_ =	shalt  }
0x55: {  	_ =	shalt  }
0x56: {  	_ =	shalt  }
0x57: {  	_ =	shalt  }
0x58: {  	_ =	shalt  }
0x59: {  	_ =	shalt  }
0x5a: {  	_ =	shalt  }
0x5b: {  	_ =	shalt  }
0x5c: {  	_ =	shalt  }
0x5d: {  	_ =	shalt  }
0x5e: {  	_ =	shalt  }
0x5f: {  	_ =	shalt  }
0x60: {  	_ =	shalt  }
0x61: {  	_ =	shalt  }
0x62: {  	_ =	shalt  }
0x63: {  	_ =	shalt  }
0x64: {  	_ =	shalt  }
0x65: {  	_ =	shalt  }
0x66: {  	_ =	shalt  }
0x67: {  	_ =	shalt  }
0x68: {  	_ =	shalt  }
0x69: {  	_ =	shalt  }
0x6a: {  	_ =	shalt  }
0x6b: {  	_ =	shalt  }
0x6c: {  	_ =	shalt  }
0x6d: {  	_ =	shalt  }
0x6e: {  	_ =	shalt  }
0x6f: {  	_ =	shalt  }
0x70: {  	_ =	shalt  }
0x71: {  	_ =	shalt  }
0x72: {  	_ =	shalt  }
0x73: {  	_ =	shalt  }
0x74: {  	_ =	shalt  }
0x75: {  	_ =	shalt  }
0x76: {  	_ =	shalt  }
0x77: {  	_ =	shalt  }
0x78: {  	_ =	shalt  }
0x79: {  	_ =	shalt  }
0x7a: {  	_ =	shalt  }
0x7b: {  	_ =	shalt  }
0x7c: {  	_ =	shalt  }
0x7d: {  	_ =	shalt  }
0x7e: {  	_ =	shalt  }
0x7f: {  	_ =	shalt  }
0x80: {  	_ =	shalt  }
0x81: {  	_ =	shalt  }
0x82: {  	_ =	shalt  }
0x83: {  	_ =	shalt  }
0x84: {  	_ =	shalt  }
0x85: {  	_ =	shalt  }
0x86: {  	_ =	shalt  }
0x87: {  	_ =	shalt  }
.Lfunc_end0:
.L_simem_size_0:
called_computation.2_lowered:
.L_overlay_start_0:
0x88: {  	s2 =	sld [smem:$0x3FD9]  }
0x89: {  	s3 =	sld [smem:$0x3FFE];
	_ =	sdelay $0x1  }
0x8a: {  	s1 =	srdreg.scid  }
0x8b: {  	s0 =	sand.u32 $0x1, s1  }
0x8c: {  	s17 =	sshll.u32 s0, $0xA;
	s2 =	sadd.s32 s3, s2  }
0x8d: {  	s2 =	sadd.s32 s2, s17  }
0x8e: {  	[smem:$0x3FC2] =	sst s2  }
0x8f: {  	_ = 	snop  }
0x90: {  	s2 =	sld [smem:$0x3FD0];
	(tm) =	ssettm $0x1  }
0x91: {  	s18 =	sld [smem:$0x3FFB];
	_ =	sdelay $0x3  }
0x92: {  	_ =	strace s18  }
0x93: {  	s3 =	sld [smem:$0x3FFC];
	_ =	sdelay $0x3  }
0x94: {  	_ =	strace s3  }
0x95: {  	s3 =	sld [smem:$0x3FFD];
	_ =	sdelay $0x3  }
0x96: {  	_ =	strace s3  }
0x97: {  	_ =	strace $0x8FFFFFFF  }
0x98: {  	s19 =	sld [smem:$0x3FDB];
	_ =	sdelay $0x1  }
0x99: {  	s4 =	simm.s32 $_scs_section_size  }
0x9a: {  	s5 =	simm.s32 $_size__tile_overlayer_lowered;
	s6 =	simm.s32 $_tile_overlayer_lowered  }
0x9b: {  	s22 =	simm.s32 $0x1BFF;
	s21 =	sshll.u32 s6, $0x1;
	s3 =	sadd.s32 s4, s19  }
0x9c: {  	s7 =	simm.s32 $0x0;
	s20 =	sshll.u32 s5, $0x1;
	s5 =	sadd.s32 s21, s3  }
0x9d: {  	[timem:s7], [sflag:s22] =	dma.local [hbm:s5], s20  }
0x9e: {  	_ =	swait.ge [sflag:s22], s20  }
0x9f: {  	s4 =	ssub.s32 $0x0, s20;
	[sflag:s22] =	ssyncset.done $0x0  }
0xa0: {  	[sflag:s22] =	ssyncadd.s32 s4;
	_ =	sdelay $0x1  }
0xa1: {  	s23 =	simm.s32 $0x1B8B  }
0xa2: {  	_ =	swait.ge [sflag:s23], $0x1  }
0xa3: {  	[sflag:s23] =	ssyncset.done $0x0  }
0xa4: {  	s25 =	simm.s32 $0x1B8E;
	s24 =	sld [smem:$0x3FFE];
	[sflag:s23] =	ssyncadd.s32 $0xFFFFFFFF  }
0xa5: {  	s26 =	simm.s32 $execute0_lowered;
	[smem:$0x3FD2] =	sst s25  }
0xa6: {  	s5 =	sshll.u32 s26, $0x1;
	_ =	strace $0x8000004D;
	[dreg:$0x1] =	wrdreg $0xFFFFFFFF  }
0xa7: {  	s28 =	simm.s32 $_size_execute0_lowered;
	s3 =	sadd.s32 s3, s5;
	[dreg:$0x0] =	wrdreg $0x0  }
0xa8: {  	s5 =	sshll.u32 s28, $0x1;
	[dreg:$0x2] =	wrdreg s3  }
0xa9: {  	[dreg:$0x3] =	wrdreg s5  }
0xaa: {  	[dreg:$0x4] =	wrdreg $0xC0  }
0xab: {  	_ =	task [dreg:s7], $0x5FFFF  }
0xac: {  	[dreg:$0x1] =	wrdreg $0xFFFFFFFF  }
0xad: {  	[dreg:$0x0] =	wrdreg $0x60  }
0xae: {  	[dreg:$0x2] =	wrdreg s2  }
0xaf: {  	[dreg:$0x3] =	wrdreg s24  }
0xb0: {  	[dreg:$0x4] =	wrdreg $0xA0000  }
0xb1: {  	[dreg:$0x5] =	wrdreg $0x9  }
0xb2: {  	_ =	task.clear_ibuf [dreg:s7], $0x6FFFF;
	_ =	strace $0x9000004D  }
0xb3: {  	s29 =	simm.s32 $0x9;
	_ =	strace $0x80000050  }
0xb4: {  	_ =	swait.ge [sflag:s29], $0x1  }
0xb5: {  	[sflag:s29] =	ssyncadd.s32 $0xFFFFFFFF  }
0xb6: {  	_ =	strace $0x90000050  }
0xb7: {  	_ =	sfence  }
0xb8: {  	s30 =	sld [smem:$0x0];
	_ =	sdelay $0x2  }
0xb9: {  	s31 =	sshll.u32 s1, $0xD;
	s1 =	sshrl.u32 s1, $0x2  }
0xba: {  	s3 =	sand.u32 $0x4000, s31;
	s1 =	sadd.s32 s1, s30  }
0xbb: {  	s0 =	sor.u32 s3, s0;
	s1 =	sshll.u32 s1, $0x11  }
0xbc: {  	s0 =	sor.u32 s1, s0  }
0xbd: {  	s0 =	sadd.s32 $0x8F2B, s0  }
0xbe: {  	[sflag:s0] =	ssyncadd.remote.s32 $0x1  }
0xbf: {  	_ =	sfence.sel $0xFFFF  }
0xc0: {  	[dreg:$0x0] =	wrdreg $0xFFFFFFFF;
	(pc) =	sbr.abs _section_cstart, $3  }
0xc1: {  	[dreg:$0x1] =	wrdreg $0xFFFFFFFF  }
0xc2: {  	_ =	task.clear_ibuf [dreg:s7], $0x2FFFF;
	_ =	strace $0x9FFFFFFF  }
0xc3: {  	(tm) =	ssettm $0x7FFFFFFF  }
tec
execute0_lowered:
.L_overlay_start_1:
0x0: {  	(tag) =	ssettag $0x1  }
0x1: {  	s0 =	srdreg.scid;
	s1 =	rddreg [dreg:$0x0]  }
0x2: {  	s8 =	stileid.u32;
	s5 =	rddreg [dreg:$0x1]  }
0x3: {  	s3 =	rddreg [dreg:$0x2];
	s4 =	simm.s32 $0x0;
	s28 =	simm.s32 $0x7800  }
0x4: {  	s29 =	simm.s32 $0x50;
	s30 =	simm.s32 $0x5000;
	s31 =	simm.s32 $0x1  }
0x5: {  	s0 =	sand.u32 $0x1, s0;
	s2 =	sshll.u32 s8, $0x1;
	s6 =	smul.u32 $0x280, s8  }
0x6: {  	[smem:$0x7FF] =	sst s4;
	s23 =	smul.u32 $0x50000, s8;
	s24 =	sadd.s32 $0x3F200, s5  }
0x7: {  	s2 =	sor.u32 s0, s2;
	s7 =	smul.u32 $0x2800, s0;
	_ =	strace $0x8000004E  }
0x8: {  	[dreg:$0x4] =	wrdreg s24;
	s0 =	ssub.s32 $0x2, s0;
	s2 =	smul.u32 $0x500, s2  }
0x9: {  	s25 =	sshrl.u32 s0, $0x1;
	s6 =	sadd.s32 s6, s7;
	s7 =	sshrl.u32 s23, $0x2  }
0xa: {  	s0 =	ssub.s32 s0, s25;
	s25 =	simm.s32 $0x3;
	s2 =	sadd.s32 s2, s5  }
0xb: {  	s6 =	sshll.u32 s6, $0x4;
	s7 =	sadd.s32 s7, s3;
	s24 =	smax.u32 s0, $0x1  }
0xc: {  	s0 =	simm.s32 $0x0;
	s5 =	sadd.s32 s6, s5;
	s26 =	sadd.s32 $0xD200, s2  }
0xd: {  	s8 =	sadd.s32 $0x3200, s2;
	s9 =	sadd.s32 $0x2800, s7;
	s10 =	sadd.s32 $0x5000, s7  }
0xe: {  	s11 =	sadd.s32 $0x7800, s7;
	s12 =	sadd.s32 $0xA000, s7;
	s13 =	sadd.s32 $0xC800, s7  }
0xf: {  	s14 =	sadd.s32 $0xF000, s7;
	s15 =	sadd.s32 $0x11800, s7;
	s2 =	simm.s32 $0x2  }
0x10: {  	[dreg:$0x5] =	wrdreg s26;
	s16 =	sadd.s32 $0x3F800, s5;
	s17 =	sadd.s32 $0x3FD00, s5  }
0x11: {  	s18 =	sadd.s32 $0x40200, s5;
	s19 =	sadd.s32 $0x40700, s5;
	s20 =	sadd.s32 $0x40C00, s5  }
0x12: {  	s21 =	sadd.s32 $0x41100, s5;
	s22 =	sadd.s32 $0x41600, s5;
	s23 =	sadd.s32 $0x41B00, s5  }
.LBB2_1:
0x13: {  	s5 =	rddreg [dreg:$0x5]  }
0x14: {  	[tilespmem:s4], [sflag:$0x3] =	stream.linear.gather [hbm4b:s5+s4], $0x2800, $0x38;
	[tilespmem:$0x1E000] =	vst v63  }
0x15: {  	_ =	swait.ge [sflag:s25], $0x2800  }
0x16: {  	[sflag:s25] =	ssyncset.done $0x0  }
0x17: {  	s26 =	simm.s32 $0x2800;
	[sflag:s25] =	ssyncadd.s32 $0xFFFFD800  }
0x18: {  	[tilespmem:s26], [sflag:$0x3] =	stream.linear.gather [hbm4b:s8+s4], $0x2800, $0x38;
	[tilespmem:$0x1E000] =	vst v63  }
0x19: {  	_ =	swait.ge [sflag:s25], $0x2800  }
0x1a: {  	[sflag:s25] =	ssyncset.done $0x0  }
0x1b: {  	s6 =	rddreg [dreg:$0x4];
	[sflag:s25] =	ssyncadd.s32 $0xFFFFD800  }
0x1c: {  	[tilespmem:s28], [sflag:$0x3] =	stream.linear.gather [hbm4b:s6+s4], $0x2800, $0x38;
	[tilespmem:$0x1E000] =	vst v63  }
0x1d: {  	_ =	swait.ge [sflag:s25], $0x2800  }
0x1e: {  	[sflag:s25] =	ssyncset.done $0x0  }
0x1f: {  	[sflag:s25] =	ssyncadd.s32 $0xFFFFD800  }
0x20: {  	[spmem:s7] =	stream.linear.scatter [tilespmem:s28], [sflag:$0x3], $0x2800, $0x38;
	[tilespmem:$0x1E000] =	vst v63  }
0x21: {  	_ =	swait.ge [sflag:s25], $0x2800  }
0x22: {  	[sflag:s25] =	ssyncset.done $0x0  }
0x23: {  	[sflag:s25] =	ssyncadd.s32 $0xFFFFD800  }
0x24: {  	[spmem:s9] =	stream.linear.scatter [tilespmem:s28], [sflag:$0x3], $0x2800, $0x38;
	[tilespmem:$0x1E000] =	vst v63  }
0x25: {  	_ =	swait.ge [sflag:s25], $0x2800  }
0x26: {  	[sflag:s25] =	ssyncset.done $0x0  }
0x27: {  	[sflag:s25] =	ssyncadd.s32 $0xFFFFD800  }
0x28: {  	[spmem:s10] =	stream.linear.scatter [tilespmem:s28], [sflag:$0x3], $0x2800, $0x38;
	[tilespmem:$0x1E000] =	vst v63  }
0x29: {  	_ =	swait.ge [sflag:s25], $0x2800  }
0x2a: {  	[sflag:s25] =	ssyncset.done $0x0  }
0x2b: {  	[sflag:s25] =	ssyncadd.s32 $0xFFFFD800  }
0x2c: {  	[spmem:s11] =	stream.linear.scatter [tilespmem:s28], [sflag:$0x3], $0x2800, $0x38;
	[tilespmem:$0x1E000] =	vst v63  }
0x2d: {  	_ =	swait.ge [sflag:s25], $0x2800  }
0x2e: {  	[sflag:s25] =	ssyncset.done $0x0  }
0x2f: {  	[sflag:s25] =	ssyncadd.s32 $0xFFFFD800  }
0x30: {  	[spmem:s12] =	stream.linear.scatter [tilespmem:s28], [sflag:$0x3], $0x2800, $0x38;
	[tilespmem:$0x1E000] =	vst v63  }
0x31: {  	_ =	swait.ge [sflag:s25], $0x2800  }
0x32: {  	[sflag:s25] =	ssyncset.done $0x0  }
0x33: {  	[sflag:s25] =	ssyncadd.s32 $0xFFFFD800  }
0x34: {  	[spmem:s13] =	stream.linear.scatter [tilespmem:s28], [sflag:$0x3], $0x2800, $0x38;
	[tilespmem:$0x1E000] =	vst v63  }
0x35: {  	_ =	swait.ge [sflag:s25], $0x2800  }
0x36: {  	[sflag:s25] =	ssyncset.done $0x0  }
0x37: {  	[sflag:s25] =	ssyncadd.s32 $0xFFFFD800  }
0x38: {  	[spmem:s14] =	stream.linear.scatter [tilespmem:s28], [sflag:$0x3], $0x2800, $0x38;
	[tilespmem:$0x1E000] =	vst v63  }
0x39: {  	_ =	swait.ge [sflag:s25], $0x2800  }
0x3a: {  	[sflag:s25] =	ssyncset.done $0x0  }
0x3b: {  	[sflag:s25] =	ssyncadd.s32 $0xFFFFD800  }
0x3c: {  	[spmem:s15] =	stream.linear.scatter [tilespmem:s28], [sflag:$0x3], $0x2800, $0x38;
	[tilespmem:$0x1E000] =	vst v63  }
0x3d: {  	_ =	swait.ge [sflag:s25], $0x2800  }
0x3e: {  	[sflag:s25] =	ssyncset.done $0x0  }
0x3f: {  	[sflag:s25] =	ssyncadd.s32 $0xFFFFD800  }
0x40: {  	[bflag:$0x0] =	sbarrier.arrive $0xFFFF  }
0x41: {  	[tilespmem:s30], [sflag:$0x1] =	stream.indirect.gather [hbm4b:s1+s29], $0x80, s4, s29, $0xb8;
	[tilespmem:$0x1E000] =	vst v63  }
0x42: {  	_ = 	snop  }
0x43: {  	[tilespmem:s28], [sflag:$0x2] =	stream.indirect.gather [hbm4b:s1+s29], $0x80, s29, s29, $0xb8;
	[tilespmem:$0x1E000] =	vst v63  }
0x44: {  	_ =	swait.ge [sflag:s31], $0x2800  }
0x45: {  	[sflag:s31] =	ssyncset.done $0x0  }
0x46: {  	s26 =	simm.s32 $0x2800;
	[sflag:s31] =	ssyncadd.s32 $0xFFFFD800  }
0x47: {  	[spmem:s3] =	stream.indirect.scatter.add.f32 [tilespmem:s30], [sflag:$0x3], $0x80, s26, s29, $0xb8;
	[tilespmem:$0x1E000] =	vst v63  }
0x48: {  	_ =	swait.ge [sflag:s25], $0x2800  }
0x49: {  	[sflag:s25] =	ssyncset.done $0x0  }
0x4a: {  	s6 =	simm.s32 $0xA0;
	[sflag:s25] =	ssyncadd.s32 $0xFFFFD800  }
0x4b: {  	[tilespmem:s30], [sflag:$0x1] =	stream.indirect.gather [hbm4b:s1+s29], $0x80, s6, s29, $0xb8;
	[tilespmem:$0x1E000] =	vst v63  }
0x4c: {  	_ =	swait.ge [sflag:s2], $0x2800  }
0x4d: {  	[sflag:s2] =	ssyncset.done $0x0  }
0x4e: {  	s26 =	simm.s32 $0x2850;
	[sflag:s2] =	ssyncadd.s32 $0xFFFFD800  }
0x4f: {  	[spmem:s3] =	stream.indirect.scatter.add.f32 [tilespmem:s28], [sflag:$0x3], $0x80, s26, s29, $0xb8;
	[tilespmem:$0x1E000] =	vst v63  }
0x50: {  	_ =	swait.ge [sflag:s25], $0x2800  }
0x51: {  	[sflag:s25] =	ssyncset.done $0x0  }
0x52: {  	s5 =	simm.s32 $0xF0;
	s26 =	simm.s32 $0x280;
	[sflag:s25] =	ssyncadd.s32 $0xFFFFD800  }
.LBB2_2:
0x53: {  	[tilespmem:s28], [sflag:$0x2] =	stream.indirect.gather [hbm4b:s1+s29], $0x80, s5, s29, $0xb8;
	[tilespmem:$0x1E000] =	vst v63  }
0x54: {  	s5 =	smov.u32 s26  }
0x55: {  	p0 =	sne.s32 s26, $0x9B00;
	s26 =	sadd.s32 $0x280, s26;
	_ =	swait.ge [sflag:s31], $0x2800  }
0x56: {  	s5 =	sshra.s32 s5, $0x2;
	[sflag:s31] =	ssyncset.done $0x0  }
0x57: {  	s6 =	sadd.s32 $0x2800, s5;
	[sflag:s31] =	ssyncadd.s32 $0xFFFFD800  }
0x58: {  	[spmem:s3] =	stream.indirect.scatter.add.f32 [tilespmem:s30], [sflag:$0x3], $0x80, s6, s29, $0xb8;
	[tilespmem:$0x1E000] =	vst v63  }
0x59: {  	_ =	swait.ge [sflag:s25], $0x2800  }
0x5a: {  	[sflag:s25] =	ssyncset.done $0x0  }
0x5b: {  	s6 =	sadd.s32 $0xA0, s5;
	[sflag:s25] =	ssyncadd.s32 $0xFFFFD800  }
0x5c: {  	[tilespmem:s30], [sflag:$0x1] =	stream.indirect.gather [hbm4b:s1+s29], $0x80, s6, s29, $0xb8;
	[tilespmem:$0x1E000] =	vst v63  }
0x5d: {  	_ =	swait.ge [sflag:s2], $0x2800  }
0x5e: {  	[sflag:s2] =	ssyncset.done $0x0  }
.Ltmp0:
0x5f: {  	s6 =	sadd.s32 $0x2850, s5;
	[sflag:s2] =	ssyncadd.s32 $0xFFFFD800;
	(pc) =	sbr.rel @p0 .LBB2_2-.Ltmp0, $4  }
0x60: {  	[spmem:s3] =	stream.indirect.scatter.add.f32 [tilespmem:s28], [sflag:$0x3], $0x80, s6, s29, $0xb8;
	[tilespmem:$0x1E000] =	vst v63  }
0x61: {  	_ =	swait.ge [sflag:s25], $0x2800  }
0x62: {  	[sflag:s25] =	ssyncset.done $0x0  }
0x63: {  	s5 =	sadd.s32 $0xF0, s5;
	[sflag:s25] =	ssyncadd.s32 $0xFFFFD800  }
0x64: {  	[tilespmem:s28], [sflag:$0x2] =	stream.indirect.gather [hbm4b:s1+s29], $0x80, s5, s29, $0xb8;
	[tilespmem:$0x1E000] =	vst v63  }
0x65: {  	_ =	swait.ge [sflag:s31], $0x2800  }
0x66: {  	[sflag:s31] =	ssyncset.done $0x0  }
0x67: {  	s6 =	simm.s32 $0x4F60;
	[sflag:s31] =	ssyncadd.s32 $0xFFFFD800  }
0x68: {  	[spmem:s3] =	stream.indirect.scatter.add.f32 [tilespmem:s30], [sflag:$0x3], $0x80, s6, s29, $0xb8;
	[tilespmem:$0x1E000] =	vst v63  }
0x69: {  	_ =	swait.ge [sflag:s25], $0x2800  }
0x6a: {  	[sflag:s25] =	ssyncset.done $0x0  }
0x6b: {  	[sflag:s25] =	ssyncadd.s32 $0xFFFFD800  }
0x6c: {  	_ =	swait.ge [sflag:s2], $0x2800  }
0x6d: {  	[sflag:s2] =	ssyncset.done $0x0  }
0x6e: {  	s26 =	simm.s32 $0x4FB0;
	[sflag:s2] =	ssyncadd.s32 $0xFFFFD800  }
0x6f: {  	[spmem:s3] =	stream.indirect.scatter.add.f32 [tilespmem:s28], [sflag:$0x3], $0x80, s26, s29, $0xb8;
	[tilespmem:$0x1E000] =	vst v63  }
0x70: {  	_ =	swait.ge [sflag:s25], $0x2800  }
0x71: {  	[sflag:s25] =	ssyncset.done $0x0  }
0x72: {  	[sflag:s25] =	ssyncadd.s32 $0xFFFFD800  }
0x73: {  	[bflag:$0x0] =	sbarrier.arrive $0xFFFF  }
0x74: {  	_ =	strace $0x8000004F  }
0x75: {  	[tilespmem:s30], [sflag:$0x3] =	stream.linear.gather [spmem:s7], $0x2800, $0x200038;
	[tilespmem:$0x1E000] =	vst v63  }
0x76: {  	_ =	swait.ge [sflag:s25], $0x2800  }
0x77: {  	[sflag:s25] =	ssyncset.done $0x0  }
0x78: {  	[sflag:s25] =	ssyncadd.s32 $0xFFFFD800  }
0x79: {  	[hbm4b:s16+s4] =	stream.linear.scatter [tilespmem:s30], [sflag:$0x3], $0x2800, $0x200038;
	[tilespmem:$0x1E000] =	vst v63  }
0x7a: {  	_ =	swait.ge [sflag:s25], $0x2800  }
0x7b: {  	[sflag:s25] =	ssyncset.done $0x0  }
0x7c: {  	[sflag:s25] =	ssyncadd.s32 $0xFFFFD800  }
0x7d: {  	[tilespmem:s30], [sflag:$0x3] =	stream.linear.gather [spmem:s9], $0x2800, $0x200038;
	[tilespmem:$0x1E000] =	vst v63  }
0x7e: {  	_ =	swait.ge [sflag:s25], $0x2800  }
0x7f: {  	[sflag:s25] =	ssyncset.done $0x0  }
0x80: {  	[sflag:s25] =	ssyncadd.s32 $0xFFFFD800  }
0x81: {  	[hbm4b:s17+s4] =	stream.linear.scatter [tilespmem:s30], [sflag:$0x3], $0x2800, $0x200038;
	[tilespmem:$0x1E000] =	vst v63  }
0x82: {  	_ =	swait.ge [sflag:s25], $0x2800  }
0x83: {  	[sflag:s25] =	ssyncset.done $0x0  }
0x84: {  	[sflag:s25] =	ssyncadd.s32 $0xFFFFD800  }
0x85: {  	[tilespmem:s30], [sflag:$0x3] =	stream.linear.gather [spmem:s10], $0x2800, $0x200038;
	[tilespmem:$0x1E000] =	vst v63  }
0x86: {  	_ =	swait.ge [sflag:s25], $0x2800  }
0x87: {  	[sflag:s25] =	ssyncset.done $0x0  }
0x88: {  	[sflag:s25] =	ssyncadd.s32 $0xFFFFD800  }
0x89: {  	[hbm4b:s18+s4] =	stream.linear.scatter [tilespmem:s30], [sflag:$0x3], $0x2800, $0x200038;
	[tilespmem:$0x1E000] =	vst v63  }
0x8a: {  	_ =	swait.ge [sflag:s25], $0x2800  }
0x8b: {  	[sflag:s25] =	ssyncset.done $0x0  }
0x8c: {  	[sflag:s25] =	ssyncadd.s32 $0xFFFFD800  }
0x8d: {  	[tilespmem:s30], [sflag:$0x3] =	stream.linear.gather [spmem:s11], $0x2800, $0x200038;
	[tilespmem:$0x1E000] =	vst v63  }
0x8e: {  	_ =	swait.ge [sflag:s25], $0x2800  }
0x8f: {  	[sflag:s25] =	ssyncset.done $0x0  }
0x90: {  	[sflag:s25] =	ssyncadd.s32 $0xFFFFD800  }
0x91: {  	[hbm4b:s19+s4] =	stream.linear.scatter [tilespmem:s30], [sflag:$0x3], $0x2800, $0x200038;
	[tilespmem:$0x1E000] =	vst v63  }
0x92: {  	_ =	swait.ge [sflag:s25], $0x2800  }
0x93: {  	[sflag:s25] =	ssyncset.done $0x0  }
0x94: {  	[sflag:s25] =	ssyncadd.s32 $0xFFFFD800  }
0x95: {  	[tilespmem:s30], [sflag:$0x3] =	stream.linear.gather [spmem:s12], $0x2800, $0x200038;
	[tilespmem:$0x1E000] =	vst v63  }
0x96: {  	_ =	swait.ge [sflag:s25], $0x2800  }
0x97: {  	[sflag:s25] =	ssyncset.done $0x0  }
0x98: {  	[sflag:s25] =	ssyncadd.s32 $0xFFFFD800  }
0x99: {  	[hbm4b:s20+s4] =	stream.linear.scatter [tilespmem:s30], [sflag:$0x3], $0x2800, $0x200038;
	[tilespmem:$0x1E000] =	vst v63  }
0x9a: {  	_ =	swait.ge [sflag:s25], $0x2800  }
0x9b: {  	[sflag:s25] =	ssyncset.done $0x0  }
0x9c: {  	[sflag:s25] =	ssyncadd.s32 $0xFFFFD800  }
0x9d: {  	[tilespmem:s30], [sflag:$0x3] =	stream.linear.gather [spmem:s13], $0x2800, $0x200038;
	[tilespmem:$0x1E000] =	vst v63  }
0x9e: {  	_ =	swait.ge [sflag:s25], $0x2800  }
0x9f: {  	[sflag:s25] =	ssyncset.done $0x0  }
0xa0: {  	[sflag:s25] =	ssyncadd.s32 $0xFFFFD800  }
0xa1: {  	[hbm4b:s21+s4] =	stream.linear.scatter [tilespmem:s30], [sflag:$0x3], $0x2800, $0x200038;
	[tilespmem:$0x1E000] =	vst v63  }
0xa2: {  	_ =	swait.ge [sflag:s25], $0x2800  }
0xa3: {  	[sflag:s25] =	ssyncset.done $0x0  }
0xa4: {  	[sflag:s25] =	ssyncadd.s32 $0xFFFFD800  }
0xa5: {  	[tilespmem:s30], [sflag:$0x3] =	stream.linear.gather [spmem:s14], $0x2800, $0x200038;
	[tilespmem:$0x1E000] =	vst v63  }
0xa6: {  	_ =	swait.ge [sflag:s25], $0x2800  }
0xa7: {  	[sflag:s25] =	ssyncset.done $0x0  }
0xa8: {  	[sflag:s25] =	ssyncadd.s32 $0xFFFFD800  }
0xa9: {  	[hbm4b:s22+s4] =	stream.linear.scatter [tilespmem:s30], [sflag:$0x3], $0x2800, $0x200038;
	[tilespmem:$0x1E000] =	vst v63  }
0xaa: {  	_ =	swait.ge [sflag:s25], $0x2800  }
0xab: {  	[sflag:s25] =	ssyncset.done $0x0  }
0xac: {  	[sflag:s25] =	ssyncadd.s32 $0xFFFFD800  }
0xad: {  	[tilespmem:s30], [sflag:$0x3] =	stream.linear.gather [spmem:s15], $0x2800, $0x200038;
	[tilespmem:$0x1E000] =	vst v63  }
0xae: {  	_ =	swait.ge [sflag:s25], $0x2800  }
0xaf: {  	s0 =	sadd.s32 $0x1, s0;
	[sflag:s25] =	ssyncset.done $0x0  }
0xb0: {  	p0 =	sne.s32 s0, s24;
	[sflag:s25] =	ssyncadd.s32 $0xFFFFD800  }
0xb1: {  	[hbm4b:s23+s4] =	stream.linear.scatter [tilespmem:s30], [sflag:$0x3], $0x2800, $0x200038;
	[tilespmem:$0x1E000] =	vst v63  }
.Ltmp1:
0xb2: {  	_ = 	snop;
	(pc) =	sbr.rel @p0 .LBB2_1-.Ltmp1, $4  }
0xb3: {  	_ =	swait.ge [sflag:s25], $0x2800  }
0xb4: {  	[sflag:s25] =	ssyncset.done $0x0  }
0xb5: {  	[sflag:s25] =	ssyncadd.s32 $0xFFFFD800  }
0xb6: {  	_ =	strace $0x9000004F  }
0xb7: {  	_ =	sfence.sel $0x180000  }
0xb8: {  	[bflag:$0x0] =	sbarrier.arrive $0xFFFF  }
0xb9: {  	_ =	strace $0x9000004E  }
0xba: {  	s0 =	stileid.u32;
	[bflag:$0x2] =	sbarrier.arrive $0xFFFF  }
0xbb: {  	p0 =	sne.s32 s0, $0x0;
	s0 =	rddreg [dreg:$0x3]  }
0xbc: {  	s0 =	sadd.s32 @!p0 $0x100000, s0  }
0xbd: {  	[sflag:s0] =	ssyncadd.tile.s32 @!p0 $0x1;
	_ =	shalt  }
.Lfunc_end2:
_tile_overlayer_lowered:
.L_overlay_start_2:
0xbe: {  	(tag) =	ssettag $0x2  }
0xbf: {  	s0 =	rddreg [dreg:$0x0];
	s2 =	stileid.u32  }
0xc0: {  	s1 =	rddreg [dreg:$0x1];
	p0 =	sne.s32 s2, $0x0  }
0xc1: {  	s3 =	rddreg [dreg:$0x2];
	[bflag:$0x3] =	sbarrier.arrive $0xFFFF;
	s2 =	simm.s32 @!p0 $0x1C03  }
0xc2: {  	[timem:s3], [sflag:s2] =	dma.local @!p0 [hbm:s0], s1  }
0xc3: {  	s0 =	simm.s32 @!p0 $0x3  }
0xc4: {  	_ =	swait.ge @!p0 [sflag:s0], s1  }
0xc5: {  	s1 =	ssub.s32 @!p0 $0x0, s1;
	[sflag:s0] =	ssyncset.done @!p0 $0x0  }
0xc6: {  	[sflag:s0] =	ssyncadd.s32 @!p0 s1  }
0xc7: {  	[bflag:$0x3] =	sbarrier.arrive $0xFFFF  }
0xc8: {  	_ =	shalt  }

// kernel: kernel.8.cloned.1.call-start
scs
__scs_entry_jumppad:
0x0: {  	(pc) =	sbr.rel $0x88, $3  }
0x1: {  	(tag) =	ssettag $0x0;
	lr =	simm.s32 $0x1  }
0x2: {  	[smem:$0x3F9B] =	sst lr;
	_ =	strace $0xD0000000  }
0x3: {  	_ = 	snop  }
0x4: {  	_ = 	snop  }
0x5: {  	_ = 	snop  }
0x6: {  	_ = 	snop  }
0x7: {  	_ = 	snop  }
__scs_overlays_trampoline_lowered:
0x8: {  	[smem:$0x3FAA] =	sst s0  }
0x9: {  	[smem:$0x3FAB] =	sst s1  }
0xa: {  	[smem:$0x3FAC] =	sst s2  }
0xb: {  	[smem:$0x3FAD] =	sst s3  }
0xc: {  	[smem:$0x3FAE] =	sst s4  }
0xd: {  	[smem:$0x3FAF] =	sst s5  }
0xe: {  	[smem:$0x3FB0] =	sst s6  }
0xf: {  	[smem:$0x3FB1] =	sst s7  }
0x10: {  	[smem:$0x3FB2] =	sst s8  }
0x11: {  	[smem:$0x3FB3] =	sst s9;
	s0 =	simm.s32 @!p0 $0x0  }
0x12: {  	s1 =	sld [smem:$0x3F99];
	s0 =	simm.s32 @p0 $0x1  }
0x13: {  	[smem:$0x3FB4] =	sst s0;
	s0 =	simm.s32 @!p1 $0x0  }
0x14: {  	s2 =	sld [smem:$0x3F98];
	s0 =	simm.s32 @p1 $0x1  }
0x15: {  	[smem:$0x3FB5] =	sst s0;
	s0 =	simm.s32 @!p2 $0x0  }
0x16: {  	s3 =	sld [smem:$0x3FDB];
	s0 =	simm.s32 @p2 $0x1  }
0x17: {  	s4 =	simm.s32 $0x1BF5;
	[smem:$0x3FB7] =	sst s0  }
0x18: {  	s0 =	sld [smem:$0x3F9A];
	_ =	swait.ge [sflag:s4], $0x0  }
0x19: {  	s7 =	sld [smem:$0x3F9B]  }
0x1a: {  	s8 =	sadd.s32 $0xFFFFE003, lr  }
0x1b: {  	s9 =	sadd.s32 $0xFFFFFEF7, lr;
	s5 =	simm.s32 $0xFFFFFFFF;
	p2 =	slt.u32 s8, $0xFFFFF086  }
0x1c: {  	p1 =	slt.u32 s9, $0xF7A;
	s5 =	simm.s32 @!p2 $0x0  }
0x1d: {  	s5 =	simm.s32 @p1 $0x1;
	p0 =	seq.s32 s7, s2  }
0x1e: {  	s7 =	smul.u32 @!p0 $0xF7A, s2;
	p2 =	seq.s32 @!p0 s5, $0x0  }
0x1f: {  	s9 =	smul.u32 $0xF7A, s1;
	s8 =	simm.s32 @!p0 $0x1BF5;
	p2 =	por !p2, p0  }
0x20: {  	[sflag:s8] =	ssyncset.s32 @!p0 $0xFFFFF086;
	s6 =	sadd.s32 @!p0 s3, s7;
	s7 =	simm.s32 @!p0 $0x108  }
0x21: {  	s3 =	sadd.s32 s3, s9;
	s6 =	sadd.s32 @!p0 $0x88, s6;
	s7 =	simm.s32 @p2 $0x1082  }
0x22: {  	[simem:s7], [sflag:s8] =	dma.local @!p0 [hbm:s6], $0xF7A  }
0x23: {  	s9 =	sor.u32 $0xD0000000, s2;
	s6 =	simm.s32 $0x108;
	_ =	swait.ge @!p0 [sflag:s8], $0x0  }
0x24: {  	s3 =	sadd.s32 $0x88, s3;
	s6 =	simm.s32 @!p1 $0x1082;
	[sflag:s4] =	ssyncset.s32 $0xFFFFF086  }
0x25: {  	[simem:s6], [sflag:s4] =	dma.local [hbm:s3], $0xF7A  }
0x26: {  	[smem:$0x3F9B] =	sst s1;
	(tag) =	ssettag s2;
	_ =	strace s9  }
0x27: {  	s1 =	sld [smem:$0x3FAB]  }
0x28: {  	s2 =	sld [smem:$0x3FAC]  }
0x29: {  	s4 =	sld [smem:$0x3FAE]  }
0x2a: {  	p0 =	seq.s32 s5, $0x0;
	s5 =	sld [smem:$0x3FAF]  }
0x2b: {  	s6 =	sld [smem:$0x3FB0]  }
0x2c: {  	s7 =	sld [smem:$0x3FB1]  }
0x2d: {  	s3 =	simm.s32 $0x108;
	s8 =	sld [smem:$0x3FB2]  }
0x2e: {  	s3 =	simm.s32 @!p0 $0x1082;
	s9 =	sld [smem:$0x3FB3]  }
0x2f: {  	lr =	sadd.s32 s0, s3;
	s0 =	sld [smem:$0x3FAA]  }
0x30: {  	s3 =	sld [smem:$0x3FAD]  }
0x31: {  	[smem:$0x3FB6] =	sst s10  }
0x32: {  	s10 =	sld [smem:$0x3FB4];
	_ =	sdelay $0x3  }
0x33: {  	p0 =	seq.s32 s10, $0x1;
	s10 =	sld [smem:$0x3FB6];
	_ =	sdelay $0x3  }
0x34: {  	[smem:$0x3FB6] =	sst s10  }
0x35: {  	s10 =	sld [smem:$0x3FB5];
	_ =	sdelay $0x3  }
0x36: {  	p1 =	seq.s32 s10, $0x1;
	s10 =	sld [smem:$0x3FB6];
	_ =	sdelay $0x3  }
0x37: {  	[smem:$0x3FB6] =	sst s10  }
0x38: {  	s10 =	sld [smem:$0x3FB7]  }
0x39: {  	_ = 	snop;
	(pc) =	sbr.ind lr, $3  }
0x3a: {  	_ = 	snop  }
0x3b: {  	_ = 	snop  }
0x3c: {  	p2 =	seq.s32 s10, $0x1;
	s10 =	sld [smem:$0x3FB6]  }
0x3d: {  	_ =	shalt  }
0x3e: {  	_ =	shalt  }
0x3f: {  	_ =	shalt  }
0x40: {  	_ =	shalt  }
0x41: {  	_ =	shalt  }
0x42: {  	_ =	shalt  }
0x43: {  	_ =	shalt  }
0x44: {  	_ =	shalt  }
0x45: {  	_ =	shalt  }
0x46: {  	_ =	shalt  }
0x47: {  	_ =	shalt  }
0x48: {  	_ =	shalt  }
0x49: {  	_ =	shalt  }
0x4a: {  	_ =	shalt  }
0x4b: {  	_ =	shalt  }
0x4c: {  	_ =	shalt  }
0x4d: {  	_ =	shalt  }
0x4e: {  	_ =	shalt  }
0x4f: {  	_ =	shalt  }
0x50: {  	_ =	shalt  }
0x51: {  	_ =	shalt  }
0x52: {  	_ =	shalt  }
0x53: {  	_ =	shalt  }
0x54: {  	_ =	shalt  }
0x55: {  	_ =	shalt  }
0x56: {  	_ =	shalt  }
0x57: {  	_ =	shalt  }
0x58: {  	_ =	shalt  }
0x59: {  	_ =	shalt  }
0x5a: {  	_ =	shalt  }
0x5b: {  	_ =	shalt  }
0x5c: {  	_ =	shalt  }
0x5d: {  	_ =	shalt  }
0x5e: {  	_ =	shalt  }
0x5f: {  	_ =	shalt  }
0x60: {  	_ =	shalt  }
0x61: {  	_ =	shalt  }
0x62: {  	_ =	shalt  }
0x63: {  	_ =	shalt  }
0x64: {  	_ =	shalt  }
0x65: {  	_ =	shalt  }
0x66: {  	_ =	shalt  }
0x67: {  	_ =	shalt  }
0x68: {  	_ =	shalt  }
0x69: {  	_ =	shalt  }
0x6a: {  	_ =	shalt  }
0x6b: {  	_ =	shalt  }
0x6c: {  	_ =	shalt  }
0x6d: {  	_ =	shalt  }
0x6e: {  	_ =	shalt  }
0x6f: {  	_ =	shalt  }
0x70: {  	_ =	shalt  }
0x71: {  	_ =	shalt  }
0x72: {  	_ =	shalt  }
0x73: {  	_ =	shalt  }
0x74: {  	_ =	shalt  }
0x75: {  	_ =	shalt  }
0x76: {  	_ =	shalt  }
0x77: {  	_ =	shalt  }
0x78: {  	_ =	shalt  }
0x79: {  	_ =	shalt  }
0x7a: {  	_ =	shalt  }
0x7b: {  	_ =	shalt  }
0x7c: {  	_ =	shalt  }
0x7d: {  	_ =	shalt  }
0x7e: {  	_ =	shalt  }
0x7f: {  	_ =	shalt  }
0x80: {  	_ =	shalt  }
0x81: {  	_ =	shalt  }
0x82: {  	_ =	shalt  }
0x83: {  	_ =	shalt  }
0x84: {  	_ =	shalt  }
0x85: {  	_ =	shalt  }
0x86: {  	_ =	shalt  }
0x87: {  	_ =	shalt  }
.Lfunc_end0:
.L_simem_size_0:
called_computation_lowered:
.L_overlay_start_0:
0x88: {  	s2 =	sld [smem:$0x3FD9]  }
0x89: {  	s3 =	sld [smem:$0x3FFE];
	_ =	sdelay $0x1  }
0x8a: {  	s1 =	srdreg.scid  }
0x8b: {  	s0 =	sand.u32 $0x1, s1  }
0x8c: {  	s17 =	sshll.u32 s0, $0xA;
	s2 =	sadd.s32 s3, s2  }
0x8d: {  	s2 =	sadd.s32 s2, s17  }
0x8e: {  	[smem:$0x3FC2] =	sst s2  }
0x8f: {  	_ = 	snop  }
0x90: {  	s2 =	sld [smem:$0x3FD0];
	(tm) =	ssettm $0x1  }
0x91: {  	s18 =	sld [smem:$0x3FFB];
	_ =	sdelay $0x3  }
0x92: {  	_ =	strace s18  }
0x93: {  	s3 =	sld [smem:$0x3FFC];
	_ =	sdelay $0x3  }
0x94: {  	_ =	strace s3  }
0x95: {  	s3 =	sld [smem:$0x3FFD];
	_ =	sdelay $0x3  }
0x96: {  	_ =	strace s3  }
0x97: {  	_ =	strace $0x8FFFFFFF  }
0x98: {  	s19 =	sld [smem:$0x3FDB];
	_ =	sdelay $0x1  }
0x99: {  	s4 =	simm.s32 $_scs_section_size  }
0x9a: {  	s5 =	simm.s32 $_size__tile_overlayer_lowered;
	s6 =	simm.s32 $_tile_overlayer_lowered  }
0x9b: {  	s22 =	simm.s32 $0x1BFF;
	s21 =	sshll.u32 s6, $0x1;
	s3 =	sadd.s32 s4, s19  }
0x9c: {  	s7 =	simm.s32 $0x0;
	s20 =	sshll.u32 s5, $0x1;
	s5 =	sadd.s32 s21, s3  }
0x9d: {  	[timem:s7], [sflag:s22] =	dma.local [hbm:s5], s20  }
0x9e: {  	_ =	swait.ge [sflag:s22], s20  }
0x9f: {  	s4 =	ssub.s32 $0x0, s20;
	[sflag:s22] =	ssyncset.done $0x0  }
0xa0: {  	[sflag:s22] =	ssyncadd.s32 s4;
	_ =	sdelay $0x1  }
0xa1: {  	s23 =	simm.s32 $0x1B8B  }
0xa2: {  	_ =	swait.ge [sflag:s23], $0x1  }
0xa3: {  	[sflag:s23] =	ssyncset.done $0x0  }
0xa4: {  	s25 =	simm.s32 $0x1B8E;
	s24 =	sld [smem:$0x3FFE];
	[sflag:s23] =	ssyncadd.s32 $0xFFFFFFFF  }
0xa5: {  	s26 =	simm.s32 $execute0_lowered;
	[smem:$0x3FD2] =	sst s25  }
0xa6: {  	s5 =	sshll.u32 s26, $0x1;
	_ =	strace $0x80000046;
	[dreg:$0x1] =	wrdreg $0xFFFFFFFF  }
0xa7: {  	s28 =	simm.s32 $_size_execute0_lowered;
	s3 =	sadd.s32 s3, s5;
	[dreg:$0x0] =	wrdreg $0x0  }
0xa8: {  	s5 =	sshll.u32 s28, $0x1;
	[dreg:$0x2] =	wrdreg s3  }
0xa9: {  	[dreg:$0x3] =	wrdreg s5  }
0xaa: {  	[dreg:$0x4] =	wrdreg $0xC0  }
0xab: {  	_ =	task [dreg:s7], $0x5FFFF  }
0xac: {  	[dreg:$0x1] =	wrdreg $0xFFFFFFFF  }
0xad: {  	[dreg:$0x0] =	wrdreg $0x60  }
0xae: {  	[dreg:$0x2] =	wrdreg s24  }
0xaf: {  	[dreg:$0x3] =	wrdreg s2  }
0xb0: {  	[dreg:$0x4] =	wrdreg $0x2B000  }
0xb1: {  	[dreg:$0x5] =	wrdreg $0x9  }
0xb2: {  	_ =	task.clear_ibuf [dreg:s7], $0x6FFFF;
	_ =	strace $0x90000046  }
0xb3: {  	s29 =	simm.s32 $0x9;
	_ =	strace $0x80000048  }
0xb4: {  	_ =	swait.ge [sflag:s29], $0x1  }
0xb5: {  	[sflag:s29] =	ssyncadd.s32 $0xFFFFFFFF  }
0xb6: {  	_ =	strace $0x90000048  }
0xb7: {  	_ =	sfence  }
0xb8: {  	s30 =	sld [smem:$0x0];
	_ =	sdelay $0x2  }
0xb9: {  	s31 =	sshll.u32 s1, $0xD;
	s1 =	sshrl.u32 s1, $0x2  }
0xba: {  	s3 =	sand.u32 $0x4000, s31;
	s1 =	sadd.s32 s1, s30  }
0xbb: {  	s0 =	sor.u32 s3, s0;
	s1 =	sshll.u32 s1, $0x11  }
0xbc: {  	s0 =	sor.u32 s1, s0  }
0xbd: {  	s0 =	sadd.s32 $0x8F2B, s0  }
0xbe: {  	[sflag:s0] =	ssyncadd.remote.s32 $0x1  }
0xbf: {  	_ =	sfence.sel $0xFFFF  }
0xc0: {  	[dreg:$0x0] =	wrdreg $0xFFFFFFFF;
	(pc) =	sbr.abs _section_cstart, $3  }
0xc1: {  	[dreg:$0x1] =	wrdreg $0xFFFFFFFF  }
0xc2: {  	_ =	task.clear_ibuf [dreg:s7], $0x2FFFF;
	_ =	strace $0x9FFFFFFF  }
0xc3: {  	(tm) =	ssettm $0x7FFFFFFF  }
tec
execute0_lowered:
.L_overlay_start_1:
0x0: {  	(tag) =	ssettag $0x1  }
0x1: {  	s4 =	rddreg [dreg:$0x0]  }
0x2: {  	s6 =	rddreg [dreg:$0x1]  }
0x3: {  	s2 =	rddreg [dreg:$0x2]  }
0x4: {  	s0 =	rddreg [dreg:$0x3]  }
0x5: {  	s3 =	srdreg.scid;
	s1 =	stileid.u32  }
0x6: {  	s11 =	simm.s32 $0x2800;
	s12 =	simm.s32 $0x0;
	s5 =	sand.u32 $0x1, s3  }
0x7: {  	s7 =	sshll.u32 s1, $0x1;
	s8 =	smul.u32 $0x280, s1;
	s3 =	simm.s32 $0x0  }
0x8: {  	s7 =	sor.u32 s5, s7;
	s9 =	smul.u32 $0x2800, s5;
	s5 =	ssub.s32 $0x2, s5  }
0x9: {  	[smem:$0x7FF] =	sst s3;
	s7 =	smul.u32 $0x500, s7;
	s10 =	sshrl.u32 s5, $0x1  }
0xa: {  	_ =	strace $0x80000047;
	s9 =	sadd.s32 s8, s9;
	s31 =	ssub.s32 s5, s10  }
0xb: {  	s5 =	sadd.s32 s8, s2;
	s8 =	simm.s32 $0x1;
	s10 =	simm.s32 $0x50  }
0xc: {  	s4 =	sadd.s32 s7, s4;
	s9 =	sshrl.u32 s9, $0x3;
	s7 =	smax.u32 s31, $0x1  }
0xd: {  	v0 =	vimm.f32 $1.000000000e+00;
	v1 =	vimm.f32 $0.0e+00;
	s4 =	sadd.s32 $0x3200, s4;
	s6 =	sadd.s32 s6, s9;
	s9 =	simm.s32 $0x2880  }
.LBB2_1:
0xe: {  	[tilespmem:s3], [sflag:$0x1] =	stream.linear.gather [hbm4b:s4+s3], $0x2800, $0x38;
	[tilespmem:$0x2D80] =	vst v63  }
0xf: {  	_ =	swait.ge [sflag:s8], $0x2800  }
0x10: {  	[sflag:s8] =	ssyncset.done $0x0  }
0x11: {  	[sflag:s8] =	ssyncadd.s32 $0xFFFFD800  }
0x12: {  	[tilespmem:$0x2800] =	vst v0  }
0x13: {  	[tilespmem:$0x2810] =	vst v0  }
0x14: {  	[tilespmem:$0x2820] =	vst v0  }
0x15: {  	[tilespmem:$0x2830] =	vst v0  }
0x16: {  	[tilespmem:$0x2840] =	vst v0  }
0x17: {  	[tilespmem:$0x2880] =	vst v1  }
0x18: {  	[tilespmem:$0x2890] =	vst v1  }
0x19: {  	[tilespmem:$0x28A0] =	vst v1  }
0x1a: {  	[tilespmem:$0x28B0] =	vst v1  }
0x1b: {  	[tilespmem:$0x28C0] =	vst v1  }
0x1c: {  	[tilespmem:$0x28D0] =	vst v1  }
0x1d: {  	[tilespmem:$0x28E0] =	vst v1  }
0x1e: {  	[tilespmem:$0x28F0] =	vst v1  }
0x1f: {  	[tilespmem:$0x2900] =	vst v1  }
0x20: {  	[tilespmem:$0x2910] =	vst v1  }
0x21: {  	[tilespmem:$0x2920] =	vst v1  }
0x22: {  	[tilespmem:$0x2930] =	vst v1  }
0x23: {  	[tilespmem:$0x2940] =	vst v1  }
0x24: {  	[tilespmem:$0x2950] =	vst v1  }
0x25: {  	[tilespmem:$0x2960] =	vst v1  }
0x26: {  	[tilespmem:$0x2970] =	vst v1  }
0x27: {  	[tilespmem:$0x2980] =	vst v1  }
0x28: {  	[tilespmem:$0x2990] =	vst v1  }
0x29: {  	[tilespmem:$0x29A0] =	vst v1  }
0x2a: {  	[tilespmem:$0x29B0] =	vst v1  }
0x2b: {  	[tilespmem:$0x29C0] =	vst v1  }
0x2c: {  	[tilespmem:$0x29D0] =	vst v1  }
0x2d: {  	[tilespmem:$0x29E0] =	vst v1  }
0x2e: {  	[tilespmem:$0x29F0] =	vst v1  }
0x2f: {  	[tilespmem:$0x2A00] =	vst v1  }
0x30: {  	[tilespmem:$0x2A10] =	vst v1  }
0x31: {  	[tilespmem:$0x2A20] =	vst v1  }
0x32: {  	[tilespmem:$0x2A30] =	vst v1  }
0x33: {  	[tilespmem:$0x2A40] =	vst v1  }
0x34: {  	[tilespmem:$0x2A50] =	vst v1  }
0x35: {  	[tilespmem:$0x2A60] =	vst v1  }
0x36: {  	[tilespmem:$0x2A70] =	vst v1  }
0x37: {  	[tilespmem:$0x2A80] =	vst v1  }
0x38: {  	[tilespmem:$0x2A90] =	vst v1  }
0x39: {  	[tilespmem:$0x2AA0] =	vst v1  }
0x3a: {  	[tilespmem:$0x2AB0] =	vst v1  }
0x3b: {  	[tilespmem:$0x2AC0] =	vst v1  }
0x3c: {  	[tilespmem:$0x2AD0] =	vst v1  }
0x3d: {  	[tilespmem:$0x2AE0] =	vst v1  }
0x3e: {  	[tilespmem:$0x2AF0] =	vst v1  }
0x3f: {  	[spmem:s5] =	stream.linear.scatter [tilespmem:s9], [sflag:$0x1], $0x280, $0x38;
	[tilespmem:$0x2D80] =	vst v63  }
0x40: {  	_ =	swait.ge [sflag:s8], $0x280  }
0x41: {  	[sflag:s8] =	ssyncset.done $0x0  }
0x42: {  	[sflag:s8] =	ssyncadd.s32 $0xFFFFFD80  }
0x43: {  	s13 =	simm.s32 $0x0;
	[bflag:$0x0] =	sbarrier.arrive $0xFFFF  }
0x44: {  	[spmem:s2] =	stream.indirect.scatter.add.f32 [tilespmem:s11], [sflag:$0x1], $0x1, s13, s10, $0xb8;
	[tilespmem:$0x2D80] =	vst v63  }
0x45: {  	_ =	swait.ge [sflag:s8], $0x50  }
0x46: {  	s13 =	simm.s32 $0x140;
	[sflag:s8] =	ssyncset.done $0x0  }
.LBB2_2:
0x47: {  	s14 =	sshra.s32 s13, $0x2;
	[sflag:s8] =	ssyncadd.s32 $0xFFFFFFB0;
	p0 =	sne.s32 s13, $0x9EC0  }
0x48: {  	[spmem:s2] =	stream.indirect.scatter.add.f32 [tilespmem:s11], [sflag:$0x1], $0x1, s14, s10, $0xb8;
	[tilespmem:$0x2D80] =	vst v63  }
.Ltmp0:
0x49: {  	_ = 	snop;
	(pc) =	sbr.rel @p0 .LBB2_2-.Ltmp0, $4  }
0x4a: {  	_ = 	snop  }
0x4b: {  	s13 =	sadd.s32 $0x140, s13  }
0x4c: {  	_ =	swait.ge [sflag:s8], $0x50  }
0x4d: {  	[sflag:s8] =	ssyncset.done $0x0  }
0x4e: {  	[sflag:s8] =	ssyncadd.s32 $0xFFFFFFB0  }
0x4f: {  	[bflag:$0x0] =	sbarrier.arrive $0xFFFF  }
0x50: {  	[tilespmem:s9], [sflag:$0x1] =	stream.linear.gather [spmem:s5], $0x280, $0x38;
	[tilespmem:$0x2D80] =	vst v63  }
0x51: {  	s12 =	sadd.s32 $0x1, s12;
	_ =	swait.ge [sflag:s8], $0x280  }
0x52: {  	p0 =	sne.s32 s12, s7;
	[sflag:s8] =	ssyncset.done $0x0  }
.Ltmp1:
0x53: {  	[sflag:s8] =	ssyncadd.s32 $0xFFFFFD80;
	(pc) =	sbr.rel @p0 .LBB2_1-.Ltmp1, $4  }
0x54: {  	[hbm4b:s6+s3] =	stream.linear.scatter [tilespmem:s9], [sflag:$0x1], $0x280, $0x38;
	[tilespmem:$0x2D80] =	vst v63  }
0x55: {  	_ =	swait.ge [sflag:s8], $0x280  }
0x56: {  	[sflag:s8] =	ssyncset.done $0x0  }
0x57: {  	[sflag:s8] =	ssyncadd.s32 $0xFFFFFD80  }
0x58: {  	_ =	sfence.sel $0x180000  }
0x59: {  	[bflag:$0x0] =	sbarrier.arrive $0xFFFF  }
0x5a: {  	p0 =	sne.s32 s1, $0x0;
	_ =	strace $0x90000047  }
0x5b: {  	s0 =	sadd.s32 @!p0 $0x100000, s0;
	[bflag:$0x2] =	sbarrier.arrive $0xFFFF  }
0x5c: {  	[sflag:s0] =	ssyncadd.tile.s32 @!p0 $0x1;
	_ =	shalt  }
.Lfunc_end2:
_tile_overlayer_lowered:
.L_overlay_start_2:
0x5d: {  	(tag) =	ssettag $0x2  }
0x5e: {  	s0 =	rddreg [dreg:$0x0];
	s2 =	stileid.u32  }
0x5f: {  	s1 =	rddreg [dreg:$0x1];
	p0 =	sne.s32 s2, $0x0  }
0x60: {  	s3 =	rddreg [dreg:$0x2];
	[bflag:$0x3] =	sbarrier.arrive $0xFFFF;
	s2 =	simm.s32 @!p0 $0x1C01  }
0x61: {  	[timem:s3], [sflag:s2] =	dma.local @!p0 [hbm:s0], s1  }
0x62: {  	s0 =	simm.s32 @!p0 $0x1  }
0x63: {  	_ =	swait.ge @!p0 [sflag:s0], s1  }
0x64: {  	s1 =	ssub.s32 @!p0 $0x0, s1;
	[sflag:s0] =	ssyncset.done @!p0 $0x0  }
0x65: {  	[sflag:s0] =	ssyncadd.s32 @!p0 s1  }
0x66: {  	[bflag:$0x3] =	sbarrier.arrive $0xFFFF  }
0x67: {  	_ =	shalt  }

</sc_bundles>
